<compile_context>
chip_gen: v7x
topology: tpu7x:2x2x1
jax: 0.10.2.dev20260603
libtpu: 0.0.44.dev20260713+nightly
codegen_flags: <defaults>
</compile_context>

<pallas_src>
import jax
import jax.numpy as jnp
from jax import lax
from jax.experimental import pallas as pl
from jax.experimental.pallas import tpu as pltpu
from jax.experimental.pallas import tpu_sc as plsc

N = 10000
E = 320000
NC, NS = 2, 16
NW = NC * NS
EW = E // NW
CH = 80
NCH = EW // CH
RPT = 624
TAIL = N - NS * RPT
NBUF = 10
BM = 2000
GRID = N // BM

def _mesh():
  return plsc.VectorSubcoreMesh(
      core_axis_name="c", subcore_axis_name="s", num_cores=NC, num_subcores=NS)


def _seg0(p0, src3, dst3, zer64, zer16, ones16):

  def body(tab, srcr, dstr, z64, z16, onesh, outa, outc,
           idxs, idxd, r0b, r1b, r2b, r3b, r4b, r5b, r6b, r7b, r8b, r9b,
           onesv, acc, cnt,
           s0m, s1m, s2m, s3m, s4m, s5m, s6m, s7m, s8m, s9m):
    c = lax.axis_index("c")
    s = lax.axis_index("s")
    wid = c * NS + s
    r0 = pl.multiple_of(s * RPT, 8)
    rows = [r0b, r1b, r2b, r3b, r4b, r5b, r6b, r7b, r8b, r9b]
    sems = [s0m, s1m, s2m, s3m, s4m, s5m, s6m, s7m, s8m, s9m]
    pltpu.sync_copy(srcr.at[wid], idxs)
    pltpu.sync_copy(dstr.at[wid], idxd)
    for b in range(NBUF):
      pltpu.async_copy(tab.at[idxs.at[b]], rows[b], sems[b])
    pltpu.sync_copy(onesh, onesv)
    pltpu.sync_copy(z64.at[pl.ds(r0, RPT)], acc.at[pl.ds(r0, RPT)])
    pltpu.sync_copy(z16.at[pl.ds(r0, RPT)], cnt.at[pl.ds(r0, RPT)])

    @pl.when(s == NS - 1)
    def _():
      pltpu.sync_copy(z64.at[pl.ds(NS * RPT, TAIL)], acc.at[pl.ds(NS * RPT, TAIL)])
      pltpu.sync_copy(z16.at[pl.ds(NS * RPT, TAIL)], cnt.at[pl.ds(NS * RPT, TAIL)])

    plsc.subcore_barrier()

    def step(j, carry):
      base = j * NBUF
      for b in range(NBUF):
        i = base + b

        @pl.when(i < NCH)
        def _(i=i, b=b):
          pltpu.make_async_copy(tab.at[pl.ds(0, CH)], rows[b], sems[b]).wait()
          pltpu.sync_copy(rows[b], acc.at[idxd.at[i]], add=True)
          pltpu.sync_copy(onesv, cnt.at[idxd.at[i]], add=True)

          @pl.when(i + NBUF < NCH)
          def _():
            pltpu.async_copy(tab.at[idxs.at[i + NBUF]], rows[b], sems[b])

      return carry

    lax.fori_loop(0, (NCH + NBUF - 1) // NBUF, step, 0)
    plsc.subcore_barrier()
    pltpu.sync_copy(acc.at[pl.ds(r0, RPT)], outa.at[c, pl.ds(r0, RPT)])
    pltpu.sync_copy(cnt.at[pl.ds(r0, RPT)], outc.at[c, pl.ds(r0, RPT)])

    @pl.when(s == NS - 1)
    def _():
      pltpu.sync_copy(acc.at[pl.ds(NS * RPT, TAIL)],
                      outa.at[c, pl.ds(NS * RPT, TAIL)])
      pltpu.sync_copy(cnt.at[pl.ds(NS * RPT, TAIL)],
                      outc.at[c, pl.ds(NS * RPT, TAIL)])

  f = pl.kernel(
      body,
      out_type=[jax.ShapeDtypeStruct((NC, N, 64), jnp.float32),
                jax.ShapeDtypeStruct((NC, N, 16), jnp.float32)],
      mesh=_mesh(),
      compiler_params=pltpu.CompilerParams(use_tc_tiling_on_sc=False),
      scratch_types=[
          pltpu.VMEM((NCH, CH), jnp.int32),
          pltpu.VMEM((NCH, CH), jnp.int32),
      ] + [pltpu.VMEM((CH, 64), jnp.float32)] * NBUF + [
          pltpu.VMEM((CH, 16), jnp.float32),
          pltpu.VMEM_SHARED((N, 64), jnp.float32),
          pltpu.VMEM_SHARED((N, 16), jnp.float32),
      ] + [pltpu.SemaphoreType.DMA] * NBUF,
  )
  return f(p0, src3, dst3, zer64, zer16, ones16)


def _seg1(h, src3, dst3, zer32):

  def body(tab, srcr, dstr, z32, outa, idxs, idxd,
           r0b, r1b, r2b, r3b, r4b, r5b, r6b, r7b, r8b, r9b, acc,
           s0m, s1m, s2m, s3m, s4m, s5m, s6m, s7m, s8m, s9m):
    c = lax.axis_index("c")
    s = lax.axis_index("s")
    wid = c * NS + s
    r0 = pl.multiple_of(s * RPT, 8)
    rows = [r0b, r1b, r2b, r3b, r4b, r5b, r6b, r7b, r8b, r9b]
    sems = [s0m, s1m, s2m, s3m, s4m, s5m, s6m, s7m, s8m, s9m]
    pltpu.sync_copy(srcr.at[wid], idxs)
    pltpu.sync_copy(dstr.at[wid], idxd)
    for b in range(NBUF):
      pltpu.async_copy(tab.at[idxs.at[b]], rows[b], sems[b])
    pltpu.sync_copy(z32.at[pl.ds(r0, RPT)], acc.at[pl.ds(r0, RPT)])

    @pl.when(s == NS - 1)
    def _():
      pltpu.sync_copy(z32.at[pl.ds(NS * RPT, TAIL)], acc.at[pl.ds(NS * RPT, TAIL)])

    plsc.subcore_barrier()

    def step(j, carry):
      base = j * NBUF
      for b in range(NBUF):
        i = base + b

        @pl.when(i < NCH)
        def _(i=i, b=b):
          pltpu.make_async_copy(tab.at[pl.ds(0, CH)], rows[b], sems[b]).wait()
          pltpu.sync_copy(rows[b], acc.at[idxd.at[i]], add=True)

          @pl.when(i + NBUF < NCH)
          def _():
            pltpu.async_copy(tab.at[idxs.at[i + NBUF]], rows[b], sems[b])

      return carry

    lax.fori_loop(0, (NCH + NBUF - 1) // NBUF, step, 0)
    plsc.subcore_barrier()
    pltpu.sync_copy(acc.at[pl.ds(r0, RPT)], outa.at[c, pl.ds(r0, RPT)])

    @pl.when(s == NS - 1)
    def _():
      pltpu.sync_copy(acc.at[pl.ds(NS * RPT, TAIL)],
                      outa.at[c, pl.ds(NS * RPT, TAIL)])

  f = pl.kernel(
      body,
      out_type=jax.ShapeDtypeStruct((NC, N, 32), jnp.float32),
      mesh=_mesh(),
      compiler_params=pltpu.CompilerParams(use_tc_tiling_on_sc=False),
      scratch_types=[
          pltpu.VMEM((NCH, CH), jnp.int32),
          pltpu.VMEM((NCH, CH), jnp.int32),
      ] + [pltpu.VMEM((CH, 32), jnp.float32)] * NBUF + [
          pltpu.VMEM_SHARED((N, 32), jnp.float32),
      ] + [pltpu.SemaphoreType.DMA] * NBUF,
  )
  return f(h, src3, dst3, zer32)


def _tc0a(x, Wa):
  def body(x_ref, wa_ref, p_ref):
    p_ref[...] = jnp.dot(x_ref[...], wa_ref[...],
                         preferred_element_type=jnp.float32)

  return pl.pallas_call(
      body,
      grid=(GRID,),
      in_specs=[
          pl.BlockSpec((BM, 128), lambda i: (i, 0)),
          pl.BlockSpec((128, 64), lambda i: (0, 0)),
      ],
      out_specs=pl.BlockSpec((BM, 64), lambda i: (i, 0)),
      out_shape=jax.ShapeDtypeStruct((N, 64), jnp.float32),
  )(x, Wa)


def _tc0b(x, Wb, bb):
  def body(x_ref, wb_ref, bb_ref, sb_ref):
    sb_ref[...] = jnp.dot(x_ref[...], wb_ref[...],
                          preferred_element_type=jnp.float32) + bb_ref[...]

  return pl.pallas_call(
      body,
      grid=(GRID,),
      in_specs=[
          pl.BlockSpec((BM, 128), lambda i: (i, 0)),
          pl.BlockSpec((128, 64), lambda i: (0, 0)),
          pl.BlockSpec((1, 64), lambda i: (0, 0)),
      ],
      out_specs=pl.BlockSpec((BM, 64), lambda i: (i, 0)),
      out_shape=jax.ShapeDtypeStruct((N, 64), jnp.float32),
  )(x, Wb, bb)


def _tc1(s0a, s0c, p0, sb0, bfr, bbe):
  def body(sa_ref, sc_ref, p_ref, sb_ref, bfr_ref, bbe_ref, h_ref):
    sa = sa_ref[...]
    ssum = sa[0] + sa[1] + p_ref[...]
    scv = sc_ref[...]
    cnt = scv[0, :, 0:1] + scv[1, :, 0:1] + 1.0
    mean = ssum / cnt
    fr = mean[:, :32] + bfr_ref[...]
    be = mean[:, 32:] + bbe_ref[...]
    sb = sb_ref[...]
    bal = jax.nn.sigmoid(sb[:, 32:33])
    g = jnp.maximum(fr * bal + be * (1.0 - bal), 0.0)
    h_ref[...] = jnp.maximum(sb[:, :32] + g, 0.0)

  return pl.pallas_call(
      body,
      grid=(GRID,),
      in_specs=[
          pl.BlockSpec((NC, BM, 64), lambda i: (0, i, 0)),
          pl.BlockSpec((NC, BM, 16), lambda i: (0, i, 0)),
          pl.BlockSpec((BM, 64), lambda i: (i, 0)),
          pl.BlockSpec((BM, 64), lambda i: (i, 0)),
          pl.BlockSpec((1, 32), lambda i: (0, 0)),
          pl.BlockSpec((1, 32), lambda i: (0, 0)),
      ],
      out_specs=pl.BlockSpec((BM, 32), lambda i: (i, 0)),
      out_shape=jax.ShapeDtypeStruct((N, 32), jnp.float32),
  )(s0a, s0c, p0, sb0, bfr, bbe)


def _tc2(s1a, s0c, h32, wc1, bc1, wd1, bd1):
  def body(sa_ref, sc_ref, h_ref, wc_ref, bc_ref, wd_ref, bd_ref, out_ref):
    h = h_ref[...]
    scv = sc_ref[...]
    cnt = scv[0, :, 0:1] + scv[1, :, 0:1] + 1.0
    hy = jnp.dot(h, wc_ref[...], preferred_element_type=jnp.float32) + bc_ref[...]
    bal1 = jax.nn.sigmoid(hy[:, 64:65])
    sa = sa_ref[...]
    s1 = sa[0] + sa[1] + h
    mean1 = s1 / cnt
    mm = jnp.dot(mean1, wd_ref[...],
                 preferred_element_type=jnp.float32) + bd_ref[...]
    fr1 = mm[:, :64]
    be1 = mm[:, 64:]
    out_ref[...] = hy[:, :64] + jnp.maximum(
        fr1 * bal1 + be1 * (1.0 - bal1), 0.0)

  return pl.pallas_call(
      body,
      grid=(GRID,),
      in_specs=[
          pl.BlockSpec((NC, BM, 32), lambda i: (0, i, 0)),
          pl.BlockSpec((NC, BM, 16), lambda i: (0, i, 0)),
          pl.BlockSpec((BM, 32), lambda i: (i, 0)),
          pl.BlockSpec((32, 128), lambda i: (0, 0)),
          pl.BlockSpec((1, 128), lambda i: (0, 0)),
          pl.BlockSpec((32, 128), lambda i: (0, 0)),
          pl.BlockSpec((1, 128), lambda i: (0, 0)),
      ],
      out_specs=pl.BlockSpec((BM, 64), lambda i: (i, 0)),
      out_shape=jax.ShapeDtypeStruct((N, 64), jnp.float32),
  )(s1a, s0c, h32, wc1, bc1, wd1, bd1)


def kernel(x, edge_index, W1, b1, Wbe0, bbe0, Wfr0, bfr0, Wbal0, bbal0,
           Wself0, bself0, Wbe1, bbe1, Wfr1, bfr1, Wbal1, bbal1,
           Wself1, bself1):
  f32 = jnp.float32
  src3 = edge_index[0].reshape(NW, NCH, CH)
  dst3 = edge_index[1].reshape(NW, NCH, CH)

  Wa0 = jnp.concatenate([Wfr0, Wbe0], axis=1)
  Wb0 = jnp.concatenate([Wself0, Wbal0, jnp.zeros((128, 31), f32)], axis=1)
  bb0 = jnp.concatenate([bself0, bbal0, jnp.zeros((31,), f32)]).reshape(1, 64)
  p0 = _tc0a(x, Wa0)

  zer64 = jnp.zeros((N, 64), f32)
  zer32 = jnp.zeros((N, 32), f32)
  zer16 = jnp.zeros((N, 16), f32)
  ones16 = jnp.ones((CH, 16), f32)
  s0a, s0c = _seg0(p0, src3, dst3, zer64, zer16, ones16)
  sb0 = _tc0b(x, Wb0, bb0)

  h32 = _tc1(s0a, s0c, p0, sb0, bfr0.reshape(1, 32), bbe0.reshape(1, 32))

  s1a = _seg1(h32, src3, dst3, zer32)

  wc1 = jnp.concatenate([Wself1, Wbal1, jnp.zeros((32, 63), f32)], axis=1)
  bc1 = jnp.concatenate([bself1, bbal1, jnp.zeros((63,), f32)]).reshape(1, 128)
  wd1 = jnp.concatenate([Wfr1, Wbe1], axis=1)
  bd1 = jnp.concatenate([bfr1, bbe1]).reshape(1, 128)
  out = _tc2(s1a, s0c, h32, wc1, bc1, wd1, bd1)
  return (h32, out)

# --- scband reference (transcript-rebuilt; emitter-appended) ---
"""Pipeline reference for scband-lasage-s-89601607729377 (READ-ONLY COPY).

The authoritative reference and input builder live on the scoring server;
editing this copy changes nothing except your own understanding.
"""

import jax, jax.numpy as jnp
import numpy as np

N = 10000
E = 320000
D_IN = 128
D_HID = 32
D_OUT = 64


def _lin_init(key, fan_in, fan_out):
    w = jax.random.normal(key, (fan_in, fan_out), dtype=jnp.float32) * (1.0 / np.sqrt(fan_in))
    b = jnp.zeros((fan_out,), dtype=jnp.float32)
    return w, b


def setup_inputs(seed: int = 0):
    key = jax.random.key(seed)
    ks = jax.random.split(key, 12)
    x = jax.random.normal(ks[0], (N, D_IN), dtype=jnp.float32)
    edge_index = jax.random.randint(ks[1], (2, E), 0, N, dtype=jnp.int32)
    W1, b1 = _lin_init(ks[2], D_IN, D_OUT)
    Wbe0, bbe0 = _lin_init(ks[3], D_IN, D_HID)
    Wfr0, bfr0 = _lin_init(ks[4], D_IN, D_HID)
    Wbal0, bbal0 = _lin_init(ks[5], D_IN, 1)
    Wself0, bself0 = _lin_init(ks[6], D_IN, D_HID)
    Wbe1, bbe1 = _lin_init(ks[7], D_HID, D_OUT)
    Wfr1, bfr1 = _lin_init(ks[8], D_HID, D_OUT)
    Wbal1, bbal1 = _lin_init(ks[9], D_HID, 1)
    Wself1, bself1 = _lin_init(ks[10], D_HID, D_OUT)
    return {"x": x, "edge_index": edge_index, "W1": W1, "b1": b1,
            "Wbe0": Wbe0, "bbe0": bbe0, "Wfr0": Wfr0, "bfr0": bfr0,
            "Wbal0": Wbal0, "bbal0": bbal0, "Wself0": Wself0, "bself0": bself0,
            "Wbe1": Wbe1, "bbe1": bbe1, "Wfr1": Wfr1, "bfr1": bfr1,
            "Wbal1": Wbal1, "bbal1": bbal1, "Wself1": Wself1, "bself1": bself1}


def _conv(x, src, dst, Wbe, bbe, Wfr, bfr, Wbal, bbal, Wself, bself):
    # LASAGESConv: mean-aggregate messages x_j (with self loops), then gated update.
    n = x.shape[0]
    msgs = jnp.take(x, src, axis=0)
    s = jax.ops.segment_sum(msgs, dst, num_segments=n)
    cnt = jax.ops.segment_sum(jnp.ones((dst.shape[0],), dtype=x.dtype), dst, num_segments=n)
    mean = s / jnp.maximum(cnt, 1.0)[:, None]
    neigh_fr = mean @ Wfr + bfr
    neigh_be = mean @ Wbe + bbe
    balance = jax.nn.sigmoid(x @ Wbal + bbal)
    out = jax.nn.relu(neigh_fr * balance + neigh_be * (1.0 - balance))
    h_self = x @ Wself + bself
    return h_self + out


def reference(x, edge_index, W1, b1, Wbe0, bbe0, Wfr0, bfr0, Wbal0, bbal0, Wself0, bself0, Wbe1, bbe1, Wfr1, bfr1, Wbal1, bbal1, Wself1, bself1):
    n = x.shape[0]
    loop = jnp.arange(n, dtype=edge_index.dtype)
    src = jnp.concatenate([edge_index[0], loop])  # add_self_loops
    dst = jnp.concatenate([edge_index[1], loop])
    initial_x = x @ W1 + b1  # computed in original forward but unused in return
    h = _conv(x, src, dst, Wbe0, bbe0, Wfr0, bfr0, Wbal0, bbal0, Wself0, bself0)
    h = jax.nn.relu(h)
    # dropout is identity in eval mode
    x32 = h  # len(x[0]) == 32 since hidden_channels == 32
    out = _conv(h, src, dst, Wbe1, bbe1, Wfr1, bfr1, Wbal1, bbal1, Wself1, bself1)
    return (x32, out)

if __name__ == "__main__":
    import jax
    _d = setup_inputs()
    print(jax.jit(kernel)(*tuple(_d.values())))

</pallas_src>

<mosaic_0001>
#map = affine_map<(d0, d1) -> (0, 0)>
#map1 = affine_map<(d0, d1) -> (0, 0, 0)>
module attributes {stable_mosaic.version = 14 : i64} {
  func.func @body(%arg0: i32, %arg1: i32, %arg2: memref<10000x64xf32, #tpu.memory_space<hbm>>, %arg3: memref<32x125x80xi32, #tpu.memory_space<hbm>>, %arg4: memref<32x125x80xi32, #tpu.memory_space<hbm>>, %arg5: memref<10000x64xf32, #tpu.memory_space<hbm>>, %arg6: memref<10000x16xf32, #tpu.memory_space<hbm>>, %arg7: memref<80x16xf32, #tpu.memory_space<hbm>>, %arg8: memref<2x10000x64xf32, #tpu.memory_space<hbm>>, %arg9: memref<2x10000x16xf32, #tpu.memory_space<hbm>>, %arg10: memref<125x80xi32, #tpu.memory_space<vmem>>, %arg11: memref<125x80xi32, #tpu.memory_space<vmem>>, %arg12: memref<80x64xf32, #tpu.memory_space<vmem>>, %arg13: memref<80x64xf32, #tpu.memory_space<vmem>>, %arg14: memref<80x64xf32, #tpu.memory_space<vmem>>, %arg15: memref<80x64xf32, #tpu.memory_space<vmem>>, %arg16: memref<80x64xf32, #tpu.memory_space<vmem>>, %arg17: memref<80x64xf32, #tpu.memory_space<vmem>>, %arg18: memref<80x64xf32, #tpu.memory_space<vmem>>, %arg19: memref<80x64xf32, #tpu.memory_space<vmem>>, %arg20: memref<80x64xf32, #tpu.memory_space<vmem>>, %arg21: memref<80x64xf32, #tpu.memory_space<vmem>>, %arg22: memref<80x16xf32, #tpu.memory_space<vmem>>, %arg23: memref<10000x64xf32, #tpu.memory_space<vmem_shared>>, %arg24: memref<10000x16xf32, #tpu.memory_space<vmem_shared>>, %arg25: memref<!tpu.dma_semaphore, #tpu.memory_space<semaphore_mem>>, %arg26: memref<!tpu.dma_semaphore, #tpu.memory_space<semaphore_mem>>, %arg27: memref<!tpu.dma_semaphore, #tpu.memory_space<semaphore_mem>>, %arg28: memref<!tpu.dma_semaphore, #tpu.memory_space<semaphore_mem>>, %arg29: memref<!tpu.dma_semaphore, #tpu.memory_space<semaphore_mem>>, %arg30: memref<!tpu.dma_semaphore, #tpu.memory_space<semaphore_mem>>, %arg31: memref<!tpu.dma_semaphore, #tpu.memory_space<semaphore_mem>>, %arg32: memref<!tpu.dma_semaphore, #tpu.memory_space<semaphore_mem>>, %arg33: memref<!tpu.dma_semaphore, #tpu.memory_space<semaphore_mem>>, %arg34: memref<!tpu.dma_semaphore, #tpu.memory_space<semaphore_mem>>) attributes {dimension_semantics = [#tpu.dimension_semantics<core_parallel>, #tpu.dimension_semantics<subcore_parallel>], iteration_bounds = array<i64: 2, 16>, scalar_prefetch = 0 : i64, scratch_operands = 25 : i64, tpu.core_type = #tpu.core_type<sc_vector_subcore>, window_params = [{transform_indices = #map}, {transform_indices = #map1}, {transform_indices = #map1}, {transform_indices = #map}, {transform_indices = #map}, {transform_indices = #map}, {transform_indices = #map1}, {transform_indices = #map1}]} {
    %mul3A = arith.constant 16 : i32
    %mul3A_0 = arith.muli %arg0, %mul3A : i32
    %add3A = arith.addi %mul3A_0, %arg1 : i32
    %mul3A_1 = arith.constant 624 : i32
    %mul3A_2 = arith.muli %arg1, %mul3A_1 : i32
    %multiple_of3A = tpu.assume_multiple %mul3A_2, 8 : i32
    "tpu.region"() ({
      %run_scoped3A = tpu.sem_alloc : memref<!tpu.dma_semaphore, #tpu.memory_space<semaphore_mem>>
      %dma_start3A_85 = arith.constant 0 : i32
      %dma_start3A_86 = arith.constant 0 : i32
      %dma_start3A_87 = tpu.memref_slice %arg3[%add3A, %dma_start3A_85, %dma_start3A_86] : memref<32x125x80xi32, #tpu.memory_space<hbm>> -> memref<1x125x80xi32, #tpu.memory_space<hbm>>
      %dma_start3A_88 = tpu.memref_squeeze %dma_start3A_87 : memref<1x125x80xi32, #tpu.memory_space<hbm>> -> memref<125x80xi32, #tpu.memory_space<hbm>>
      %dma_start3A_89 = arith.constant 0 : i32
      %dma_start3A_90 = arith.constant 0 : i32
      %dma_start3A_91 = tpu.memref_slice %arg3[%add3A, %dma_start3A_89, %dma_start3A_90] : memref<32x125x80xi32, #tpu.memory_space<hbm>> -> memref<1x125x80xi32, #tpu.memory_space<hbm>>
      %dma_start3A_92 = tpu.memref_squeeze %dma_start3A_91 : memref<1x125x80xi32, #tpu.memory_space<hbm>> -> memref<125x80xi32, #tpu.memory_space<hbm>>
      tpu.enqueue_dma source(%dma_start3A_92 : memref<125x80xi32, #tpu.memory_space<hbm>>) target(%arg10 : memref<125x80xi32, #tpu.memory_space<vmem>>) target_semaphore(%run_scoped3A : memref<!tpu.dma_semaphore, #tpu.memory_space<semaphore_mem>>)
      %dma_wait3A = arith.constant 0 : i32
      %dma_wait3A_93 = arith.constant 0 : i32
      %dma_wait3A_94 = tpu.memref_slice %arg3[%add3A, %dma_wait3A, %dma_wait3A_93] : memref<32x125x80xi32, #tpu.memory_space<hbm>> -> memref<1x125x80xi32, #tpu.memory_space<hbm>>
      %dma_wait3A_95 = tpu.memref_squeeze %dma_wait3A_94 : memref<1x125x80xi32, #tpu.memory_space<hbm>> -> memref<125x80xi32, #tpu.memory_space<hbm>>
      %dma_wait3A_96 = arith.constant 0 : i32
      %dma_wait3A_97 = arith.constant 0 : i32
      %dma_wait3A_98 = tpu.memref_slice %arg3[%add3A, %dma_wait3A_96, %dma_wait3A_97] : memref<32x125x80xi32, #tpu.memory_space<hbm>> -> memref<1x125x80xi32, #tpu.memory_space<hbm>>
      %dma_wait3A_99 = tpu.memref_squeeze %dma_wait3A_98 : memref<1x125x80xi32, #tpu.memory_space<hbm>> -> memref<125x80xi32, #tpu.memory_space<hbm>>
      tpu.wait_dma2 semaphore(%run_scoped3A : memref<!tpu.dma_semaphore, #tpu.memory_space<semaphore_mem>>) src(%dma_wait3A_99 : memref<125x80xi32, #tpu.memory_space<hbm>>) dst(%arg10 : memref<125x80xi32, #tpu.memory_space<vmem>>)
      tpu.yield
    }) : () -> ()
    "tpu.region"() ({
      %run_scoped3A = tpu.sem_alloc : memref<!tpu.dma_semaphore, #tpu.memory_space<semaphore_mem>>
      %dma_start3A_85 = arith.constant 0 : i32
      %dma_start3A_86 = arith.constant 0 : i32
      %dma_start3A_87 = tpu.memref_slice %arg4[%add3A, %dma_start3A_85, %dma_start3A_86] : memref<32x125x80xi32, #tpu.memory_space<hbm>> -> memref<1x125x80xi32, #tpu.memory_space<hbm>>
      %dma_start3A_88 = tpu.memref_squeeze %dma_start3A_87 : memref<1x125x80xi32, #tpu.memory_space<hbm>> -> memref<125x80xi32, #tpu.memory_space<hbm>>
      %dma_start3A_89 = arith.constant 0 : i32
      %dma_start3A_90 = arith.constant 0 : i32
      %dma_start3A_91 = tpu.memref_slice %arg4[%add3A, %dma_start3A_89, %dma_start3A_90] : memref<32x125x80xi32, #tpu.memory_space<hbm>> -> memref<1x125x80xi32, #tpu.memory_space<hbm>>
      %dma_start3A_92 = tpu.memref_squeeze %dma_start3A_91 : memref<1x125x80xi32, #tpu.memory_space<hbm>> -> memref<125x80xi32, #tpu.memory_space<hbm>>
      tpu.enqueue_dma source(%dma_start3A_92 : memref<125x80xi32, #tpu.memory_space<hbm>>) target(%arg11 : memref<125x80xi32, #tpu.memory_space<vmem>>) target_semaphore(%run_scoped3A : memref<!tpu.dma_semaphore, #tpu.memory_space<semaphore_mem>>)
      %dma_wait3A = arith.constant 0 : i32
      %dma_wait3A_93 = arith.constant 0 : i32
      %dma_wait3A_94 = tpu.memref_slice %arg4[%add3A, %dma_wait3A, %dma_wait3A_93] : memref<32x125x80xi32, #tpu.memory_space<hbm>> -> memref<1x125x80xi32, #tpu.memory_space<hbm>>
      %dma_wait3A_95 = tpu.memref_squeeze %dma_wait3A_94 : memref<1x125x80xi32, #tpu.memory_space<hbm>> -> memref<125x80xi32, #tpu.memory_space<hbm>>
      %dma_wait3A_96 = arith.constant 0 : i32
      %dma_wait3A_97 = arith.constant 0 : i32
      %dma_wait3A_98 = tpu.memref_slice %arg4[%add3A, %dma_wait3A_96, %dma_wait3A_97] : memref<32x125x80xi32, #tpu.memory_space<hbm>> -> memref<1x125x80xi32, #tpu.memory_space<hbm>>
      %dma_wait3A_99 = tpu.memref_squeeze %dma_wait3A_98 : memref<1x125x80xi32, #tpu.memory_space<hbm>> -> memref<125x80xi32, #tpu.memory_space<hbm>>
      tpu.wait_dma2 semaphore(%run_scoped3A : memref<!tpu.dma_semaphore, #tpu.memory_space<semaphore_mem>>) src(%dma_wait3A_99 : memref<125x80xi32, #tpu.memory_space<hbm>>) dst(%arg11 : memref<125x80xi32, #tpu.memory_space<vmem>>)
      tpu.yield
    }) : () -> ()
    %dma_start3A = arith.constant 0 : i32
    %dma_start3A_3 = arith.constant 0 : i32
    %dma_start3A_4 = tpu.memref_slice %arg10[%dma_start3A, %dma_start3A_3] : memref<125x80xi32, #tpu.memory_space<vmem>> -> memref<1x80xi32, #tpu.memory_space<vmem>>
    %dma_start3A_5 = tpu.memref_squeeze %dma_start3A_4 : memref<1x80xi32, #tpu.memory_space<vmem>> -> memref<80xi32, #tpu.memory_space<vmem>>
    %dma_start3A_6 = arith.constant 0 : i32
    %dma_start3A_7 = arith.constant 0 : i32
    %dma_start3A_8 = tpu.memref_slice %arg2[%dma_start3A_6, %dma_start3A_7] : memref<10000x64xf32, #tpu.memory_space<hbm>> -> memref<10000x64xf32, #tpu.memory_space<hbm>>
    tpu.enqueue_indirect_dma source(%dma_start3A_8 : memref<10000x64xf32, #tpu.memory_space<hbm>>) target(%arg12 : memref<80x64xf32, #tpu.memory_space<vmem>>) offsets(%dma_start3A_5 : memref<80xi32, #tpu.memory_space<vmem>>) semaphore(%arg25 : memref<!tpu.dma_semaphore, #tpu.memory_space<semaphore_mem>>)
    %dma_start3A_9 = arith.constant 1 : i32
    %dma_start3A_10 = arith.constant 0 : i32
    %dma_start3A_11 = tpu.memref_slice %arg10[%dma_start3A_9, %dma_start3A_10] : memref<125x80xi32, #tpu.memory_space<vmem>> -> memref<1x80xi32, #tpu.memory_space<vmem>>
    %dma_start3A_12 = tpu.memref_squeeze %dma_start3A_11 : memref<1x80xi32, #tpu.memory_space<vmem>> -> memref<80xi32, #tpu.memory_space<vmem>>
    %dma_start3A_13 = arith.constant 0 : i32
    %dma_start3A_14 = arith.constant 0 : i32
    %dma_start3A_15 = tpu.memref_slice %arg2[%dma_start3A_13, %dma_start3A_14] : memref<10000x64xf32, #tpu.memory_space<hbm>> -> memref<10000x64xf32, #tpu.memory_space<hbm>>
    tpu.enqueue_indirect_dma source(%dma_start3A_15 : memref<10000x64xf32, #tpu.memory_space<hbm>>) target(%arg13 : memref<80x64xf32, #tpu.memory_space<vmem>>) offsets(%dma_start3A_12 : memref<80xi32, #tpu.memory_space<vmem>>) semaphore(%arg26 : memref<!tpu.dma_semaphore, #tpu.memory_space<semaphore_mem>>)
    %dma_start3A_16 = arith.constant 2 : i32
    %dma_start3A_17 = arith.constant 0 : i32
    %dma_start3A_18 = tpu.memref_slice %arg10[%dma_start3A_16, %dma_start3A_17] : memref<125x80xi32, #tpu.memory_space<vmem>> -> memref<1x80xi32, #tpu.memory_space<vmem>>
    %dma_start3A_19 = tpu.memref_squeeze %dma_start3A_18 : memref<1x80xi32, #tpu.memory_space<vmem>> -> memref<80xi32, #tpu.memory_space<vmem>>
    %dma_start3A_20 = arith.constant 0 : i32
    %dma_start3A_21 = arith.constant 0 : i32
    %dma_start3A_22 = tpu.memref_slice %arg2[%dma_start3A_20, %dma_start3A_21] : memref<10000x64xf32, #tpu.memory_space<hbm>> -> memref<10000x64xf32, #tpu.memory_space<hbm>>
    tpu.enqueue_indirect_dma source(%dma_start3A_22 : memref<10000x64xf32, #tpu.memory_space<hbm>>) target(%arg14 : memref<80x64xf32, #tpu.memory_space<vmem>>) offsets(%dma_start3A_19 : memref<80xi32, #tpu.memory_space<vmem>>) semaphore(%arg27 : memref<!tpu.dma_semaphore, #tpu.memory_space<semaphore_mem>>)
    %dma_start3A_23 = arith.constant 3 : i32
    %dma_start3A_24 = arith.constant 0 : i32
    %dma_start3A_25 = tpu.memref_slice %arg10[%dma_start3A_23, %dma_start3A_24] : memref<125x80xi32, #tpu.memory_space<vmem>> -> memref<1x80xi32, #tpu.memory_space<vmem>>
    %dma_start3A_26 = tpu.memref_squeeze %dma_start3A_25 : memref<1x80xi32, #tpu.memory_space<vmem>> -> memref<80xi32, #tpu.memory_space<vmem>>
    %dma_start3A_27 = arith.constant 0 : i32
    %dma_start3A_28 = arith.constant 0 : i32
    %dma_start3A_29 = tpu.memref_slice %arg2[%dma_start3A_27, %dma_start3A_28] : memref<10000x64xf32, #tpu.memory_space<hbm>> -> memref<10000x64xf32, #tpu.memory_space<hbm>>
    tpu.enqueue_indirect_dma source(%dma_start3A_29 : memref<10000x64xf32, #tpu.memory_space<hbm>>) target(%arg15 : memref<80x64xf32, #tpu.memory_space<vmem>>) offsets(%dma_start3A_26 : memref<80xi32, #tpu.memory_space<vmem>>) semaphore(%arg28 : memref<!tpu.dma_semaphore, #tpu.memory_space<semaphore_mem>>)
    %dma_start3A_30 = arith.constant 4 : i32
    %dma_start3A_31 = arith.constant 0 : i32
    %dma_start3A_32 = tpu.memref_slice %arg10[%dma_start3A_30, %dma_start3A_31] : memref<125x80xi32, #tpu.memory_space<vmem>> -> memref<1x80xi32, #tpu.memory_space<vmem>>
    %dma_start3A_33 = tpu.memref_squeeze %dma_start3A_32 : memref<1x80xi32, #tpu.memory_space<vmem>> -> memref<80xi32, #tpu.memory_space<vmem>>
    %dma_start3A_34 = arith.constant 0 : i32
    %dma_start3A_35 = arith.constant 0 : i32
    %dma_start3A_36 = tpu.memref_slice %arg2[%dma_start3A_34, %dma_start3A_35] : memref<10000x64xf32, #tpu.memory_space<hbm>> -> memref<10000x64xf32, #tpu.memory_space<hbm>>
    tpu.enqueue_indirect_dma source(%dma_start3A_36 : memref<10000x64xf32, #tpu.memory_space<hbm>>) target(%arg16 : memref<80x64xf32, #tpu.memory_space<vmem>>) offsets(%dma_start3A_33 : memref<80xi32, #tpu.memory_space<vmem>>) semaphore(%arg29 : memref<!tpu.dma_semaphore, #tpu.memory_space<semaphore_mem>>)
    %dma_start3A_37 = arith.constant 5 : i32
    %dma_start3A_38 = arith.constant 0 : i32
    %dma_start3A_39 = tpu.memref_slice %arg10[%dma_start3A_37, %dma_start3A_38] : memref<125x80xi32, #tpu.memory_space<vmem>> -> memref<1x80xi32, #tpu.memory_space<vmem>>
    %dma_start3A_40 = tpu.memref_squeeze %dma_start3A_39 : memref<1x80xi32, #tpu.memory_space<vmem>> -> memref<80xi32, #tpu.memory_space<vmem>>
    %dma_start3A_41 = arith.constant 0 : i32
    %dma_start3A_42 = arith.constant 0 : i32
    %dma_start3A_43 = tpu.memref_slice %arg2[%dma_start3A_41, %dma_start3A_42] : memref<10000x64xf32, #tpu.memory_space<hbm>> -> memref<10000x64xf32, #tpu.memory_space<hbm>>
    tpu.enqueue_indirect_dma source(%dma_start3A_43 : memref<10000x64xf32, #tpu.memory_space<hbm>>) target(%arg17 : memref<80x64xf32, #tpu.memory_space<vmem>>) offsets(%dma_start3A_40 : memref<80xi32, #tpu.memory_space<vmem>>) semaphore(%arg30 : memref<!tpu.dma_semaphore, #tpu.memory_space<semaphore_mem>>)
    %dma_start3A_44 = arith.constant 6 : i32
    %dma_start3A_45 = arith.constant 0 : i32
    %dma_start3A_46 = tpu.memref_slice %arg10[%dma_start3A_44, %dma_start3A_45] : memref<125x80xi32, #tpu.memory_space<vmem>> -> memref<1x80xi32, #tpu.memory_space<vmem>>
    %dma_start3A_47 = tpu.memref_squeeze %dma_start3A_46 : memref<1x80xi32, #tpu.memory_space<vmem>> -> memref<80xi32, #tpu.memory_space<vmem>>
    %dma_start3A_48 = arith.constant 0 : i32
    %dma_start3A_49 = arith.constant 0 : i32
    %dma_start3A_50 = tpu.memref_slice %arg2[%dma_start3A_48, %dma_start3A_49] : memref<10000x64xf32, #tpu.memory_space<hbm>> -> memref<10000x64xf32, #tpu.memory_space<hbm>>
    tpu.enqueue_indirect_dma source(%dma_start3A_50 : memref<10000x64xf32, #tpu.memory_space<hbm>>) target(%arg18 : memref<80x64xf32, #tpu.memory_space<vmem>>) offsets(%dma_start3A_47 : memref<80xi32, #tpu.memory_space<vmem>>) semaphore(%arg31 : memref<!tpu.dma_semaphore, #tpu.memory_space<semaphore_mem>>)
    %dma_start3A_51 = arith.constant 7 : i32
    %dma_start3A_52 = arith.constant 0 : i32
    %dma_start3A_53 = tpu.memref_slice %arg10[%dma_start3A_51, %dma_start3A_52] : memref<125x80xi32, #tpu.memory_space<vmem>> -> memref<1x80xi32, #tpu.memory_space<vmem>>
    %dma_start3A_54 = tpu.memref_squeeze %dma_start3A_53 : memref<1x80xi32, #tpu.memory_space<vmem>> -> memref<80xi32, #tpu.memory_space<vmem>>
    %dma_start3A_55 = arith.constant 0 : i32
    %dma_start3A_56 = arith.constant 0 : i32
    %dma_start3A_57 = tpu.memref_slice %arg2[%dma_start3A_55, %dma_start3A_56] : memref<10000x64xf32, #tpu.memory_space<hbm>> -> memref<10000x64xf32, #tpu.memory_space<hbm>>
    tpu.enqueue_indirect_dma source(%dma_start3A_57 : memref<10000x64xf32, #tpu.memory_space<hbm>>) target(%arg19 : memref<80x64xf32, #tpu.memory_space<vmem>>) offsets(%dma_start3A_54 : memref<80xi32, #tpu.memory_space<vmem>>) semaphore(%arg32 : memref<!tpu.dma_semaphore, #tpu.memory_space<semaphore_mem>>)
    %dma_start3A_58 = arith.constant 8 : i32
    %dma_start3A_59 = arith.constant 0 : i32
    %dma_start3A_60 = tpu.memref_slice %arg10[%dma_start3A_58, %dma_start3A_59] : memref<125x80xi32, #tpu.memory_space<vmem>> -> memref<1x80xi32, #tpu.memory_space<vmem>>
    %dma_start3A_61 = tpu.memref_squeeze %dma_start3A_60 : memref<1x80xi32, #tpu.memory_space<vmem>> -> memref<80xi32, #tpu.memory_space<vmem>>
    %dma_start3A_62 = arith.constant 0 : i32
    %dma_start3A_63 = arith.constant 0 : i32
    %dma_start3A_64 = tpu.memref_slice %arg2[%dma_start3A_62, %dma_start3A_63] : memref<10000x64xf32, #tpu.memory_space<hbm>> -> memref<10000x64xf32, #tpu.memory_space<hbm>>
    tpu.enqueue_indirect_dma source(%dma_start3A_64 : memref<10000x64xf32, #tpu.memory_space<hbm>>) target(%arg20 : memref<80x64xf32, #tpu.memory_space<vmem>>) offsets(%dma_start3A_61 : memref<80xi32, #tpu.memory_space<vmem>>) semaphore(%arg33 : memref<!tpu.dma_semaphore, #tpu.memory_space<semaphore_mem>>)
    %dma_start3A_65 = arith.constant 9 : i32
    %dma_start3A_66 = arith.constant 0 : i32
    %dma_start3A_67 = tpu.memref_slice %arg10[%dma_start3A_65, %dma_start3A_66] : memref<125x80xi32, #tpu.memory_space<vmem>> -> memref<1x80xi32, #tpu.memory_space<vmem>>
    %dma_start3A_68 = tpu.memref_squeeze %dma_start3A_67 : memref<1x80xi32, #tpu.memory_space<vmem>> -> memref<80xi32, #tpu.memory_space<vmem>>
    %dma_start3A_69 = arith.constant 0 : i32
    %dma_start3A_70 = arith.constant 0 : i32
    %dma_start3A_71 = tpu.memref_slice %arg2[%dma_start3A_69, %dma_start3A_70] : memref<10000x64xf32, #tpu.memory_space<hbm>> -> memref<10000x64xf32, #tpu.memory_space<hbm>>
    tpu.enqueue_indirect_dma source(%dma_start3A_71 : memref<10000x64xf32, #tpu.memory_space<hbm>>) target(%arg21 : memref<80x64xf32, #tpu.memory_space<vmem>>) offsets(%dma_start3A_68 : memref<80xi32, #tpu.memory_space<vmem>>) semaphore(%arg34 : memref<!tpu.dma_semaphore, #tpu.memory_space<semaphore_mem>>)
    "tpu.region"() ({
      %run_scoped3A = tpu.sem_alloc : memref<!tpu.dma_semaphore, #tpu.memory_space<semaphore_mem>>
      tpu.enqueue_dma source(%arg7 : memref<80x16xf32, #tpu.memory_space<hbm>>) target(%arg22 : memref<80x16xf32, #tpu.memory_space<vmem>>) target_semaphore(%run_scoped3A : memref<!tpu.dma_semaphore, #tpu.memory_space<semaphore_mem>>)
      tpu.wait_dma2 semaphore(%run_scoped3A : memref<!tpu.dma_semaphore, #tpu.memory_space<semaphore_mem>>) src(%arg7 : memref<80x16xf32, #tpu.memory_space<hbm>>) dst(%arg22 : memref<80x16xf32, #tpu.memory_space<vmem>>)
      tpu.yield
    }) : () -> ()
    "tpu.region"() ({
      %run_scoped3A = tpu.sem_alloc : memref<!tpu.dma_semaphore, #tpu.memory_space<semaphore_mem>>
      %dma_start3A_85 = arith.constant 0 : i32
      %dma_start3A_86 = tpu.memref_slice %arg23[%multiple_of3A, %dma_start3A_85] : memref<10000x64xf32, #tpu.memory_space<vmem_shared>> -> memref<624x64xf32, #tpu.memory_space<vmem_shared>>
      %dma_start3A_87 = arith.constant 0 : i32
      %dma_start3A_88 = tpu.memref_slice %arg5[%multiple_of3A, %dma_start3A_87] : memref<10000x64xf32, #tpu.memory_space<hbm>> -> memref<624x64xf32, #tpu.memory_space<hbm>>
      tpu.enqueue_dma source(%dma_start3A_88 : memref<624x64xf32, #tpu.memory_space<hbm>>) target(%dma_start3A_86 : memref<624x64xf32, #tpu.memory_space<vmem_shared>>) target_semaphore(%run_scoped3A : memref<!tpu.dma_semaphore, #tpu.memory_space<semaphore_mem>>)
      %dma_wait3A = arith.constant 0 : i32
      %dma_wait3A_89 = tpu.memref_slice %arg23[%multiple_of3A, %dma_wait3A] : memref<10000x64xf32, #tpu.memory_space<vmem_shared>> -> memref<624x64xf32, #tpu.memory_space<vmem_shared>>
      %dma_wait3A_90 = arith.constant 0 : i32
      %dma_wait3A_91 = tpu.memref_slice %arg5[%multiple_of3A, %dma_wait3A_90] : memref<10000x64xf32, #tpu.memory_space<hbm>> -> memref<624x64xf32, #tpu.memory_space<hbm>>
      tpu.wait_dma2 semaphore(%run_scoped3A : memref<!tpu.dma_semaphore, #tpu.memory_space<semaphore_mem>>) src(%dma_wait3A_91 : memref<624x64xf32, #tpu.memory_space<hbm>>) dst(%dma_wait3A_89 : memref<624x64xf32, #tpu.memory_space<vmem_shared>>)
      tpu.yield
    }) : () -> ()
    "tpu.region"() ({
      %run_scoped3A = tpu.sem_alloc : memref<!tpu.dma_semaphore, #tpu.memory_space<semaphore_mem>>
      %dma_start3A_85 = arith.constant 0 : i32
      %dma_start3A_86 = tpu.memref_slice %arg24[%multiple_of3A, %dma_start3A_85] : memref<10000x16xf32, #tpu.memory_space<vmem_shared>> -> memref<624x16xf32, #tpu.memory_space<vmem_shared>>
      %dma_start3A_87 = arith.constant 0 : i32
      %dma_start3A_88 = tpu.memref_slice %arg6[%multiple_of3A, %dma_start3A_87] : memref<10000x16xf32, #tpu.memory_space<hbm>> -> memref<624x16xf32, #tpu.memory_space<hbm>>
      tpu.enqueue_dma source(%dma_start3A_88 : memref<624x16xf32, #tpu.memory_space<hbm>>) target(%dma_start3A_86 : memref<624x16xf32, #tpu.memory_space<vmem_shared>>) target_semaphore(%run_scoped3A : memref<!tpu.dma_semaphore, #tpu.memory_space<semaphore_mem>>)
      %dma_wait3A = arith.constant 0 : i32
      %dma_wait3A_89 = tpu.memref_slice %arg24[%multiple_of3A, %dma_wait3A] : memref<10000x16xf32, #tpu.memory_space<vmem_shared>> -> memref<624x16xf32, #tpu.memory_space<vmem_shared>>
      %dma_wait3A_90 = arith.constant 0 : i32
      %dma_wait3A_91 = tpu.memref_slice %arg6[%multiple_of3A, %dma_wait3A_90] : memref<10000x16xf32, #tpu.memory_space<hbm>> -> memref<624x16xf32, #tpu.memory_space<hbm>>
      tpu.wait_dma2 semaphore(%run_scoped3A : memref<!tpu.dma_semaphore, #tpu.memory_space<semaphore_mem>>) src(%dma_wait3A_91 : memref<624x16xf32, #tpu.memory_space<hbm>>) dst(%dma_wait3A_89 : memref<624x16xf32, #tpu.memory_space<vmem_shared>>)
      tpu.yield
    }) : () -> ()
    %eq3A = arith.constant 15 : i32
    %eq3A_72 = arith.cmpi eq, %arg1, %eq3A : i32
    %convert_element_type3A = arith.extui %eq3A_72 : i1 to i32
    %cond3A = arith.constant 0 : i32
    %cond3A_73 = arith.cmpi ne, %convert_element_type3A, %cond3A : i32
    scf.if %cond3A_73 {
      "tpu.region"() ({
        %run_scoped3A = tpu.sem_alloc : memref<!tpu.dma_semaphore, #tpu.memory_space<semaphore_mem>>
        %dma_start3A_85 = arith.constant 9984 : i32
        %dma_start3A_86 = arith.constant 0 : i32
        %dma_start3A_87 = tpu.memref_slice %arg23[%dma_start3A_85, %dma_start3A_86] : memref<10000x64xf32, #tpu.memory_space<vmem_shared>> -> memref<16x64xf32, #tpu.memory_space<vmem_shared>>
        %dma_start3A_88 = arith.constant 9984 : i32
        %dma_start3A_89 = arith.constant 0 : i32
        %dma_start3A_90 = tpu.memref_slice %arg5[%dma_start3A_88, %dma_start3A_89] : memref<10000x64xf32, #tpu.memory_space<hbm>> -> memref<16x64xf32, #tpu.memory_space<hbm>>
        tpu.enqueue_dma source(%dma_start3A_90 : memref<16x64xf32, #tpu.memory_space<hbm>>) target(%dma_start3A_87 : memref<16x64xf32, #tpu.memory_space<vmem_shared>>) target_semaphore(%run_scoped3A : memref<!tpu.dma_semaphore, #tpu.memory_space<semaphore_mem>>)
        %dma_wait3A = arith.constant 9984 : i32
        %dma_wait3A_91 = arith.constant 0 : i32
        %dma_wait3A_92 = tpu.memref_slice %arg23[%dma_wait3A, %dma_wait3A_91] : memref<10000x64xf32, #tpu.memory_space<vmem_shared>> -> memref<16x64xf32, #tpu.memory_space<vmem_shared>>
        %dma_wait3A_93 = arith.constant 9984 : i32
        %dma_wait3A_94 = arith.constant 0 : i32
        %dma_wait3A_95 = tpu.memref_slice %arg5[%dma_wait3A_93, %dma_wait3A_94] : memref<10000x64xf32, #tpu.memory_space<hbm>> -> memref<16x64xf32, #tpu.memory_space<hbm>>
        tpu.wait_dma2 semaphore(%run_scoped3A : memref<!tpu.dma_semaphore, #tpu.memory_space<semaphore_mem>>) src(%dma_wait3A_95 : memref<16x64xf32, #tpu.memory_space<hbm>>) dst(%dma_wait3A_92 : memref<16x64xf32, #tpu.memory_space<vmem_shared>>)
        tpu.yield
      }) : () -> ()
      "tpu.region"() ({
        %run_scoped3A = tpu.sem_alloc : memref<!tpu.dma_semaphore, #tpu.memory_space<semaphore_mem>>
        %dma_start3A_85 = arith.constant 9984 : i32
        %dma_start3A_86 = arith.constant 0 : i32
        %dma_start3A_87 = tpu.memref_slice %arg24[%dma_start3A_85, %dma_start3A_86] : memref<10000x16xf32, #tpu.memory_space<vmem_shared>> -> memref<16x16xf32, #tpu.memory_space<vmem_shared>>
        %dma_start3A_88 = arith.constant 9984 : i32
        %dma_start3A_89 = arith.constant 0 : i32
        %dma_start3A_90 = tpu.memref_slice %arg6[%dma_start3A_88, %dma_start3A_89] : memref<10000x16xf32, #tpu.memory_space<hbm>> -> memref<16x16xf32, #tpu.memory_space<hbm>>
        tpu.enqueue_dma source(%dma_start3A_90 : memref<16x16xf32, #tpu.memory_space<hbm>>) target(%dma_start3A_87 : memref<16x16xf32, #tpu.memory_space<vmem_shared>>) target_semaphore(%run_scoped3A : memref<!tpu.dma_semaphore, #tpu.memory_space<semaphore_mem>>)
        %dma_wait3A = arith.constant 9984 : i32
        %dma_wait3A_91 = arith.constant 0 : i32
        %dma_wait3A_92 = tpu.memref_slice %arg24[%dma_wait3A, %dma_wait3A_91] : memref<10000x16xf32, #tpu.memory_space<vmem_shared>> -> memref<16x16xf32, #tpu.memory_space<vmem_shared>>
        %dma_wait3A_93 = arith.constant 9984 : i32
        %dma_wait3A_94 = arith.constant 0 : i32
        %dma_wait3A_95 = tpu.memref_slice %arg6[%dma_wait3A_93, %dma_wait3A_94] : memref<10000x16xf32, #tpu.memory_space<hbm>> -> memref<16x16xf32, #tpu.memory_space<hbm>>
        tpu.wait_dma2 semaphore(%run_scoped3A : memref<!tpu.dma_semaphore, #tpu.memory_space<semaphore_mem>>) src(%dma_wait3A_95 : memref<16x16xf32, #tpu.memory_space<hbm>>) dst(%dma_wait3A_92 : memref<16x16xf32, #tpu.memory_space<vmem_shared>>)
        tpu.yield
      }) : () -> ()
    } else {
    }
    %barrier3A = arith.constant 0 : index
    tpu.barrier barrier_id(%barrier3A)
    %scan3A = arith.constant 0 : i32
    %scan3A_74 = arith.constant 0 : i32
    %scan3A_75 = arith.constant 13 : i32
    %scan3A_76 = arith.addi %scan3A_74, %scan3A_75 : i32
    %scan3A_77 = arith.constant 1 : i32
    scf.for %scan3A_85 = %scan3A_74 to %scan3A_76 step %scan3A_77  : i32 {
      %mul3A_86 = arith.constant 10 : i32
      %mul3A_87 = arith.muli %scan3A_85, %mul3A_86 : i32
      %add3A_88 = arith.constant 0 : i32
      %add3A_89 = arith.addi %mul3A_87, %add3A_88 : i32
      %lt3A = arith.constant 125 : i32
      %lt3A_90 = arith.cmpi slt, %add3A_89, %lt3A : i32
      %convert_element_type3A_91 = arith.extui %lt3A_90 : i1 to i32
      %cond3A_92 = arith.constant 0 : i32
      %cond3A_93 = arith.cmpi ne, %convert_element_type3A_91, %cond3A_92 : i32
      scf.if %cond3A_93 {
        %dma_wait3A = arith.constant 0 : i32
        %dma_wait3A_157 = arith.constant 0 : i32
        %dma_wait3A_158 = tpu.memref_slice %arg2[%dma_wait3A, %dma_wait3A_157] : memref<10000x64xf32, #tpu.memory_space<hbm>> -> memref<80x64xf32, #tpu.memory_space<hbm>>
        %dma_wait3A_159 = arith.constant 0 : i32
        %dma_wait3A_160 = arith.constant 0 : i32
        %dma_wait3A_161 = tpu.memref_slice %arg2[%dma_wait3A_159, %dma_wait3A_160] : memref<10000x64xf32, #tpu.memory_space<hbm>> -> memref<80x64xf32, #tpu.memory_space<hbm>>
        tpu.wait_dma2 semaphore(%arg25 : memref<!tpu.dma_semaphore, #tpu.memory_space<semaphore_mem>>) src(%dma_wait3A_161 : memref<80x64xf32, #tpu.memory_space<hbm>>) dst(%arg12 : memref<80x64xf32, #tpu.memory_space<vmem>>)
        "tpu.region"() ({
          %run_scoped3A = tpu.sem_alloc : memref<!tpu.dma_semaphore, #tpu.memory_space<semaphore_mem>>
          %dma_start3A_169 = arith.constant 0 : i32
          %dma_start3A_170 = tpu.memref_slice %arg11[%add3A_89, %dma_start3A_169] : memref<125x80xi32, #tpu.memory_space<vmem>> -> memref<1x80xi32, #tpu.memory_space<vmem>>
          %dma_start3A_171 = tpu.memref_squeeze %dma_start3A_170 : memref<1x80xi32, #tpu.memory_space<vmem>> -> memref<80xi32, #tpu.memory_space<vmem>>
          %dma_start3A_172 = arith.constant 0 : i32
          %dma_start3A_173 = arith.constant 0 : i32
          %dma_start3A_174 = tpu.memref_slice %arg23[%dma_start3A_172, %dma_start3A_173] : memref<10000x64xf32, #tpu.memory_space<vmem_shared>> -> memref<10000x64xf32, #tpu.memory_space<vmem_shared>>
          tpu.enqueue_indirect_dma source(%arg12 : memref<80x64xf32, #tpu.memory_space<vmem>>) target(%dma_start3A_174 : memref<10000x64xf32, #tpu.memory_space<vmem_shared>>) offsets(%dma_start3A_171 : memref<80xi32, #tpu.memory_space<vmem>>) semaphore(%run_scoped3A : memref<!tpu.dma_semaphore, #tpu.memory_space<semaphore_mem>>) {add = true}
          %dma_wait3A_175 = arith.constant 0 : i32
          %dma_wait3A_176 = tpu.memref_slice %arg11[%add3A_89, %dma_wait3A_175] : memref<125x80xi32, #tpu.memory_space<vmem>> -> memref<1x80xi32, #tpu.memory_space<vmem>>
          %dma_wait3A_177 = tpu.memref_squeeze %dma_wait3A_176 : memref<1x80xi32, #tpu.memory_space<vmem>> -> memref<80xi32, #tpu.memory_space<vmem>>
          %dma_wait3A_178 = arith.constant 0 : i32
          %dma_wait3A_179 = arith.constant 0 : i32
          %dma_wait3A_180 = tpu.memref_slice %arg23[%dma_wait3A_178, %dma_wait3A_179] : memref<10000x64xf32, #tpu.memory_space<vmem_shared>> -> memref<10000x64xf32, #tpu.memory_space<vmem_shared>>
          tpu.wait_indirect_dma semaphore(%run_scoped3A : memref<!tpu.dma_semaphore, #tpu.memory_space<semaphore_mem>>) src(%arg12 : memref<80x64xf32, #tpu.memory_space<vmem>>) dst(%dma_wait3A_180 : memref<10000x64xf32, #tpu.memory_space<vmem_shared>>)
          tpu.yield
        }) : () -> ()
        "tpu.region"() ({
          %run_scoped3A = tpu.sem_alloc : memref<!tpu.dma_semaphore, #tpu.memory_space<semaphore_mem>>
          %dma_start3A_169 = arith.constant 0 : i32
          %dma_start3A_170 = tpu.memref_slice %arg11[%add3A_89, %dma_start3A_169] : memref<125x80xi32, #tpu.memory_space<vmem>> -> memref<1x80xi32, #tpu.memory_space<vmem>>
          %dma_start3A_171 = tpu.memref_squeeze %dma_start3A_170 : memref<1x80xi32, #tpu.memory_space<vmem>> -> memref<80xi32, #tpu.memory_space<vmem>>
          %dma_start3A_172 = arith.constant 0 : i32
          %dma_start3A_173 = arith.constant 0 : i32
          %dma_start3A_174 = tpu.memref_slice %arg24[%dma_start3A_172, %dma_start3A_173] : memref<10000x16xf32, #tpu.memory_space<vmem_shared>> -> memref<10000x16xf32, #tpu.memory_space<vmem_shared>>
          tpu.enqueue_indirect_dma source(%arg22 : memref<80x16xf32, #tpu.memory_space<vmem>>) target(%dma_start3A_174 : memref<10000x16xf32, #tpu.memory_space<vmem_shared>>) offsets(%dma_start3A_171 : memref<80xi32, #tpu.memory_space<vmem>>) semaphore(%run_scoped3A : memref<!tpu.dma_semaphore, #tpu.memory_space<semaphore_mem>>) {add = true}
          %dma_wait3A_175 = arith.constant 0 : i32
          %dma_wait3A_176 = tpu.memref_slice %arg11[%add3A_89, %dma_wait3A_175] : memref<125x80xi32, #tpu.memory_space<vmem>> -> memref<1x80xi32, #tpu.memory_space<vmem>>
          %dma_wait3A_177 = tpu.memref_squeeze %dma_wait3A_176 : memref<1x80xi32, #tpu.memory_space<vmem>> -> memref<80xi32, #tpu.memory_space<vmem>>
          %dma_wait3A_178 = arith.constant 0 : i32
          %dma_wait3A_179 = arith.constant 0 : i32
          %dma_wait3A_180 = tpu.memref_slice %arg24[%dma_wait3A_178, %dma_wait3A_179] : memref<10000x16xf32, #tpu.memory_space<vmem_shared>> -> memref<10000x16xf32, #tpu.memory_space<vmem_shared>>
          tpu.wait_indirect_dma semaphore(%run_scoped3A : memref<!tpu.dma_semaphore, #tpu.memory_space<semaphore_mem>>) src(%arg22 : memref<80x16xf32, #tpu.memory_space<vmem>>) dst(%dma_wait3A_180 : memref<10000x16xf32, #tpu.memory_space<vmem_shared>>)
          tpu.yield
        }) : () -> ()
        %add3A_162 = arith.constant 10 : i32
        %add3A_163 = arith.addi %add3A_89, %add3A_162 : i32
        %lt3A_164 = arith.constant 125 : i32
        %lt3A_165 = arith.cmpi slt, %add3A_163, %lt3A_164 : i32
        %convert_element_type3A_166 = arith.extui %lt3A_165 : i1 to i32
        %cond3A_167 = arith.constant 0 : i32
        %cond3A_168 = arith.cmpi ne, %convert_element_type3A_166, %cond3A_167 : i32
        scf.if %cond3A_168 {
          %add3A_169 = arith.constant 10 : i32
          %add3A_170 = arith.addi %add3A_89, %add3A_169 : i32
          %dma_start3A_171 = arith.constant 0 : i32
          %dma_start3A_172 = tpu.memref_slice %arg10[%add3A_170, %dma_start3A_171] : memref<125x80xi32, #tpu.memory_space<vmem>> -> memref<1x80xi32, #tpu.memory_space<vmem>>
          %dma_start3A_173 = tpu.memref_squeeze %dma_start3A_172 : memref<1x80xi32, #tpu.memory_space<vmem>> -> memref<80xi32, #tpu.memory_space<vmem>>
          %dma_start3A_174 = arith.constant 0 : i32
          %dma_start3A_175 = arith.constant 0 : i32
          %dma_start3A_176 = tpu.memref_slice %arg2[%dma_start3A_174, %dma_start3A_175] : memref<10000x64xf32, #tpu.memory_space<hbm>> -> memref<10000x64xf32, #tpu.memory_space<hbm>>
          tpu.enqueue_indirect_dma source(%dma_start3A_176 : memref<10000x64xf32, #tpu.memory_space<hbm>>) target(%arg12 : memref<80x64xf32, #tpu.memory_space<vmem>>) offsets(%dma_start3A_173 : memref<80xi32, #tpu.memory_space<vmem>>) semaphore(%arg25 : memref<!tpu.dma_semaphore, #tpu.memory_space<semaphore_mem>>)
        } else {
        }
      } else {
      }
      %add3A_94 = arith.constant 1 : i32
      %add3A_95 = arith.addi %mul3A_87, %add3A_94 : i32
      %lt3A_96 = arith.constant 125 : i32
      %lt3A_97 = arith.cmpi slt, %add3A_95, %lt3A_96 : i32
      %convert_element_type3A_98 = arith.extui %lt3A_97 : i1 to i32
      %cond3A_99 = arith.constant 0 : i32
      %cond3A_100 = arith.cmpi ne, %convert_element_type3A_98, %cond3A_99 : i32
      scf.if %cond3A_100 {
        %dma_wait3A = arith.constant 0 : i32
        %dma_wait3A_157 = arith.constant 0 : i32
        %dma_wait3A_158 = tpu.memref_slice %arg2[%dma_wait3A, %dma_wait3A_157] : memref<10000x64xf32, #tpu.memory_space<hbm>> -> memref<80x64xf32, #tpu.memory_space<hbm>>
        %dma_wait3A_159 = arith.constant 0 : i32
        %dma_wait3A_160 = arith.constant 0 : i32
        %dma_wait3A_161 = tpu.memref_slice %arg2[%dma_wait3A_159, %dma_wait3A_160] : memref<10000x64xf32, #tpu.memory_space<hbm>> -> memref<80x64xf32, #tpu.memory_space<hbm>>
        tpu.wait_dma2 semaphore(%arg26 : memref<!tpu.dma_semaphore, #tpu.memory_space<semaphore_mem>>) src(%dma_wait3A_161 : memref<80x64xf32, #tpu.memory_space<hbm>>) dst(%arg13 : memref<80x64xf32, #tpu.memory_space<vmem>>)
        "tpu.region"() ({
          %run_scoped3A = tpu.sem_alloc : memref<!tpu.dma_semaphore, #tpu.memory_space<semaphore_mem>>
          %dma_start3A_169 = arith.constant 0 : i32
          %dma_start3A_170 = tpu.memref_slice %arg11[%add3A_95, %dma_start3A_169] : memref<125x80xi32, #tpu.memory_space<vmem>> -> memref<1x80xi32, #tpu.memory_space<vmem>>
          %dma_start3A_171 = tpu.memref_squeeze %dma_start3A_170 : memref<1x80xi32, #tpu.memory_space<vmem>> -> memref<80xi32, #tpu.memory_space<vmem>>
          %dma_start3A_172 = arith.constant 0 : i32
          %dma_start3A_173 = arith.constant 0 : i32
          %dma_start3A_174 = tpu.memref_slice %arg23[%dma_start3A_172, %dma_start3A_173] : memref<10000x64xf32, #tpu.memory_space<vmem_shared>> -> memref<10000x64xf32, #tpu.memory_space<vmem_shared>>
          tpu.enqueue_indirect_dma source(%arg13 : memref<80x64xf32, #tpu.memory_space<vmem>>) target(%dma_start3A_174 : memref<10000x64xf32, #tpu.memory_space<vmem_shared>>) offsets(%dma_start3A_171 : memref<80xi32, #tpu.memory_space<vmem>>) semaphore(%run_scoped3A : memref<!tpu.dma_semaphore, #tpu.memory_space<semaphore_mem>>) {add = true}
          %dma_wait3A_175 = arith.constant 0 : i32
          %dma_wait3A_176 = tpu.memref_slice %arg11[%add3A_95, %dma_wait3A_175] : memref<125x80xi32, #tpu.memory_space<vmem>> -> memref<1x80xi32, #tpu.memory_space<vmem>>
          %dma_wait3A_177 = tpu.memref_squeeze %dma_wait3A_176 : memref<1x80xi32, #tpu.memory_space<vmem>> -> memref<80xi32, #tpu.memory_space<vmem>>
          %dma_wait3A_178 = arith.constant 0 : i32
          %dma_wait3A_179 = arith.constant 0 : i32
          %dma_wait3A_180 = tpu.memref_slice %arg23[%dma_wait3A_178, %dma_wait3A_179] : memref<10000x64xf32, #tpu.memory_space<vmem_shared>> -> memref<10000x64xf32, #tpu.memory_space<vmem_shared>>
          tpu.wait_indirect_dma semaphore(%run_scoped3A : memref<!tpu.dma_semaphore, #tpu.memory_space<semaphore_mem>>) src(%arg13 : memref<80x64xf32, #tpu.memory_space<vmem>>) dst(%dma_wait3A_180 : memref<10000x64xf32, #tpu.memory_space<vmem_shared>>)
          tpu.yield
        }) : () -> ()
        "tpu.region"() ({
          %run_scoped3A = tpu.sem_alloc : memref<!tpu.dma_semaphore, #tpu.memory_space<semaphore_mem>>
          %dma_start3A_169 = arith.constant 0 : i32
          %dma_start3A_170 = tpu.memref_slice %arg11[%add3A_95, %dma_start3A_169] : memref<125x80xi32, #tpu.memory_space<vmem>> -> memref<1x80xi32, #tpu.memory_space<vmem>>
          %dma_start3A_171 = tpu.memref_squeeze %dma_start3A_170 : memref<1x80xi32, #tpu.memory_space<vmem>> -> memref<80xi32, #tpu.memory_space<vmem>>
          %dma_start3A_172 = arith.constant 0 : i32
          %dma_start3A_173 = arith.constant 0 : i32
          %dma_start3A_174 = tpu.memref_slice %arg24[%dma_start3A_172, %dma_start3A_173] : memref<10000x16xf32, #tpu.memory_space<vmem_shared>> -> memref<10000x16xf32, #tpu.memory_space<vmem_shared>>
          tpu.enqueue_indirect_dma source(%arg22 : memref<80x16xf32, #tpu.memory_space<vmem>>) target(%dma_start3A_174 : memref<10000x16xf32, #tpu.memory_space<vmem_shared>>) offsets(%dma_start3A_171 : memref<80xi32, #tpu.memory_space<vmem>>) semaphore(%run_scoped3A : memref<!tpu.dma_semaphore, #tpu.memory_space<semaphore_mem>>) {add = true}
          %dma_wait3A_175 = arith.constant 0 : i32
          %dma_wait3A_176 = tpu.memref_slice %arg11[%add3A_95, %dma_wait3A_175] : memref<125x80xi32, #tpu.memory_space<vmem>> -> memref<1x80xi32, #tpu.memory_space<vmem>>
          %dma_wait3A_177 = tpu.memref_squeeze %dma_wait3A_176 : memref<1x80xi32, #tpu.memory_space<vmem>> -> memref<80xi32, #tpu.memory_space<vmem>>
          %dma_wait3A_178 = arith.constant 0 : i32
          %dma_wait3A_179 = arith.constant 0 : i32
          %dma_wait3A_180 = tpu.memref_slice %arg24[%dma_wait3A_178, %dma_wait3A_179] : memref<10000x16xf32, #tpu.memory_space<vmem_shared>> -> memref<10000x16xf32, #tpu.memory_space<vmem_shared>>
          tpu.wait_indirect_dma semaphore(%run_scoped3A : memref<!tpu.dma_semaphore, #tpu.memory_space<semaphore_mem>>) src(%arg22 : memref<80x16xf32, #tpu.memory_space<vmem>>) dst(%dma_wait3A_180 : memref<10000x16xf32, #tpu.memory_space<vmem_shared>>)
          tpu.yield
        }) : () -> ()
        %add3A_162 = arith.constant 10 : i32
        %add3A_163 = arith.addi %add3A_95, %add3A_162 : i32
        %lt3A_164 = arith.constant 125 : i32
        %lt3A_165 = arith.cmpi slt, %add3A_163, %lt3A_164 : i32
        %convert_element_type3A_166 = arith.extui %lt3A_165 : i1 to i32
        %cond3A_167 = arith.constant 0 : i32
        %cond3A_168 = arith.cmpi ne, %convert_element_type3A_166, %cond3A_167 : i32
        scf.if %cond3A_168 {
          %add3A_169 = arith.constant 10 : i32
          %add3A_170 = arith.addi %add3A_95, %add3A_169 : i32
          %dma_start3A_171 = arith.constant 0 : i32
          %dma_start3A_172 = tpu.memref_slice %arg10[%add3A_170, %dma_start3A_171] : memref<125x80xi32, #tpu.memory_space<vmem>> -> memref<1x80xi32, #tpu.memory_space<vmem>>
          %dma_start3A_173 = tpu.memref_squeeze %dma_start3A_172 : memref<1x80xi32, #tpu.memory_space<vmem>> -> memref<80xi32, #tpu.memory_space<vmem>>
          %dma_start3A_174 = arith.constant 0 : i32
          %dma_start3A_175 = arith.constant 0 : i32
          %dma_start3A_176 = tpu.memref_slice %arg2[%dma_start3A_174, %dma_start3A_175] : memref<10000x64xf32, #tpu.memory_space<hbm>> -> memref<10000x64xf32, #tpu.memory_space<hbm>>
          tpu.enqueue_indirect_dma source(%dma_start3A_176 : memref<10000x64xf32, #tpu.memory_space<hbm>>) target(%arg13 : memref<80x64xf32, #tpu.memory_space<vmem>>) offsets(%dma_start3A_173 : memref<80xi32, #tpu.memory_space<vmem>>) semaphore(%arg26 : memref<!tpu.dma_semaphore, #tpu.memory_space<semaphore_mem>>)
        } else {
        }
      } else {
      }
      %add3A_101 = arith.constant 2 : i32
      %add3A_102 = arith.addi %mul3A_87, %add3A_101 : i32
      %lt3A_103 = arith.constant 125 : i32
      %lt3A_104 = arith.cmpi slt, %add3A_102, %lt3A_103 : i32
      %convert_element_type3A_105 = arith.extui %lt3A_104 : i1 to i32
      %cond3A_106 = arith.constant 0 : i32
      %cond3A_107 = arith.cmpi ne, %convert_element_type3A_105, %cond3A_106 : i32
      scf.if %cond3A_107 {
        %dma_wait3A = arith.constant 0 : i32
        %dma_wait3A_157 = arith.constant 0 : i32
        %dma_wait3A_158 = tpu.memref_slice %arg2[%dma_wait3A, %dma_wait3A_157] : memref<10000x64xf32, #tpu.memory_space<hbm>> -> memref<80x64xf32, #tpu.memory_space<hbm>>
        %dma_wait3A_159 = arith.constant 0 : i32
        %dma_wait3A_160 = arith.constant 0 : i32
        %dma_wait3A_161 = tpu.memref_slice %arg2[%dma_wait3A_159, %dma_wait3A_160] : memref<10000x64xf32, #tpu.memory_space<hbm>> -> memref<80x64xf32, #tpu.memory_space<hbm>>
        tpu.wait_dma2 semaphore(%arg27 : memref<!tpu.dma_semaphore, #tpu.memory_space<semaphore_mem>>) src(%dma_wait3A_161 : memref<80x64xf32, #tpu.memory_space<hbm>>) dst(%arg14 : memref<80x64xf32, #tpu.memory_space<vmem>>)
        "tpu.region"() ({
          %run_scoped3A = tpu.sem_alloc : memref<!tpu.dma_semaphore, #tpu.memory_space<semaphore_mem>>
          %dma_start3A_169 = arith.constant 0 : i32
          %dma_start3A_170 = tpu.memref_slice %arg11[%add3A_102, %dma_start3A_169] : memref<125x80xi32, #tpu.memory_space<vmem>> -> memref<1x80xi32, #tpu.memory_space<vmem>>
          %dma_start3A_171 = tpu.memref_squeeze %dma_start3A_170 : memref<1x80xi32, #tpu.memory_space<vmem>> -> memref<80xi32, #tpu.memory_space<vmem>>
          %dma_start3A_172 = arith.constant 0 : i32
          %dma_start3A_173 = arith.constant 0 : i32
          %dma_start3A_174 = tpu.memref_slice %arg23[%dma_start3A_172, %dma_start3A_173] : memref<10000x64xf32, #tpu.memory_space<vmem_shared>> -> memref<10000x64xf32, #tpu.memory_space<vmem_shared>>
          tpu.enqueue_indirect_dma source(%arg14 : memref<80x64xf32, #tpu.memory_space<vmem>>) target(%dma_start3A_174 : memref<10000x64xf32, #tpu.memory_space<vmem_shared>>) offsets(%dma_start3A_171 : memref<80xi32, #tpu.memory_space<vmem>>) semaphore(%run_scoped3A : memref<!tpu.dma_semaphore, #tpu.memory_space<semaphore_mem>>) {add = true}
          %dma_wait3A_175 = arith.constant 0 : i32
          %dma_wait3A_176 = tpu.memref_slice %arg11[%add3A_102, %dma_wait3A_175] : memref<125x80xi32, #tpu.memory_space<vmem>> -> memref<1x80xi32, #tpu.memory_space<vmem>>
          %dma_wait3A_177 = tpu.memref_squeeze %dma_wait3A_176 : memref<1x80xi32, #tpu.memory_space<vmem>> -> memref<80xi32, #tpu.memory_space<vmem>>
          %dma_wait3A_178 = arith.constant 0 : i32
          %dma_wait3A_179 = arith.constant 0 : i32
          %dma_wait3A_180 = tpu.memref_slice %arg23[%dma_wait3A_178, %dma_wait3A_179] : memref<10000x64xf32, #tpu.memory_space<vmem_shared>> -> memref<10000x64xf32, #tpu.memory_space<vmem_shared>>
          tpu.wait_indirect_dma semaphore(%run_scoped3A : memref<!tpu.dma_semaphore, #tpu.memory_space<semaphore_mem>>) src(%arg14 : memref<80x64xf32, #tpu.memory_space<vmem>>) dst(%dma_wait3A_180 : memref<10000x64xf32, #tpu.memory_space<vmem_shared>>)
          tpu.yield
        }) : () -> ()
        "tpu.region"() ({
          %run_scoped3A = tpu.sem_alloc : memref<!tpu.dma_semaphore, #tpu.memory_space<semaphore_mem>>
          %dma_start3A_169 = arith.constant 0 : i32
          %dma_start3A_170 = tpu.memref_slice %arg11[%add3A_102, %dma_start3A_169] : memref<125x80xi32, #tpu.memory_space<vmem>> -> memref<1x80xi32, #tpu.memory_space<vmem>>
          %dma_start3A_171 = tpu.memref_squeeze %dma_start3A_170 : memref<1x80xi32, #tpu.memory_space<vmem>> -> memref<80xi32, #tpu.memory_space<vmem>>
          %dma_start3A_172 = arith.constant 0 : i32
          %dma_start3A_173 = arith.constant 0 : i32
          %dma_start3A_174 = tpu.memref_slice %arg24[%dma_start3A_172, %dma_start3A_173] : memref<10000x16xf32, #tpu.memory_space<vmem_shared>> -> memref<10000x16xf32, #tpu.memory_space<vmem_shared>>
          tpu.enqueue_indirect_dma source(%arg22 : memref<80x16xf32, #tpu.memory_space<vmem>>) target(%dma_start3A_174 : memref<10000x16xf32, #tpu.memory_space<vmem_shared>>) offsets(%dma_start3A_171 : memref<80xi32, #tpu.memory_space<vmem>>) semaphore(%run_scoped3A : memref<!tpu.dma_semaphore, #tpu.memory_space<semaphore_mem>>) {add = true}
          %dma_wait3A_175 = arith.constant 0 : i32
          %dma_wait3A_176 = tpu.memref_slice %arg11[%add3A_102, %dma_wait3A_175] : memref<125x80xi32, #tpu.memory_space<vmem>> -> memref<1x80xi32, #tpu.memory_space<vmem>>
          %dma_wait3A_177 = tpu.memref_squeeze %dma_wait3A_176 : memref<1x80xi32, #tpu.memory_space<vmem>> -> memref<80xi32, #tpu.memory_space<vmem>>
          %dma_wait3A_178 = arith.constant 0 : i32
          %dma_wait3A_179 = arith.constant 0 : i32
          %dma_wait3A_180 = tpu.memref_slice %arg24[%dma_wait3A_178, %dma_wait3A_179] : memref<10000x16xf32, #tpu.memory_space<vmem_shared>> -> memref<10000x16xf32, #tpu.memory_space<vmem_shared>>
          tpu.wait_indirect_dma semaphore(%run_scoped3A : memref<!tpu.dma_semaphore, #tpu.memory_space<semaphore_mem>>) src(%arg22 : memref<80x16xf32, #tpu.memory_space<vmem>>) dst(%dma_wait3A_180 : memref<10000x16xf32, #tpu.memory_space<vmem_shared>>)
          tpu.yield
        }) : () -> ()
        %add3A_162 = arith.constant 10 : i32
        %add3A_163 = arith.addi %add3A_102, %add3A_162 : i32
        %lt3A_164 = arith.constant 125 : i32
        %lt3A_165 = arith.cmpi slt, %add3A_163, %lt3A_164 : i32
        %convert_element_type3A_166 = arith.extui %lt3A_165 : i1 to i32
        %cond3A_167 = arith.constant 0 : i32
        %cond3A_168 = arith.cmpi ne, %convert_element_type3A_166, %cond3A_167 : i32
        scf.if %cond3A_168 {
          %add3A_169 = arith.constant 10 : i32
          %add3A_170 = arith.addi %add3A_102, %add3A_169 : i32
          %dma_start3A_171 = arith.constant 0 : i32
          %dma_start3A_172 = tpu.memref_slice %arg10[%add3A_170, %dma_start3A_171] : memref<125x80xi32, #tpu.memory_space<vmem>> -> memref<1x80xi32, #tpu.memory_space<vmem>>
          %dma_start3A_173 = tpu.memref_squeeze %dma_start3A_172 : memref<1x80xi32, #tpu.memory_space<vmem>> -> memref<80xi32, #tpu.memory_space<vmem>>
          %dma_start3A_174 = arith.constant 0 : i32
          %dma_start3A_175 = arith.constant 0 : i32
          %dma_start3A_176 = tpu.memref_slice %arg2[%dma_start3A_174, %dma_start3A_175] : memref<10000x64xf32, #tpu.memory_space<hbm>> -> memref<10000x64xf32, #tpu.memory_space<hbm>>
          tpu.enqueue_indirect_dma source(%dma_start3A_176 : memref<10000x64xf32, #tpu.memory_space<hbm>>) target(%arg14 : memref<80x64xf32, #tpu.memory_space<vmem>>) offsets(%dma_start3A_173 : memref<80xi32, #tpu.memory_space<vmem>>) semaphore(%arg27 : memref<!tpu.dma_semaphore, #tpu.memory_space<semaphore_mem>>)
        } else {
        }
      } else {
      }
      %add3A_108 = arith.constant 3 : i32
      %add3A_109 = arith.addi %mul3A_87, %add3A_108 : i32
      %lt3A_110 = arith.constant 125 : i32
      %lt3A_111 = arith.cmpi slt, %add3A_109, %lt3A_110 : i32
      %convert_element_type3A_112 = arith.extui %lt3A_111 : i1 to i32
      %cond3A_113 = arith.constant 0 : i32
      %cond3A_114 = arith.cmpi ne, %convert_element_type3A_112, %cond3A_113 : i32
      scf.if %cond3A_114 {
        %dma_wait3A = arith.constant 0 : i32
        %dma_wait3A_157 = arith.constant 0 : i32
        %dma_wait3A_158 = tpu.memref_slice %arg2[%dma_wait3A, %dma_wait3A_157] : memref<10000x64xf32, #tpu.memory_space<hbm>> -> memref<80x64xf32, #tpu.memory_space<hbm>>
        %dma_wait3A_159 = arith.constant 0 : i32
        %dma_wait3A_160 = arith.constant 0 : i32
        %dma_wait3A_161 = tpu.memref_slice %arg2[%dma_wait3A_159, %dma_wait3A_160] : memref<10000x64xf32, #tpu.memory_space<hbm>> -> memref<80x64xf32, #tpu.memory_space<hbm>>
        tpu.wait_dma2 semaphore(%arg28 : memref<!tpu.dma_semaphore, #tpu.memory_space<semaphore_mem>>) src(%dma_wait3A_161 : memref<80x64xf32, #tpu.memory_space<hbm>>) dst(%arg15 : memref<80x64xf32, #tpu.memory_space<vmem>>)
        "tpu.region"() ({
          %run_scoped3A = tpu.sem_alloc : memref<!tpu.dma_semaphore, #tpu.memory_space<semaphore_mem>>
          %dma_start3A_169 = arith.constant 0 : i32
          %dma_start3A_170 = tpu.memref_slice %arg11[%add3A_109, %dma_start3A_169] : memref<125x80xi32, #tpu.memory_space<vmem>> -> memref<1x80xi32, #tpu.memory_space<vmem>>
          %dma_start3A_171 = tpu.memref_squeeze %dma_start3A_170 : memref<1x80xi32, #tpu.memory_space<vmem>> -> memref<80xi32, #tpu.memory_space<vmem>>
          %dma_start3A_172 = arith.constant 0 : i32
          %dma_start3A_173 = arith.constant 0 : i32
          %dma_start3A_174 = tpu.memref_slice %arg23[%dma_start3A_172, %dma_start3A_173] : memref<10000x64xf32, #tpu.memory_space<vmem_shared>> -> memref<10000x64xf32, #tpu.memory_space<vmem_shared>>
          tpu.enqueue_indirect_dma source(%arg15 : memref<80x64xf32, #tpu.memory_space<vmem>>) target(%dma_start3A_174 : memref<10000x64xf32, #tpu.memory_space<vmem_shared>>) offsets(%dma_start3A_171 : memref<80xi32, #tpu.memory_space<vmem>>) semaphore(%run_scoped3A : memref<!tpu.dma_semaphore, #tpu.memory_space<semaphore_mem>>) {add = true}
          %dma_wait3A_175 = arith.constant 0 : i32
          %dma_wait3A_176 = tpu.memref_slice %arg11[%add3A_109, %dma_wait3A_175] : memref<125x80xi32, #tpu.memory_space<vmem>> -> memref<1x80xi32, #tpu.memory_space<vmem>>
          %dma_wait3A_177 = tpu.memref_squeeze %dma_wait3A_176 : memref<1x80xi32, #tpu.memory_space<vmem>> -> memref<80xi32, #tpu.memory_space<vmem>>
          %dma_wait3A_178 = arith.constant 0 : i32
          %dma_wait3A_179 = arith.constant 0 : i32
          %dma_wait3A_180 = tpu.memref_slice %arg23[%dma_wait3A_178, %dma_wait3A_179] : memref<10000x64xf32, #tpu.memory_space<vmem_shared>> -> memref<10000x64xf32, #tpu.memory_space<vmem_shared>>
          tpu.wait_indirect_dma semaphore(%run_scoped3A : memref<!tpu.dma_semaphore, #tpu.memory_space<semaphore_mem>>) src(%arg15 : memref<80x64xf32, #tpu.memory_space<vmem>>) dst(%dma_wait3A_180 : memref<10000x64xf32, #tpu.memory_space<vmem_shared>>)
          tpu.yield
        }) : () -> ()
        "tpu.region"() ({
          %run_scoped3A = tpu.sem_alloc : memref<!tpu.dma_semaphore, #tpu.memory_space<semaphore_mem>>
          %dma_start3A_169 = arith.constant 0 : i32
          %dma_start3A_170 = tpu.memref_slice %arg11[%add3A_109, %dma_start3A_169] : memref<125x80xi32, #tpu.memory_space<vmem>> -> memref<1x80xi32, #tpu.memory_space<vmem>>
          %dma_start3A_171 = tpu.memref_squeeze %dma_start3A_170 : memref<1x80xi32, #tpu.memory_space<vmem>> -> memref<80xi32, #tpu.memory_space<vmem>>
          %dma_start3A_172 = arith.constant 0 : i32
          %dma_start3A_173 = arith.constant 0 : i32
          %dma_start3A_174 = tpu.memref_slice %arg24[%dma_start3A_172, %dma_start3A_173] : memref<10000x16xf32, #tpu.memory_space<vmem_shared>> -> memref<10000x16xf32, #tpu.memory_space<vmem_shared>>
          tpu.enqueue_indirect_dma source(%arg22 : memref<80x16xf32, #tpu.memory_space<vmem>>) target(%dma_start3A_174 : memref<10000x16xf32, #tpu.memory_space<vmem_shared>>) offsets(%dma_start3A_171 : memref<80xi32, #tpu.memory_space<vmem>>) semaphore(%run_scoped3A : memref<!tpu.dma_semaphore, #tpu.memory_space<semaphore_mem>>) {add = true}
          %dma_wait3A_175 = arith.constant 0 : i32
          %dma_wait3A_176 = tpu.memref_slice %arg11[%add3A_109, %dma_wait3A_175] : memref<125x80xi32, #tpu.memory_space<vmem>> -> memref<1x80xi32, #tpu.memory_space<vmem>>
          %dma_wait3A_177 = tpu.memref_squeeze %dma_wait3A_176 : memref<1x80xi32, #tpu.memory_space<vmem>> -> memref<80xi32, #tpu.memory_space<vmem>>
          %dma_wait3A_178 = arith.constant 0 : i32
          %dma_wait3A_179 = arith.constant 0 : i32
          %dma_wait3A_180 = tpu.memref_slice %arg24[%dma_wait3A_178, %dma_wait3A_179] : memref<10000x16xf32, #tpu.memory_space<vmem_shared>> -> memref<10000x16xf32, #tpu.memory_space<vmem_shared>>
          tpu.wait_indirect_dma semaphore(%run_scoped3A : memref<!tpu.dma_semaphore, #tpu.memory_space<semaphore_mem>>) src(%arg22 : memref<80x16xf32, #tpu.memory_space<vmem>>) dst(%dma_wait3A_180 : memref<10000x16xf32, #tpu.memory_space<vmem_shared>>)
          tpu.yield
        }) : () -> ()
        %add3A_162 = arith.constant 10 : i32
        %add3A_163 = arith.addi %add3A_109, %add3A_162 : i32
        %lt3A_164 = arith.constant 125 : i32
        %lt3A_165 = arith.cmpi slt, %add3A_163, %lt3A_164 : i32
        %convert_element_type3A_166 = arith.extui %lt3A_165 : i1 to i32
        %cond3A_167 = arith.constant 0 : i32
        %cond3A_168 = arith.cmpi ne, %convert_element_type3A_166, %cond3A_167 : i32
        scf.if %cond3A_168 {
          %add3A_169 = arith.constant 10 : i32
          %add3A_170 = arith.addi %add3A_109, %add3A_169 : i32
          %dma_start3A_171 = arith.constant 0 : i32
          %dma_start3A_172 = tpu.memref_slice %arg10[%add3A_170, %dma_start3A_171] : memref<125x80xi32, #tpu.memory_space<vmem>> -> memref<1x80xi32, #tpu.memory_space<vmem>>
          %dma_start3A_173 = tpu.memref_squeeze %dma_start3A_172 : memref<1x80xi32, #tpu.memory_space<vmem>> -> memref<80xi32, #tpu.memory_space<vmem>>
          %dma_start3A_174 = arith.constant 0 : i32
          %dma_start3A_175 = arith.constant 0 : i32
          %dma_start3A_176 = tpu.memref_slice %arg2[%dma_start3A_174, %dma_start3A_175] : memref<10000x64xf32, #tpu.memory_space<hbm>> -> memref<10000x64xf32, #tpu.memory_space<hbm>>
          tpu.enqueue_indirect_dma source(%dma_start3A_176 : memref<10000x64xf32, #tpu.memory_space<hbm>>) target(%arg15 : memref<80x64xf32, #tpu.memory_space<vmem>>) offsets(%dma_start3A_173 : memref<80xi32, #tpu.memory_space<vmem>>) semaphore(%arg28 : memref<!tpu.dma_semaphore, #tpu.memory_space<semaphore_mem>>)
        } else {
        }
      } else {
      }
      %add3A_115 = arith.constant 4 : i32
      %add3A_116 = arith.addi %mul3A_87, %add3A_115 : i32
      %lt3A_117 = arith.constant 125 : i32
      %lt3A_118 = arith.cmpi slt, %add3A_116, %lt3A_117 : i32
      %convert_element_type3A_119 = arith.extui %lt3A_118 : i1 to i32
      %cond3A_120 = arith.constant 0 : i32
      %cond3A_121 = arith.cmpi ne, %convert_element_type3A_119, %cond3A_120 : i32
      scf.if %cond3A_121 {
        %dma_wait3A = arith.constant 0 : i32
        %dma_wait3A_157 = arith.constant 0 : i32
        %dma_wait3A_158 = tpu.memref_slice %arg2[%dma_wait3A, %dma_wait3A_157] : memref<10000x64xf32, #tpu.memory_space<hbm>> -> memref<80x64xf32, #tpu.memory_space<hbm>>
        %dma_wait3A_159 = arith.constant 0 : i32
        %dma_wait3A_160 = arith.constant 0 : i32
        %dma_wait3A_161 = tpu.memref_slice %arg2[%dma_wait3A_159, %dma_wait3A_160] : memref<10000x64xf32, #tpu.memory_space<hbm>> -> memref<80x64xf32, #tpu.memory_space<hbm>>
        tpu.wait_dma2 semaphore(%arg29 : memref<!tpu.dma_semaphore, #tpu.memory_space<semaphore_mem>>) src(%dma_wait3A_161 : memref<80x64xf32, #tpu.memory_space<hbm>>) dst(%arg16 : memref<80x64xf32, #tpu.memory_space<vmem>>)
        "tpu.region"() ({
          %run_scoped3A = tpu.sem_alloc : memref<!tpu.dma_semaphore, #tpu.memory_space<semaphore_mem>>
          %dma_start3A_169 = arith.constant 0 : i32
          %dma_start3A_170 = tpu.memref_slice %arg11[%add3A_116, %dma_start3A_169] : memref<125x80xi32, #tpu.memory_space<vmem>> -> memref<1x80xi32, #tpu.memory_space<vmem>>
          %dma_start3A_171 = tpu.memref_squeeze %dma_start3A_170 : memref<1x80xi32, #tpu.memory_space<vmem>> -> memref<80xi32, #tpu.memory_space<vmem>>
          %dma_start3A_172 = arith.constant 0 : i32
          %dma_start3A_173 = arith.constant 0 : i32
          %dma_start3A_174 = tpu.memref_slice %arg23[%dma_start3A_172, %dma_start3A_173] : memref<10000x64xf32, #tpu.memory_space<vmem_shared>> -> memref<10000x64xf32, #tpu.memory_space<vmem_shared>>
          tpu.enqueue_indirect_dma source(%arg16 : memref<80x64xf32, #tpu.memory_space<vmem>>) target(%dma_start3A_174 : memref<10000x64xf32, #tpu.memory_space<vmem_shared>>) offsets(%dma_start3A_171 : memref<80xi32, #tpu.memory_space<vmem>>) semaphore(%run_scoped3A : memref<!tpu.dma_semaphore, #tpu.memory_space<semaphore_mem>>) {add = true}
          %dma_wait3A_175 = arith.constant 0 : i32
          %dma_wait3A_176 = tpu.memref_slice %arg11[%add3A_116, %dma_wait3A_175] : memref<125x80xi32, #tpu.memory_space<vmem>> -> memref<1x80xi32, #tpu.memory_space<vmem>>
          %dma_wait3A_177 = tpu.memref_squeeze %dma_wait3A_176 : memref<1x80xi32, #tpu.memory_space<vmem>> -> memref<80xi32, #tpu.memory_space<vmem>>
          %dma_wait3A_178 = arith.constant 0 : i32
          %dma_wait3A_179 = arith.constant 0 : i32
          %dma_wait3A_180 = tpu.memref_slice %arg23[%dma_wait3A_178, %dma_wait3A_179] : memref<10000x64xf32, #tpu.memory_space<vmem_shared>> -> memref<10000x64xf32, #tpu.memory_space<vmem_shared>>
          tpu.wait_indirect_dma semaphore(%run_scoped3A : memref<!tpu.dma_semaphore, #tpu.memory_space<semaphore_mem>>) src(%arg16 : memref<80x64xf32, #tpu.memory_space<vmem>>) dst(%dma_wait3A_180 : memref<10000x64xf32, #tpu.memory_space<vmem_shared>>)
          tpu.yield
        }) : () -> ()
        "tpu.region"() ({
          %run_scoped3A = tpu.sem_alloc : memref<!tpu.dma_semaphore, #tpu.memory_space<semaphore_mem>>
          %dma_start3A_169 = arith.constant 0 : i32
          %dma_start3A_170 = tpu.memref_slice %arg11[%add3A_116, %dma_start3A_169] : memref<125x80xi32, #tpu.memory_space<vmem>> -> memref<1x80xi32, #tpu.memory_space<vmem>>
          %dma_start3A_171 = tpu.memref_squeeze %dma_start3A_170 : memref<1x80xi32, #tpu.memory_space<vmem>> -> memref<80xi32, #tpu.memory_space<vmem>>
          %dma_start3A_172 = arith.constant 0 : i32
          %dma_start3A_173 = arith.constant 0 : i32
          %dma_start3A_174 = tpu.memref_slice %arg24[%dma_start3A_172, %dma_start3A_173] : memref<10000x16xf32, #tpu.memory_space<vmem_shared>> -> memref<10000x16xf32, #tpu.memory_space<vmem_shared>>
          tpu.enqueue_indirect_dma source(%arg22 : memref<80x16xf32, #tpu.memory_space<vmem>>) target(%dma_start3A_174 : memref<10000x16xf32, #tpu.memory_space<vmem_shared>>) offsets(%dma_start3A_171 : memref<80xi32, #tpu.memory_space<vmem>>) semaphore(%run_scoped3A : memref<!tpu.dma_semaphore, #tpu.memory_space<semaphore_mem>>) {add = true}
          %dma_wait3A_175 = arith.constant 0 : i32
          %dma_wait3A_176 = tpu.memref_slice %arg11[%add3A_116, %dma_wait3A_175] : memref<125x80xi32, #tpu.memory_space<vmem>> -> memref<1x80xi32, #tpu.memory_space<vmem>>
          %dma_wait3A_177 = tpu.memref_squeeze %dma_wait3A_176 : memref<1x80xi32, #tpu.memory_space<vmem>> -> memref<80xi32, #tpu.memory_space<vmem>>
          %dma_wait3A_178 = arith.constant 0 : i32
          %dma_wait3A_179 = arith.constant 0 : i32
          %dma_wait3A_180 = tpu.memref_slice %arg24[%dma_wait3A_178, %dma_wait3A_179] : memref<10000x16xf32, #tpu.memory_space<vmem_shared>> -> memref<10000x16xf32, #tpu.memory_space<vmem_shared>>
          tpu.wait_indirect_dma semaphore(%run_scoped3A : memref<!tpu.dma_semaphore, #tpu.memory_space<semaphore_mem>>) src(%arg22 : memref<80x16xf32, #tpu.memory_space<vmem>>) dst(%dma_wait3A_180 : memref<10000x16xf32, #tpu.memory_space<vmem_shared>>)
          tpu.yield
        }) : () -> ()
        %add3A_162 = arith.constant 10 : i32
        %add3A_163 = arith.addi %add3A_116, %add3A_162 : i32
        %lt3A_164 = arith.constant 125 : i32
        %lt3A_165 = arith.cmpi slt, %add3A_163, %lt3A_164 : i32
        %convert_element_type3A_166 = arith.extui %lt3A_165 : i1 to i32
        %cond3A_167 = arith.constant 0 : i32
        %cond3A_168 = arith.cmpi ne, %convert_element_type3A_166, %cond3A_167 : i32
        scf.if %cond3A_168 {
          %add3A_169 = arith.constant 10 : i32
          %add3A_170 = arith.addi %add3A_116, %add3A_169 : i32
          %dma_start3A_171 = arith.constant 0 : i32
          %dma_start3A_172 = tpu.memref_slice %arg10[%add3A_170, %dma_start3A_171] : memref<125x80xi32, #tpu.memory_space<vmem>> -> memref<1x80xi32, #tpu.memory_space<vmem>>
          %dma_start3A_173 = tpu.memref_squeeze %dma_start3A_172 : memref<1x80xi32, #tpu.memory_space<vmem>> -> memref<80xi32, #tpu.memory_space<vmem>>
          %dma_start3A_174 = arith.constant 0 : i32
          %dma_start3A_175 = arith.constant 0 : i32
          %dma_start3A_176 = tpu.memref_slice %arg2[%dma_start3A_174, %dma_start3A_175] : memref<10000x64xf32, #tpu.memory_space<hbm>> -> memref<10000x64xf32, #tpu.memory_space<hbm>>
          tpu.enqueue_indirect_dma source(%dma_start3A_176 : memref<10000x64xf32, #tpu.memory_space<hbm>>) target(%arg16 : memref<80x64xf32, #tpu.memory_space<vmem>>) offsets(%dma_start3A_173 : memref<80xi32, #tpu.memory_space<vmem>>) semaphore(%arg29 : memref<!tpu.dma_semaphore, #tpu.memory_space<semaphore_mem>>)
        } else {
        }
      } else {
      }
      %add3A_122 = arith.constant 5 : i32
      %add3A_123 = arith.addi %mul3A_87, %add3A_122 : i32
      %lt3A_124 = arith.constant 125 : i32
      %lt3A_125 = arith.cmpi slt, %add3A_123, %lt3A_124 : i32
      %convert_element_type3A_126 = arith.extui %lt3A_125 : i1 to i32
      %cond3A_127 = arith.constant 0 : i32
      %cond3A_128 = arith.cmpi ne, %convert_element_type3A_126, %cond3A_127 : i32
      scf.if %cond3A_128 {
        %dma_wait3A = arith.constant 0 : i32
        %dma_wait3A_157 = arith.constant 0 : i32
        %dma_wait3A_158 = tpu.memref_slice %arg2[%dma_wait3A, %dma_wait3A_157] : memref<10000x64xf32, #tpu.memory_space<hbm>> -> memref<80x64xf32, #tpu.memory_space<hbm>>
        %dma_wait3A_159 = arith.constant 0 : i32
        %dma_wait3A_160 = arith.constant 0 : i32
        %dma_wait3A_161 = tpu.memref_slice %arg2[%dma_wait3A_159, %dma_wait3A_160] : memref<10000x64xf32, #tpu.memory_space<hbm>> -> memref<80x64xf32, #tpu.memory_space<hbm>>
        tpu.wait_dma2 semaphore(%arg30 : memref<!tpu.dma_semaphore, #tpu.memory_space<semaphore_mem>>) src(%dma_wait3A_161 : memref<80x64xf32, #tpu.memory_space<hbm>>) dst(%arg17 : memref<80x64xf32, #tpu.memory_space<vmem>>)
        "tpu.region"() ({
          %run_scoped3A = tpu.sem_alloc : memref<!tpu.dma_semaphore, #tpu.memory_space<semaphore_mem>>
          %dma_start3A_169 = arith.constant 0 : i32
          %dma_start3A_170 = tpu.memref_slice %arg11[%add3A_123, %dma_start3A_169] : memref<125x80xi32, #tpu.memory_space<vmem>> -> memref<1x80xi32, #tpu.memory_space<vmem>>
          %dma_start3A_171 = tpu.memref_squeeze %dma_start3A_170 : memref<1x80xi32, #tpu.memory_space<vmem>> -> memref<80xi32, #tpu.memory_space<vmem>>
          %dma_start3A_172 = arith.constant 0 : i32
          %dma_start3A_173 = arith.constant 0 : i32
          %dma_start3A_174 = tpu.memref_slice %arg23[%dma_start3A_172, %dma_start3A_173] : memref<10000x64xf32, #tpu.memory_space<vmem_shared>> -> memref<10000x64xf32, #tpu.memory_space<vmem_shared>>
          tpu.enqueue_indirect_dma source(%arg17 : memref<80x64xf32, #tpu.memory_space<vmem>>) target(%dma_start3A_174 : memref<10000x64xf32, #tpu.memory_space<vmem_shared>>) offsets(%dma_start3A_171 : memref<80xi32, #tpu.memory_space<vmem>>) semaphore(%run_scoped3A : memref<!tpu.dma_semaphore, #tpu.memory_space<semaphore_mem>>) {add = true}
          %dma_wait3A_175 = arith.constant 0 : i32
          %dma_wait3A_176 = tpu.memref_slice %arg11[%add3A_123, %dma_wait3A_175] : memref<125x80xi32, #tpu.memory_space<vmem>> -> memref<1x80xi32, #tpu.memory_space<vmem>>
          %dma_wait3A_177 = tpu.memref_squeeze %dma_wait3A_176 : memref<1x80xi32, #tpu.memory_space<vmem>> -> memref<80xi32, #tpu.memory_space<vmem>>
          %dma_wait3A_178 = arith.constant 0 : i32
          %dma_wait3A_179 = arith.constant 0 : i32
          %dma_wait3A_180 = tpu.memref_slice %arg23[%dma_wait3A_178, %dma_wait3A_179] : memref<10000x64xf32, #tpu.memory_space<vmem_shared>> -> memref<10000x64xf32, #tpu.memory_space<vmem_shared>>
          tpu.wait_indirect_dma semaphore(%run_scoped3A : memref<!tpu.dma_semaphore, #tpu.memory_space<semaphore_mem>>) src(%arg17 : memref<80x64xf32, #tpu.memory_space<vmem>>) dst(%dma_wait3A_180 : memref<10000x64xf32, #tpu.memory_space<vmem_shared>>)
          tpu.yield
        }) : () -> ()
        "tpu.region"() ({
          %run_scoped3A = tpu.sem_alloc : memref<!tpu.dma_semaphore, #tpu.memory_space<semaphore_mem>>
          %dma_start3A_169 = arith.constant 0 : i32
          %dma_start3A_170 = tpu.memref_slice %arg11[%add3A_123, %dma_start3A_169] : memref<125x80xi32, #tpu.memory_space<vmem>> -> memref<1x80xi32, #tpu.memory_space<vmem>>
          %dma_start3A_171 = tpu.memref_squeeze %dma_start3A_170 : memref<1x80xi32, #tpu.memory_space<vmem>> -> memref<80xi32, #tpu.memory_space<vmem>>
          %dma_start3A_172 = arith.constant 0 : i32
          %dma_start3A_173 = arith.constant 0 : i32
          %dma_start3A_174 = tpu.memref_slice %arg24[%dma_start3A_172, %dma_start3A_173] : memref<10000x16xf32, #tpu.memory_space<vmem_shared>> -> memref<10000x16xf32, #tpu.memory_space<vmem_shared>>
          tpu.enqueue_indirect_dma source(%arg22 : memref<80x16xf32, #tpu.memory_space<vmem>>) target(%dma_start3A_174 : memref<10000x16xf32, #tpu.memory_space<vmem_shared>>) offsets(%dma_start3A_171 : memref<80xi32, #tpu.memory_space<vmem>>) semaphore(%run_scoped3A : memref<!tpu.dma_semaphore, #tpu.memory_space<semaphore_mem>>) {add = true}
          %dma_wait3A_175 = arith.constant 0 : i32
          %dma_wait3A_176 = tpu.memref_slice %arg11[%add3A_123, %dma_wait3A_175] : memref<125x80xi32, #tpu.memory_space<vmem>> -> memref<1x80xi32, #tpu.memory_space<vmem>>
          %dma_wait3A_177 = tpu.memref_squeeze %dma_wait3A_176 : memref<1x80xi32, #tpu.memory_space<vmem>> -> memref<80xi32, #tpu.memory_space<vmem>>
          %dma_wait3A_178 = arith.constant 0 : i32
          %dma_wait3A_179 = arith.constant 0 : i32
          %dma_wait3A_180 = tpu.memref_slice %arg24[%dma_wait3A_178, %dma_wait3A_179] : memref<10000x16xf32, #tpu.memory_space<vmem_shared>> -> memref<10000x16xf32, #tpu.memory_space<vmem_shared>>
          tpu.wait_indirect_dma semaphore(%run_scoped3A : memref<!tpu.dma_semaphore, #tpu.memory_space<semaphore_mem>>) src(%arg22 : memref<80x16xf32, #tpu.memory_space<vmem>>) dst(%dma_wait3A_180 : memref<10000x16xf32, #tpu.memory_space<vmem_shared>>)
          tpu.yield
        }) : () -> ()
        %add3A_162 = arith.constant 10 : i32
        %add3A_163 = arith.addi %add3A_123, %add3A_162 : i32
        %lt3A_164 = arith.constant 125 : i32
        %lt3A_165 = arith.cmpi slt, %add3A_163, %lt3A_164 : i32
        %convert_element_type3A_166 = arith.extui %lt3A_165 : i1 to i32
        %cond3A_167 = arith.constant 0 : i32
        %cond3A_168 = arith.cmpi ne, %convert_element_type3A_166, %cond3A_167 : i32
        scf.if %cond3A_168 {
          %add3A_169 = arith.constant 10 : i32
          %add3A_170 = arith.addi %add3A_123, %add3A_169 : i32
          %dma_start3A_171 = arith.constant 0 : i32
          %dma_start3A_172 = tpu.memref_slice %arg10[%add3A_170, %dma_start3A_171] : memref<125x80xi32, #tpu.memory_space<vmem>> -> memref<1x80xi32, #tpu.memory_space<vmem>>
          %dma_start3A_173 = tpu.memref_squeeze %dma_start3A_172 : memref<1x80xi32, #tpu.memory_space<vmem>> -> memref<80xi32, #tpu.memory_space<vmem>>
          %dma_start3A_174 = arith.constant 0 : i32
          %dma_start3A_175 = arith.constant 0 : i32
          %dma_start3A_176 = tpu.memref_slice %arg2[%dma_start3A_174, %dma_start3A_175] : memref<10000x64xf32, #tpu.memory_space<hbm>> -> memref<10000x64xf32, #tpu.memory_space<hbm>>
          tpu.enqueue_indirect_dma source(%dma_start3A_176 : memref<10000x64xf32, #tpu.memory_space<hbm>>) target(%arg17 : memref<80x64xf32, #tpu.memory_space<vmem>>) offsets(%dma_start3A_173 : memref<80xi32, #tpu.memory_space<vmem>>) semaphore(%arg30 : memref<!tpu.dma_semaphore, #tpu.memory_space<semaphore_mem>>)
        } else {
        }
      } else {
      }
      %add3A_129 = arith.constant 6 : i32
      %add3A_130 = arith.addi %mul3A_87, %add3A_129 : i32
      %lt3A_131 = arith.constant 125 : i32
      %lt3A_132 = arith.cmpi slt, %add3A_130, %lt3A_131 : i32
      %convert_element_type3A_133 = arith.extui %lt3A_132 : i1 to i32
      %cond3A_134 = arith.constant 0 : i32
      %cond3A_135 = arith.cmpi ne, %convert_element_type3A_133, %cond3A_134 : i32
      scf.if %cond3A_135 {
        %dma_wait3A = arith.constant 0 : i32
        %dma_wait3A_157 = arith.constant 0 : i32
        %dma_wait3A_158 = tpu.memref_slice %arg2[%dma_wait3A, %dma_wait3A_157] : memref<10000x64xf32, #tpu.memory_space<hbm>> -> memref<80x64xf32, #tpu.memory_space<hbm>>
        %dma_wait3A_159 = arith.constant 0 : i32
        %dma_wait3A_160 = arith.constant 0 : i32
        %dma_wait3A_161 = tpu.memref_slice %arg2[%dma_wait3A_159, %dma_wait3A_160] : memref<10000x64xf32, #tpu.memory_space<hbm>> -> memref<80x64xf32, #tpu.memory_space<hbm>>
        tpu.wait_dma2 semaphore(%arg31 : memref<!tpu.dma_semaphore, #tpu.memory_space<semaphore_mem>>) src(%dma_wait3A_161 : memref<80x64xf32, #tpu.memory_space<hbm>>) dst(%arg18 : memref<80x64xf32, #tpu.memory_space<vmem>>)
        "tpu.region"() ({
          %run_scoped3A = tpu.sem_alloc : memref<!tpu.dma_semaphore, #tpu.memory_space<semaphore_mem>>
          %dma_start3A_169 = arith.constant 0 : i32
          %dma_start3A_170 = tpu.memref_slice %arg11[%add3A_130, %dma_start3A_169] : memref<125x80xi32, #tpu.memory_space<vmem>> -> memref<1x80xi32, #tpu.memory_space<vmem>>
          %dma_start3A_171 = tpu.memref_squeeze %dma_start3A_170 : memref<1x80xi32, #tpu.memory_space<vmem>> -> memref<80xi32, #tpu.memory_space<vmem>>
          %dma_start3A_172 = arith.constant 0 : i32
          %dma_start3A_173 = arith.constant 0 : i32
          %dma_start3A_174 = tpu.memref_slice %arg23[%dma_start3A_172, %dma_start3A_173] : memref<10000x64xf32, #tpu.memory_space<vmem_shared>> -> memref<10000x64xf32, #tpu.memory_space<vmem_shared>>
          tpu.enqueue_indirect_dma source(%arg18 : memref<80x64xf32, #tpu.memory_space<vmem>>) target(%dma_start3A_174 : memref<10000x64xf32, #tpu.memory_space<vmem_shared>>) offsets(%dma_start3A_171 : memref<80xi32, #tpu.memory_space<vmem>>) semaphore(%run_scoped3A : memref<!tpu.dma_semaphore, #tpu.memory_space<semaphore_mem>>) {add = true}
          %dma_wait3A_175 = arith.constant 0 : i32
          %dma_wait3A_176 = tpu.memref_slice %arg11[%add3A_130, %dma_wait3A_175] : memref<125x80xi32, #tpu.memory_space<vmem>> -> memref<1x80xi32, #tpu.memory_space<vmem>>
          %dma_wait3A_177 = tpu.memref_squeeze %dma_wait3A_176 : memref<1x80xi32, #tpu.memory_space<vmem>> -> memref<80xi32, #tpu.memory_space<vmem>>
          %dma_wait3A_178 = arith.constant 0 : i32
          %dma_wait3A_179 = arith.constant 0 : i32
          %dma_wait3A_180 = tpu.memref_slice %arg23[%dma_wait3A_178, %dma_wait3A_179] : memref<10000x64xf32, #tpu.memory_space<vmem_shared>> -> memref<10000x64xf32, #tpu.memory_space<vmem_shared>>
          tpu.wait_indirect_dma semaphore(%run_scoped3A : memref<!tpu.dma_semaphore, #tpu.memory_space<semaphore_mem>>) src(%arg18 : memref<80x64xf32, #tpu.memory_space<vmem>>) dst(%dma_wait3A_180 : memref<10000x64xf32, #tpu.memory_space<vmem_shared>>)
          tpu.yield
        }) : () -> ()
        "tpu.region"() ({
          %run_scoped3A = tpu.sem_alloc : memref<!tpu.dma_semaphore, #tpu.memory_space<semaphore_mem>>
          %dma_start3A_169 = arith.constant 0 : i32
          %dma_start3A_170 = tpu.memref_slice %arg11[%add3A_130, %dma_start3A_169] : memref<125x80xi32, #tpu.memory_space<vmem>> -> memref<1x80xi32, #tpu.memory_space<vmem>>
          %dma_start3A_171 = tpu.memref_squeeze %dma_start3A_170 : memref<1x80xi32, #tpu.memory_space<vmem>> -> memref<80xi32, #tpu.memory_space<vmem>>
          %dma_start3A_172 = arith.constant 0 : i32
          %dma_start3A_173 = arith.constant 0 : i32
          %dma_start3A_174 = tpu.memref_slice %arg24[%dma_start3A_172, %dma_start3A_173] : memref<10000x16xf32, #tpu.memory_space<vmem_shared>> -> memref<10000x16xf32, #tpu.memory_space<vmem_shared>>
          tpu.enqueue_indirect_dma source(%arg22 : memref<80x16xf32, #tpu.memory_space<vmem>>) target(%dma_start3A_174 : memref<10000x16xf32, #tpu.memory_space<vmem_shared>>) offsets(%dma_start3A_171 : memref<80xi32, #tpu.memory_space<vmem>>) semaphore(%run_scoped3A : memref<!tpu.dma_semaphore, #tpu.memory_space<semaphore_mem>>) {add = true}
          %dma_wait3A_175 = arith.constant 0 : i32
          %dma_wait3A_176 = tpu.memref_slice %arg11[%add3A_130, %dma_wait3A_175] : memref<125x80xi32, #tpu.memory_space<vmem>> -> memref<1x80xi32, #tpu.memory_space<vmem>>
          %dma_wait3A_177 = tpu.memref_squeeze %dma_wait3A_176 : memref<1x80xi32, #tpu.memory_space<vmem>> -> memref<80xi32, #tpu.memory_space<vmem>>
          %dma_wait3A_178 = arith.constant 0 : i32
          %dma_wait3A_179 = arith.constant 0 : i32
          %dma_wait3A_180 = tpu.memref_slice %arg24[%dma_wait3A_178, %dma_wait3A_179] : memref<10000x16xf32, #tpu.memory_space<vmem_shared>> -> memref<10000x16xf32, #tpu.memory_space<vmem_shared>>
          tpu.wait_indirect_dma semaphore(%run_scoped3A : memref<!tpu.dma_semaphore, #tpu.memory_space<semaphore_mem>>) src(%arg22 : memref<80x16xf32, #tpu.memory_space<vmem>>) dst(%dma_wait3A_180 : memref<10000x16xf32, #tpu.memory_space<vmem_shared>>)
          tpu.yield
        }) : () -> ()
        %add3A_162 = arith.constant 10 : i32
        %add3A_163 = arith.addi %add3A_130, %add3A_162 : i32
        %lt3A_164 = arith.constant 125 : i32
        %lt3A_165 = arith.cmpi slt, %add3A_163, %lt3A_164 : i32
        %convert_element_type3A_166 = arith.extui %lt3A_165 : i1 to i32
        %cond3A_167 = arith.constant 0 : i32
        %cond3A_168 = arith.cmpi ne, %convert_element_type3A_166, %cond3A_167 : i32
        scf.if %cond3A_168 {
          %add3A_169 = arith.constant 10 : i32
          %add3A_170 = arith.addi %add3A_130, %add3A_169 : i32
          %dma_start3A_171 = arith.constant 0 : i32
          %dma_start3A_172 = tpu.memref_slice %arg10[%add3A_170, %dma_start3A_171] : memref<125x80xi32, #tpu.memory_space<vmem>> -> memref<1x80xi32, #tpu.memory_space<vmem>>
          %dma_start3A_173 = tpu.memref_squeeze %dma_start3A_172 : memref<1x80xi32, #tpu.memory_space<vmem>> -> memref<80xi32, #tpu.memory_space<vmem>>
          %dma_start3A_174 = arith.constant 0 : i32
          %dma_start3A_175 = arith.constant 0 : i32
          %dma_start3A_176 = tpu.memref_slice %arg2[%dma_start3A_174, %dma_start3A_175] : memref<10000x64xf32, #tpu.memory_space<hbm>> -> memref<10000x64xf32, #tpu.memory_space<hbm>>
          tpu.enqueue_indirect_dma source(%dma_start3A_176 : memref<10000x64xf32, #tpu.memory_space<hbm>>) target(%arg18 : memref<80x64xf32, #tpu.memory_space<vmem>>) offsets(%dma_start3A_173 : memref<80xi32, #tpu.memory_space<vmem>>) semaphore(%arg31 : memref<!tpu.dma_semaphore, #tpu.memory_space<semaphore_mem>>)
        } else {
        }
      } else {
      }
      %add3A_136 = arith.constant 7 : i32
      %add3A_137 = arith.addi %mul3A_87, %add3A_136 : i32
      %lt3A_138 = arith.constant 125 : i32
      %lt3A_139 = arith.cmpi slt, %add3A_137, %lt3A_138 : i32
      %convert_element_type3A_140 = arith.extui %lt3A_139 : i1 to i32
      %cond3A_141 = arith.constant 0 : i32
      %cond3A_142 = arith.cmpi ne, %convert_element_type3A_140, %cond3A_141 : i32
      scf.if %cond3A_142 {
        %dma_wait3A = arith.constant 0 : i32
        %dma_wait3A_157 = arith.constant 0 : i32
        %dma_wait3A_158 = tpu.memref_slice %arg2[%dma_wait3A, %dma_wait3A_157] : memref<10000x64xf32, #tpu.memory_space<hbm>> -> memref<80x64xf32, #tpu.memory_space<hbm>>
        %dma_wait3A_159 = arith.constant 0 : i32
        %dma_wait3A_160 = arith.constant 0 : i32
        %dma_wait3A_161 = tpu.memref_slice %arg2[%dma_wait3A_159, %dma_wait3A_160] : memref<10000x64xf32, #tpu.memory_space<hbm>> -> memref<80x64xf32, #tpu.memory_space<hbm>>
        tpu.wait_dma2 semaphore(%arg32 : memref<!tpu.dma_semaphore, #tpu.memory_space<semaphore_mem>>) src(%dma_wait3A_161 : memref<80x64xf32, #tpu.memory_space<hbm>>) dst(%arg19 : memref<80x64xf32, #tpu.memory_space<vmem>>)
        "tpu.region"() ({
          %run_scoped3A = tpu.sem_alloc : memref<!tpu.dma_semaphore, #tpu.memory_space<semaphore_mem>>
          %dma_start3A_169 = arith.constant 0 : i32
          %dma_start3A_170 = tpu.memref_slice %arg11[%add3A_137, %dma_start3A_169] : memref<125x80xi32, #tpu.memory_space<vmem>> -> memref<1x80xi32, #tpu.memory_space<vmem>>
          %dma_start3A_171 = tpu.memref_squeeze %dma_start3A_170 : memref<1x80xi32, #tpu.memory_space<vmem>> -> memref<80xi32, #tpu.memory_space<vmem>>
          %dma_start3A_172 = arith.constant 0 : i32
          %dma_start3A_173 = arith.constant 0 : i32
          %dma_start3A_174 = tpu.memref_slice %arg23[%dma_start3A_172, %dma_start3A_173] : memref<10000x64xf32, #tpu.memory_space<vmem_shared>> -> memref<10000x64xf32, #tpu.memory_space<vmem_shared>>
          tpu.enqueue_indirect_dma source(%arg19 : memref<80x64xf32, #tpu.memory_space<vmem>>) target(%dma_start3A_174 : memref<10000x64xf32, #tpu.memory_space<vmem_shared>>) offsets(%dma_start3A_171 : memref<80xi32, #tpu.memory_space<vmem>>) semaphore(%run_scoped3A : memref<!tpu.dma_semaphore, #tpu.memory_space<semaphore_mem>>) {add = true}
          %dma_wait3A_175 = arith.constant 0 : i32
          %dma_wait3A_176 = tpu.memref_slice %arg11[%add3A_137, %dma_wait3A_175] : memref<125x80xi32, #tpu.memory_space<vmem>> -> memref<1x80xi32, #tpu.memory_space<vmem>>
          %dma_wait3A_177 = tpu.memref_squeeze %dma_wait3A_176 : memref<1x80xi32, #tpu.memory_space<vmem>> -> memref<80xi32, #tpu.memory_space<vmem>>
          %dma_wait3A_178 = arith.constant 0 : i32
          %dma_wait3A_179 = arith.constant 0 : i32
          %dma_wait3A_180 = tpu.memref_slice %arg23[%dma_wait3A_178, %dma_wait3A_179] : memref<10000x64xf32, #tpu.memory_space<vmem_shared>> -> memref<10000x64xf32, #tpu.memory_space<vmem_shared>>
          tpu.wait_indirect_dma semaphore(%run_scoped3A : memref<!tpu.dma_semaphore, #tpu.memory_space<semaphore_mem>>) src(%arg19 : memref<80x64xf32, #tpu.memory_space<vmem>>) dst(%dma_wait3A_180 : memref<10000x64xf32, #tpu.memory_space<vmem_shared>>)
          tpu.yield
        }) : () -> ()
        "tpu.region"() ({
          %run_scoped3A = tpu.sem_alloc : memref<!tpu.dma_semaphore, #tpu.memory_space<semaphore_mem>>
          %dma_start3A_169 = arith.constant 0 : i32
          %dma_start3A_170 = tpu.memref_slice %arg11[%add3A_137, %dma_start3A_169] : memref<125x80xi32, #tpu.memory_space<vmem>> -> memref<1x80xi32, #tpu.memory_space<vmem>>
          %dma_start3A_171 = tpu.memref_squeeze %dma_start3A_170 : memref<1x80xi32, #tpu.memory_space<vmem>> -> memref<80xi32, #tpu.memory_space<vmem>>
          %dma_start3A_172 = arith.constant 0 : i32
          %dma_start3A_173 = arith.constant 0 : i32
          %dma_start3A_174 = tpu.memref_slice %arg24[%dma_start3A_172, %dma_start3A_173] : memref<10000x16xf32, #tpu.memory_space<vmem_shared>> -> memref<10000x16xf32, #tpu.memory_space<vmem_shared>>
          tpu.enqueue_indirect_dma source(%arg22 : memref<80x16xf32, #tpu.memory_space<vmem>>) target(%dma_start3A_174 : memref<10000x16xf32, #tpu.memory_space<vmem_shared>>) offsets(%dma_start3A_171 : memref<80xi32, #tpu.memory_space<vmem>>) semaphore(%run_scoped3A : memref<!tpu.dma_semaphore, #tpu.memory_space<semaphore_mem>>) {add = true}
          %dma_wait3A_175 = arith.constant 0 : i32
          %dma_wait3A_176 = tpu.memref_slice %arg11[%add3A_137, %dma_wait3A_175] : memref<125x80xi32, #tpu.memory_space<vmem>> -> memref<1x80xi32, #tpu.memory_space<vmem>>
          %dma_wait3A_177 = tpu.memref_squeeze %dma_wait3A_176 : memref<1x80xi32, #tpu.memory_space<vmem>> -> memref<80xi32, #tpu.memory_space<vmem>>
          %dma_wait3A_178 = arith.constant 0 : i32
          %dma_wait3A_179 = arith.constant 0 : i32
          %dma_wait3A_180 = tpu.memref_slice %arg24[%dma_wait3A_178, %dma_wait3A_179] : memref<10000x16xf32, #tpu.memory_space<vmem_shared>> -> memref<10000x16xf32, #tpu.memory_space<vmem_shared>>
          tpu.wait_indirect_dma semaphore(%run_scoped3A : memref<!tpu.dma_semaphore, #tpu.memory_space<semaphore_mem>>) src(%arg22 : memref<80x16xf32, #tpu.memory_space<vmem>>) dst(%dma_wait3A_180 : memref<10000x16xf32, #tpu.memory_space<vmem_shared>>)
          tpu.yield
        }) : () -> ()
        %add3A_162 = arith.constant 10 : i32
        %add3A_163 = arith.addi %add3A_137, %add3A_162 : i32
        %lt3A_164 = arith.constant 125 : i32
        %lt3A_165 = arith.cmpi slt, %add3A_163, %lt3A_164 : i32
        %convert_element_type3A_166 = arith.extui %lt3A_165 : i1 to i32
        %cond3A_167 = arith.constant 0 : i32
        %cond3A_168 = arith.cmpi ne, %convert_element_type3A_166, %cond3A_167 : i32
        scf.if %cond3A_168 {
          %add3A_169 = arith.constant 10 : i32
          %add3A_170 = arith.addi %add3A_137, %add3A_169 : i32
          %dma_start3A_171 = arith.constant 0 : i32
          %dma_start3A_172 = tpu.memref_slice %arg10[%add3A_170, %dma_start3A_171] : memref<125x80xi32, #tpu.memory_space<vmem>> -> memref<1x80xi32, #tpu.memory_space<vmem>>
          %dma_start3A_173 = tpu.memref_squeeze %dma_start3A_172 : memref<1x80xi32, #tpu.memory_space<vmem>> -> memref<80xi32, #tpu.memory_space<vmem>>
          %dma_start3A_174 = arith.constant 0 : i32
          %dma_start3A_175 = arith.constant 0 : i32
          %dma_start3A_176 = tpu.memref_slice %arg2[%dma_start3A_174, %dma_start3A_175] : memref<10000x64xf32, #tpu.memory_space<hbm>> -> memref<10000x64xf32, #tpu.memory_space<hbm>>
          tpu.enqueue_indirect_dma source(%dma_start3A_176 : memref<10000x64xf32, #tpu.memory_space<hbm>>) target(%arg19 : memref<80x64xf32, #tpu.memory_space<vmem>>) offsets(%dma_start3A_173 : memref<80xi32, #tpu.memory_space<vmem>>) semaphore(%arg32 : memref<!tpu.dma_semaphore, #tpu.memory_space<semaphore_mem>>)
        } else {
        }
      } else {
      }
      %add3A_143 = arith.constant 8 : i32
      %add3A_144 = arith.addi %mul3A_87, %add3A_143 : i32
      %lt3A_145 = arith.constant 125 : i32
      %lt3A_146 = arith.cmpi slt, %add3A_144, %lt3A_145 : i32
      %convert_element_type3A_147 = arith.extui %lt3A_146 : i1 to i32
      %cond3A_148 = arith.constant 0 : i32
      %cond3A_149 = arith.cmpi ne, %convert_element_type3A_147, %cond3A_148 : i32
      scf.if %cond3A_149 {
        %dma_wait3A = arith.constant 0 : i32
        %dma_wait3A_157 = arith.constant 0 : i32
        %dma_wait3A_158 = tpu.memref_slice %arg2[%dma_wait3A, %dma_wait3A_157] : memref<10000x64xf32, #tpu.memory_space<hbm>> -> memref<80x64xf32, #tpu.memory_space<hbm>>
        %dma_wait3A_159 = arith.constant 0 : i32
        %dma_wait3A_160 = arith.constant 0 : i32
        %dma_wait3A_161 = tpu.memref_slice %arg2[%dma_wait3A_159, %dma_wait3A_160] : memref<10000x64xf32, #tpu.memory_space<hbm>> -> memref<80x64xf32, #tpu.memory_space<hbm>>
        tpu.wait_dma2 semaphore(%arg33 : memref<!tpu.dma_semaphore, #tpu.memory_space<semaphore_mem>>) src(%dma_wait3A_161 : memref<80x64xf32, #tpu.memory_space<hbm>>) dst(%arg20 : memref<80x64xf32, #tpu.memory_space<vmem>>)
        "tpu.region"() ({
          %run_scoped3A = tpu.sem_alloc : memref<!tpu.dma_semaphore, #tpu.memory_space<semaphore_mem>>
          %dma_start3A_169 = arith.constant 0 : i32
          %dma_start3A_170 = tpu.memref_slice %arg11[%add3A_144, %dma_start3A_169] : memref<125x80xi32, #tpu.memory_space<vmem>> -> memref<1x80xi32, #tpu.memory_space<vmem>>
          %dma_start3A_171 = tpu.memref_squeeze %dma_start3A_170 : memref<1x80xi32, #tpu.memory_space<vmem>> -> memref<80xi32, #tpu.memory_space<vmem>>
          %dma_start3A_172 = arith.constant 0 : i32
          %dma_start3A_173 = arith.constant 0 : i32
          %dma_start3A_174 = tpu.memref_slice %arg23[%dma_start3A_172, %dma_start3A_173] : memref<10000x64xf32, #tpu.memory_space<vmem_shared>> -> memref<10000x64xf32, #tpu.memory_space<vmem_shared>>
          tpu.enqueue_indirect_dma source(%arg20 : memref<80x64xf32, #tpu.memory_space<vmem>>) target(%dma_start3A_174 : memref<10000x64xf32, #tpu.memory_space<vmem_shared>>) offsets(%dma_start3A_171 : memref<80xi32, #tpu.memory_space<vmem>>) semaphore(%run_scoped3A : memref<!tpu.dma_semaphore, #tpu.memory_space<semaphore_mem>>) {add = true}
          %dma_wait3A_175 = arith.constant 0 : i32
          %dma_wait3A_176 = tpu.memref_slice %arg11[%add3A_144, %dma_wait3A_175] : memref<125x80xi32, #tpu.memory_space<vmem>> -> memref<1x80xi32, #tpu.memory_space<vmem>>
          %dma_wait3A_177 = tpu.memref_squeeze %dma_wait3A_176 : memref<1x80xi32, #tpu.memory_space<vmem>> -> memref<80xi32, #tpu.memory_space<vmem>>
          %dma_wait3A_178 = arith.constant 0 : i32
          %dma_wait3A_179 = arith.constant 0 : i32
          %dma_wait3A_180 = tpu.memref_slice %arg23[%dma_wait3A_178, %dma_wait3A_179] : memref<10000x64xf32, #tpu.memory_space<vmem_shared>> -> memref<10000x64xf32, #tpu.memory_space<vmem_shared>>
          tpu.wait_indirect_dma semaphore(%run_scoped3A : memref<!tpu.dma_semaphore, #tpu.memory_space<semaphore_mem>>) src(%arg20 : memref<80x64xf32, #tpu.memory_space<vmem>>) dst(%dma_wait3A_180 : memref<10000x64xf32, #tpu.memory_space<vmem_shared>>)
          tpu.yield
        }) : () -> ()
        "tpu.region"() ({
          %run_scoped3A = tpu.sem_alloc : memref<!tpu.dma_semaphore, #tpu.memory_space<semaphore_mem>>
          %dma_start3A_169 = arith.constant 0 : i32
          %dma_start3A_170 = tpu.memref_slice %arg11[%add3A_144, %dma_start3A_169] : memref<125x80xi32, #tpu.memory_space<vmem>> -> memref<1x80xi32, #tpu.memory_space<vmem>>
          %dma_start3A_171 = tpu.memref_squeeze %dma_start3A_170 : memref<1x80xi32, #tpu.memory_space<vmem>> -> memref<80xi32, #tpu.memory_space<vmem>>
          %dma_start3A_172 = arith.constant 0 : i32
          %dma_start3A_173 = arith.constant 0 : i32
          %dma_start3A_174 = tpu.memref_slice %arg24[%dma_start3A_172, %dma_start3A_173] : memref<10000x16xf32, #tpu.memory_space<vmem_shared>> -> memref<10000x16xf32, #tpu.memory_space<vmem_shared>>
          tpu.enqueue_indirect_dma source(%arg22 : memref<80x16xf32, #tpu.memory_space<vmem>>) target(%dma_start3A_174 : memref<10000x16xf32, #tpu.memory_space<vmem_shared>>) offsets(%dma_start3A_171 : memref<80xi32, #tpu.memory_space<vmem>>) semaphore(%run_scoped3A : memref<!tpu.dma_semaphore, #tpu.memory_space<semaphore_mem>>) {add = true}
          %dma_wait3A_175 = arith.constant 0 : i32
          %dma_wait3A_176 = tpu.memref_slice %arg11[%add3A_144, %dma_wait3A_175] : memref<125x80xi32, #tpu.memory_space<vmem>> -> memref<1x80xi32, #tpu.memory_space<vmem>>
          %dma_wait3A_177 = tpu.memref_squeeze %dma_wait3A_176 : memref<1x80xi32, #tpu.memory_space<vmem>> -> memref<80xi32, #tpu.memory_space<vmem>>
          %dma_wait3A_178 = arith.constant 0 : i32
          %dma_wait3A_179 = arith.constant 0 : i32
          %dma_wait3A_180 = tpu.memref_slice %arg24[%dma_wait3A_178, %dma_wait3A_179] : memref<10000x16xf32, #tpu.memory_space<vmem_shared>> -> memref<10000x16xf32, #tpu.memory_space<vmem_shared>>
          tpu.wait_indirect_dma semaphore(%run_scoped3A : memref<!tpu.dma_semaphore, #tpu.memory_space<semaphore_mem>>) src(%arg22 : memref<80x16xf32, #tpu.memory_space<vmem>>) dst(%dma_wait3A_180 : memref<10000x16xf32, #tpu.memory_space<vmem_shared>>)
          tpu.yield
        }) : () -> ()
        %add3A_162 = arith.constant 10 : i32
        %add3A_163 = arith.addi %add3A_144, %add3A_162 : i32
        %lt3A_164 = arith.constant 125 : i32
        %lt3A_165 = arith.cmpi slt, %add3A_163, %lt3A_164 : i32
        %convert_element_type3A_166 = arith.extui %lt3A_165 : i1 to i32
        %cond3A_167 = arith.constant 0 : i32
        %cond3A_168 = arith.cmpi ne, %convert_element_type3A_166, %cond3A_167 : i32
        scf.if %cond3A_168 {
          %add3A_169 = arith.constant 10 : i32
          %add3A_170 = arith.addi %add3A_144, %add3A_169 : i32
          %dma_start3A_171 = arith.constant 0 : i32
          %dma_start3A_172 = tpu.memref_slice %arg10[%add3A_170, %dma_start3A_171] : memref<125x80xi32, #tpu.memory_space<vmem>> -> memref<1x80xi32, #tpu.memory_space<vmem>>
          %dma_start3A_173 = tpu.memref_squeeze %dma_start3A_172 : memref<1x80xi32, #tpu.memory_space<vmem>> -> memref<80xi32, #tpu.memory_space<vmem>>
          %dma_start3A_174 = arith.constant 0 : i32
          %dma_start3A_175 = arith.constant 0 : i32
          %dma_start3A_176 = tpu.memref_slice %arg2[%dma_start3A_174, %dma_start3A_175] : memref<10000x64xf32, #tpu.memory_space<hbm>> -> memref<10000x64xf32, #tpu.memory_space<hbm>>
          tpu.enqueue_indirect_dma source(%dma_start3A_176 : memref<10000x64xf32, #tpu.memory_space<hbm>>) target(%arg20 : memref<80x64xf32, #tpu.memory_space<vmem>>) offsets(%dma_start3A_173 : memref<80xi32, #tpu.memory_space<vmem>>) semaphore(%arg33 : memref<!tpu.dma_semaphore, #tpu.memory_space<semaphore_mem>>)
        } else {
        }
      } else {
      }
      %add3A_150 = arith.constant 9 : i32
      %add3A_151 = arith.addi %mul3A_87, %add3A_150 : i32
      %lt3A_152 = arith.constant 125 : i32
      %lt3A_153 = arith.cmpi slt, %add3A_151, %lt3A_152 : i32
      %convert_element_type3A_154 = arith.extui %lt3A_153 : i1 to i32
      %cond3A_155 = arith.constant 0 : i32
      %cond3A_156 = arith.cmpi ne, %convert_element_type3A_154, %cond3A_155 : i32
      scf.if %cond3A_156 {
        %dma_wait3A = arith.constant 0 : i32
        %dma_wait3A_157 = arith.constant 0 : i32
        %dma_wait3A_158 = tpu.memref_slice %arg2[%dma_wait3A, %dma_wait3A_157] : memref<10000x64xf32, #tpu.memory_space<hbm>> -> memref<80x64xf32, #tpu.memory_space<hbm>>
        %dma_wait3A_159 = arith.constant 0 : i32
        %dma_wait3A_160 = arith.constant 0 : i32
        %dma_wait3A_161 = tpu.memref_slice %arg2[%dma_wait3A_159, %dma_wait3A_160] : memref<10000x64xf32, #tpu.memory_space<hbm>> -> memref<80x64xf32, #tpu.memory_space<hbm>>
        tpu.wait_dma2 semaphore(%arg34 : memref<!tpu.dma_semaphore, #tpu.memory_space<semaphore_mem>>) src(%dma_wait3A_161 : memref<80x64xf32, #tpu.memory_space<hbm>>) dst(%arg21 : memref<80x64xf32, #tpu.memory_space<vmem>>)
        "tpu.region"() ({
          %run_scoped3A = tpu.sem_alloc : memref<!tpu.dma_semaphore, #tpu.memory_space<semaphore_mem>>
          %dma_start3A_169 = arith.constant 0 : i32
          %dma_start3A_170 = tpu.memref_slice %arg11[%add3A_151, %dma_start3A_169] : memref<125x80xi32, #tpu.memory_space<vmem>> -> memref<1x80xi32, #tpu.memory_space<vmem>>
          %dma_start3A_171 = tpu.memref_squeeze %dma_start3A_170 : memref<1x80xi32, #tpu.memory_space<vmem>> -> memref<80xi32, #tpu.memory_space<vmem>>
          %dma_start3A_172 = arith.constant 0 : i32
          %dma_start3A_173 = arith.constant 0 : i32
          %dma_start3A_174 = tpu.memref_slice %arg23[%dma_start3A_172, %dma_start3A_173] : memref<10000x64xf32, #tpu.memory_space<vmem_shared>> -> memref<10000x64xf32, #tpu.memory_space<vmem_shared>>
          tpu.enqueue_indirect_dma source(%arg21 : memref<80x64xf32, #tpu.memory_space<vmem>>) target(%dma_start3A_174 : memref<10000x64xf32, #tpu.memory_space<vmem_shared>>) offsets(%dma_start3A_171 : memref<80xi32, #tpu.memory_space<vmem>>) semaphore(%run_scoped3A : memref<!tpu.dma_semaphore, #tpu.memory_space<semaphore_mem>>) {add = true}
          %dma_wait3A_175 = arith.constant 0 : i32
          %dma_wait3A_176 = tpu.memref_slice %arg11[%add3A_151, %dma_wait3A_175] : memref<125x80xi32, #tpu.memory_space<vmem>> -> memref<1x80xi32, #tpu.memory_space<vmem>>
          %dma_wait3A_177 = tpu.memref_squeeze %dma_wait3A_176 : memref<1x80xi32, #tpu.memory_space<vmem>> -> memref<80xi32, #tpu.memory_space<vmem>>
          %dma_wait3A_178 = arith.constant 0 : i32
          %dma_wait3A_179 = arith.constant 0 : i32
          %dma_wait3A_180 = tpu.memref_slice %arg23[%dma_wait3A_178, %dma_wait3A_179] : memref<10000x64xf32, #tpu.memory_space<vmem_shared>> -> memref<10000x64xf32, #tpu.memory_space<vmem_shared>>
          tpu.wait_indirect_dma semaphore(%run_scoped3A : memref<!tpu.dma_semaphore, #tpu.memory_space<semaphore_mem>>) src(%arg21 : memref<80x64xf32, #tpu.memory_space<vmem>>) dst(%dma_wait3A_180 : memref<10000x64xf32, #tpu.memory_space<vmem_shared>>)
          tpu.yield
        }) : () -> ()
        "tpu.region"() ({
          %run_scoped3A = tpu.sem_alloc : memref<!tpu.dma_semaphore, #tpu.memory_space<semaphore_mem>>
          %dma_start3A_169 = arith.constant 0 : i32
          %dma_start3A_170 = tpu.memref_slice %arg11[%add3A_151, %dma_start3A_169] : memref<125x80xi32, #tpu.memory_space<vmem>> -> memref<1x80xi32, #tpu.memory_space<vmem>>
          %dma_start3A_171 = tpu.memref_squeeze %dma_start3A_170 : memref<1x80xi32, #tpu.memory_space<vmem>> -> memref<80xi32, #tpu.memory_space<vmem>>
          %dma_start3A_172 = arith.constant 0 : i32
          %dma_start3A_173 = arith.constant 0 : i32
          %dma_start3A_174 = tpu.memref_slice %arg24[%dma_start3A_172, %dma_start3A_173] : memref<10000x16xf32, #tpu.memory_space<vmem_shared>> -> memref<10000x16xf32, #tpu.memory_space<vmem_shared>>
          tpu.enqueue_indirect_dma source(%arg22 : memref<80x16xf32, #tpu.memory_space<vmem>>) target(%dma_start3A_174 : memref<10000x16xf32, #tpu.memory_space<vmem_shared>>) offsets(%dma_start3A_171 : memref<80xi32, #tpu.memory_space<vmem>>) semaphore(%run_scoped3A : memref<!tpu.dma_semaphore, #tpu.memory_space<semaphore_mem>>) {add = true}
          %dma_wait3A_175 = arith.constant 0 : i32
          %dma_wait3A_176 = tpu.memref_slice %arg11[%add3A_151, %dma_wait3A_175] : memref<125x80xi32, #tpu.memory_space<vmem>> -> memref<1x80xi32, #tpu.memory_space<vmem>>
          %dma_wait3A_177 = tpu.memref_squeeze %dma_wait3A_176 : memref<1x80xi32, #tpu.memory_space<vmem>> -> memref<80xi32, #tpu.memory_space<vmem>>
          %dma_wait3A_178 = arith.constant 0 : i32
          %dma_wait3A_179 = arith.constant 0 : i32
          %dma_wait3A_180 = tpu.memref_slice %arg24[%dma_wait3A_178, %dma_wait3A_179] : memref<10000x16xf32, #tpu.memory_space<vmem_shared>> -> memref<10000x16xf32, #tpu.memory_space<vmem_shared>>
          tpu.wait_indirect_dma semaphore(%run_scoped3A : memref<!tpu.dma_semaphore, #tpu.memory_space<semaphore_mem>>) src(%arg22 : memref<80x16xf32, #tpu.memory_space<vmem>>) dst(%dma_wait3A_180 : memref<10000x16xf32, #tpu.memory_space<vmem_shared>>)
          tpu.yield
        }) : () -> ()
        %add3A_162 = arith.constant 10 : i32
        %add3A_163 = arith.addi %add3A_151, %add3A_162 : i32
        %lt3A_164 = arith.constant 125 : i32
        %lt3A_165 = arith.cmpi slt, %add3A_163, %lt3A_164 : i32
        %convert_element_type3A_166 = arith.extui %lt3A_165 : i1 to i32
        %cond3A_167 = arith.constant 0 : i32
        %cond3A_168 = arith.cmpi ne, %convert_element_type3A_166, %cond3A_167 : i32
        scf.if %cond3A_168 {
          %add3A_169 = arith.constant 10 : i32
          %add3A_170 = arith.addi %add3A_151, %add3A_169 : i32
          %dma_start3A_171 = arith.constant 0 : i32
          %dma_start3A_172 = tpu.memref_slice %arg10[%add3A_170, %dma_start3A_171] : memref<125x80xi32, #tpu.memory_space<vmem>> -> memref<1x80xi32, #tpu.memory_space<vmem>>
          %dma_start3A_173 = tpu.memref_squeeze %dma_start3A_172 : memref<1x80xi32, #tpu.memory_space<vmem>> -> memref<80xi32, #tpu.memory_space<vmem>>
          %dma_start3A_174 = arith.constant 0 : i32
          %dma_start3A_175 = arith.constant 0 : i32
          %dma_start3A_176 = tpu.memref_slice %arg2[%dma_start3A_174, %dma_start3A_175] : memref<10000x64xf32, #tpu.memory_space<hbm>> -> memref<10000x64xf32, #tpu.memory_space<hbm>>
          tpu.enqueue_indirect_dma source(%dma_start3A_176 : memref<10000x64xf32, #tpu.memory_space<hbm>>) target(%arg21 : memref<80x64xf32, #tpu.memory_space<vmem>>) offsets(%dma_start3A_173 : memref<80xi32, #tpu.memory_space<vmem>>) semaphore(%arg34 : memref<!tpu.dma_semaphore, #tpu.memory_space<semaphore_mem>>)
        } else {
        }
      } else {
      }
    }
    %scan3A_78 = arith.constant 13 : i32
    %barrier3A_79 = arith.constant 0 : index
    tpu.barrier barrier_id(%barrier3A_79)
    "tpu.region"() ({
      %run_scoped3A = tpu.sem_alloc : memref<!tpu.dma_semaphore, #tpu.memory_space<semaphore_mem>>
      %dma_start3A_85 = arith.constant 0 : i32
      %dma_start3A_86 = tpu.memref_slice %arg8[%arg0, %multiple_of3A, %dma_start3A_85] : memref<2x10000x64xf32, #tpu.memory_space<hbm>> -> memref<1x624x64xf32, #tpu.memory_space<hbm>>
      %dma_start3A_87 = tpu.memref_squeeze %dma_start3A_86 : memref<1x624x64xf32, #tpu.memory_space<hbm>> -> memref<624x64xf32, #tpu.memory_space<hbm>>
      %dma_start3A_88 = arith.constant 0 : i32
      %dma_start3A_89 = tpu.memref_slice %arg23[%multiple_of3A, %dma_start3A_88] : memref<10000x64xf32, #tpu.memory_space<vmem_shared>> -> memref<624x64xf32, #tpu.memory_space<vmem_shared>>
      tpu.enqueue_dma source(%dma_start3A_89 : memref<624x64xf32, #tpu.memory_space<vmem_shared>>) target(%dma_start3A_87 : memref<624x64xf32, #tpu.memory_space<hbm>>) target_semaphore(%run_scoped3A : memref<!tpu.dma_semaphore, #tpu.memory_space<semaphore_mem>>)
      %dma_wait3A = arith.constant 0 : i32
      %dma_wait3A_90 = tpu.memref_slice %arg8[%arg0, %multiple_of3A, %dma_wait3A] : memref<2x10000x64xf32, #tpu.memory_space<hbm>> -> memref<1x624x64xf32, #tpu.memory_space<hbm>>
      %dma_wait3A_91 = tpu.memref_squeeze %dma_wait3A_90 : memref<1x624x64xf32, #tpu.memory_space<hbm>> -> memref<624x64xf32, #tpu.memory_space<hbm>>
      %dma_wait3A_92 = arith.constant 0 : i32
      %dma_wait3A_93 = tpu.memref_slice %arg23[%multiple_of3A, %dma_wait3A_92] : memref<10000x64xf32, #tpu.memory_space<vmem_shared>> -> memref<624x64xf32, #tpu.memory_space<vmem_shared>>
      tpu.wait_dma2 semaphore(%run_scoped3A : memref<!tpu.dma_semaphore, #tpu.memory_space<semaphore_mem>>) src(%dma_wait3A_93 : memref<624x64xf32, #tpu.memory_space<vmem_shared>>) dst(%dma_wait3A_91 : memref<624x64xf32, #tpu.memory_space<hbm>>)
      tpu.yield
    }) : () -> ()
    "tpu.region"() ({
      %run_scoped3A = tpu.sem_alloc : memref<!tpu.dma_semaphore, #tpu.memory_space<semaphore_mem>>
      %dma_start3A_85 = arith.constant 0 : i32
      %dma_start3A_86 = tpu.memref_slice %arg9[%arg0, %multiple_of3A, %dma_start3A_85] : memref<2x10000x16xf32, #tpu.memory_space<hbm>> -> memref<1x624x16xf32, #tpu.memory_space<hbm>>
      %dma_start3A_87 = tpu.memref_squeeze %dma_start3A_86 : memref<1x624x16xf32, #tpu.memory_space<hbm>> -> memref<624x16xf32, #tpu.memory_space<hbm>>
      %dma_start3A_88 = arith.constant 0 : i32
      %dma_start3A_89 = tpu.memref_slice %arg24[%multiple_of3A, %dma_start3A_88] : memref<10000x16xf32, #tpu.memory_space<vmem_shared>> -> memref<624x16xf32, #tpu.memory_space<vmem_shared>>
      tpu.enqueue_dma source(%dma_start3A_89 : memref<624x16xf32, #tpu.memory_space<vmem_shared>>) target(%dma_start3A_87 : memref<624x16xf32, #tpu.memory_space<hbm>>) target_semaphore(%run_scoped3A : memref<!tpu.dma_semaphore, #tpu.memory_space<semaphore_mem>>)
      %dma_wait3A = arith.constant 0 : i32
      %dma_wait3A_90 = tpu.memref_slice %arg9[%arg0, %multiple_of3A, %dma_wait3A] : memref<2x10000x16xf32, #tpu.memory_space<hbm>> -> memref<1x624x16xf32, #tpu.memory_space<hbm>>
      %dma_wait3A_91 = tpu.memref_squeeze %dma_wait3A_90 : memref<1x624x16xf32, #tpu.memory_space<hbm>> -> memref<624x16xf32, #tpu.memory_space<hbm>>
      %dma_wait3A_92 = arith.constant 0 : i32
      %dma_wait3A_93 = tpu.memref_slice %arg24[%multiple_of3A, %dma_wait3A_92] : memref<10000x16xf32, #tpu.memory_space<vmem_shared>> -> memref<624x16xf32, #tpu.memory_space<vmem_shared>>
      tpu.wait_dma2 semaphore(%run_scoped3A : memref<!tpu.dma_semaphore, #tpu.memory_space<semaphore_mem>>) src(%dma_wait3A_93 : memref<624x16xf32, #tpu.memory_space<vmem_shared>>) dst(%dma_wait3A_91 : memref<624x16xf32, #tpu.memory_space<hbm>>)
      tpu.yield
    }) : () -> ()
    %eq3A_80 = arith.constant 15 : i32
    %eq3A_81 = arith.cmpi eq, %arg1, %eq3A_80 : i32
    %convert_element_type3A_82 = arith.extui %eq3A_81 : i1 to i32
    %cond3A_83 = arith.constant 0 : i32
    %cond3A_84 = arith.cmpi ne, %convert_element_type3A_82, %cond3A_83 : i32
    scf.if %cond3A_84 {
      "tpu.region"() ({
        %run_scoped3A = tpu.sem_alloc : memref<!tpu.dma_semaphore, #tpu.memory_space<semaphore_mem>>
        %dma_start3A_85 = arith.constant 9984 : i32
        %dma_start3A_86 = arith.constant 0 : i32
        %dma_start3A_87 = tpu.memref_slice %arg8[%arg0, %dma_start3A_85, %dma_start3A_86] : memref<2x10000x64xf32, #tpu.memory_space<hbm>> -> memref<1x16x64xf32, #tpu.memory_space<hbm>>
        %dma_start3A_88 = tpu.memref_squeeze %dma_start3A_87 : memref<1x16x64xf32, #tpu.memory_space<hbm>> -> memref<16x64xf32, #tpu.memory_space<hbm>>
        %dma_start3A_89 = arith.constant 9984 : i32
        %dma_start3A_90 = arith.constant 0 : i32
        %dma_start3A_91 = tpu.memref_slice %arg23[%dma_start3A_89, %dma_start3A_90] : memref<10000x64xf32, #tpu.memory_space<vmem_shared>> -> memref<16x64xf32, #tpu.memory_space<vmem_shared>>
        tpu.enqueue_dma source(%dma_start3A_91 : memref<16x64xf32, #tpu.memory_space<vmem_shared>>) target(%dma_start3A_88 : memref<16x64xf32, #tpu.memory_space<hbm>>) target_semaphore(%run_scoped3A : memref<!tpu.dma_semaphore, #tpu.memory_space<semaphore_mem>>)
        %dma_wait3A = arith.constant 9984 : i32
        %dma_wait3A_92 = arith.constant 0 : i32
        %dma_wait3A_93 = tpu.memref_slice %arg8[%arg0, %dma_wait3A, %dma_wait3A_92] : memref<2x10000x64xf32, #tpu.memory_space<hbm>> -> memref<1x16x64xf32, #tpu.memory_space<hbm>>
        %dma_wait3A_94 = tpu.memref_squeeze %dma_wait3A_93 : memref<1x16x64xf32, #tpu.memory_space<hbm>> -> memref<16x64xf32, #tpu.memory_space<hbm>>
        %dma_wait3A_95 = arith.constant 9984 : i32
        %dma_wait3A_96 = arith.constant 0 : i32
        %dma_wait3A_97 = tpu.memref_slice %arg23[%dma_wait3A_95, %dma_wait3A_96] : memref<10000x64xf32, #tpu.memory_space<vmem_shared>> -> memref<16x64xf32, #tpu.memory_space<vmem_shared>>
        tpu.wait_dma2 semaphore(%run_scoped3A : memref<!tpu.dma_semaphore, #tpu.memory_space<semaphore_mem>>) src(%dma_wait3A_97 : memref<16x64xf32, #tpu.memory_space<vmem_shared>>) dst(%dma_wait3A_94 : memref<16x64xf32, #tpu.memory_space<hbm>>)
        tpu.yield
      }) : () -> ()
      "tpu.region"() ({
        %run_scoped3A = tpu.sem_alloc : memref<!tpu.dma_semaphore, #tpu.memory_space<semaphore_mem>>
        %dma_start3A_85 = arith.constant 9984 : i32
        %dma_start3A_86 = arith.constant 0 : i32
        %dma_start3A_87 = tpu.memref_slice %arg9[%arg0, %dma_start3A_85, %dma_start3A_86] : memref<2x10000x16xf32, #tpu.memory_space<hbm>> -> memref<1x16x16xf32, #tpu.memory_space<hbm>>
        %dma_start3A_88 = tpu.memref_squeeze %dma_start3A_87 : memref<1x16x16xf32, #tpu.memory_space<hbm>> -> memref<16x16xf32, #tpu.memory_space<hbm>>
        %dma_start3A_89 = arith.constant 9984 : i32
        %dma_start3A_90 = arith.constant 0 : i32
        %dma_start3A_91 = tpu.memref_slice %arg24[%dma_start3A_89, %dma_start3A_90] : memref<10000x16xf32, #tpu.memory_space<vmem_shared>> -> memref<16x16xf32, #tpu.memory_space<vmem_shared>>
        tpu.enqueue_dma source(%dma_start3A_91 : memref<16x16xf32, #tpu.memory_space<vmem_shared>>) target(%dma_start3A_88 : memref<16x16xf32, #tpu.memory_space<hbm>>) target_semaphore(%run_scoped3A : memref<!tpu.dma_semaphore, #tpu.memory_space<semaphore_mem>>)
        %dma_wait3A = arith.constant 9984 : i32
        %dma_wait3A_92 = arith.constant 0 : i32
        %dma_wait3A_93 = tpu.memref_slice %arg9[%arg0, %dma_wait3A, %dma_wait3A_92] : memref<2x10000x16xf32, #tpu.memory_space<hbm>> -> memref<1x16x16xf32, #tpu.memory_space<hbm>>
        %dma_wait3A_94 = tpu.memref_squeeze %dma_wait3A_93 : memref<1x16x16xf32, #tpu.memory_space<hbm>> -> memref<16x16xf32, #tpu.memory_space<hbm>>
        %dma_wait3A_95 = arith.constant 9984 : i32
        %dma_wait3A_96 = arith.constant 0 : i32
        %dma_wait3A_97 = tpu.memref_slice %arg24[%dma_wait3A_95, %dma_wait3A_96] : memref<10000x16xf32, #tpu.memory_space<vmem_shared>> -> memref<16x16xf32, #tpu.memory_space<vmem_shared>>
        tpu.wait_dma2 semaphore(%run_scoped3A : memref<!tpu.dma_semaphore, #tpu.memory_space<semaphore_mem>>) src(%dma_wait3A_97 : memref<16x16xf32, #tpu.memory_space<vmem_shared>>) dst(%dma_wait3A_94 : memref<16x16xf32, #tpu.memory_space<hbm>>)
        tpu.yield
      }) : () -> ()
    } else {
    }
    return
  }
}

#map = affine_map<(d0, d1) -> (0, 0)>
#map1 = affine_map<(d0, d1) -> (0, 0, 0)>
module attributes {stable_mosaic.version = 14 : i64} {
  func.func @body(%arg0: i32, %arg1: i32, %arg2: memref<10000x32xf32, #tpu.memory_space<hbm>>, %arg3: memref<32x125x80xi32, #tpu.memory_space<hbm>>, %arg4: memref<32x125x80xi32, #tpu.memory_space<hbm>>, %arg5: memref<10000x32xf32, #tpu.memory_space<hbm>>, %arg6: memref<2x10000x32xf32, #tpu.memory_space<hbm>>, %arg7: memref<125x80xi32, #tpu.memory_space<vmem>>, %arg8: memref<125x80xi32, #tpu.memory_space<vmem>>, %arg9: memref<80x32xf32, #tpu.memory_space<vmem>>, %arg10: memref<80x32xf32, #tpu.memory_space<vmem>>, %arg11: memref<80x32xf32, #tpu.memory_space<vmem>>, %arg12: memref<80x32xf32, #tpu.memory_space<vmem>>, %arg13: memref<80x32xf32, #tpu.memory_space<vmem>>, %arg14: memref<80x32xf32, #tpu.memory_space<vmem>>, %arg15: memref<80x32xf32, #tpu.memory_space<vmem>>, %arg16: memref<80x32xf32, #tpu.memory_space<vmem>>, %arg17: memref<80x32xf32, #tpu.memory_space<vmem>>, %arg18: memref<80x32xf32, #tpu.memory_space<vmem>>, %arg19: memref<10000x32xf32, #tpu.memory_space<vmem_shared>>, %arg20: memref<!tpu.dma_semaphore, #tpu.memory_space<semaphore_mem>>, %arg21: memref<!tpu.dma_semaphore, #tpu.memory_space<semaphore_mem>>, %arg22: memref<!tpu.dma_semaphore, #tpu.memory_space<semaphore_mem>>, %arg23: memref<!tpu.dma_semaphore, #tpu.memory_space<semaphore_mem>>, %arg24: memref<!tpu.dma_semaphore, #tpu.memory_space<semaphore_mem>>, %arg25: memref<!tpu.dma_semaphore, #tpu.memory_space<semaphore_mem>>, %arg26: memref<!tpu.dma_semaphore, #tpu.memory_space<semaphore_mem>>, %arg27: memref<!tpu.dma_semaphore, #tpu.memory_space<semaphore_mem>>, %arg28: memref<!tpu.dma_semaphore, #tpu.memory_space<semaphore_mem>>, %arg29: memref<!tpu.dma_semaphore, #tpu.memory_space<semaphore_mem>>) attributes {dimension_semantics = [#tpu.dimension_semantics<core_parallel>, #tpu.dimension_semantics<subcore_parallel>], iteration_bounds = array<i64: 2, 16>, scalar_prefetch = 0 : i64, scratch_operands = 23 : i64, tpu.core_type = #tpu.core_type<sc_vector_subcore>, window_params = [{transform_indices = #map}, {transform_indices = #map1}, {transform_indices = #map1}, {transform_indices = #map}, {transform_indices = #map1}]} {
    %mul3A = arith.constant 16 : i32
    %mul3A_0 = arith.muli %arg0, %mul3A : i32
    %add3A = arith.addi %mul3A_0, %arg1 : i32
    %mul3A_1 = arith.constant 624 : i32
    %mul3A_2 = arith.muli %arg1, %mul3A_1 : i32
    %multiple_of3A = tpu.assume_multiple %mul3A_2, 8 : i32
    "tpu.region"() ({
      %run_scoped3A = tpu.sem_alloc : memref<!tpu.dma_semaphore, #tpu.memory_space<semaphore_mem>>
      %dma_start3A_85 = arith.constant 0 : i32
      %dma_start3A_86 = arith.constant 0 : i32
      %dma_start3A_87 = tpu.memref_slice %arg3[%add3A, %dma_start3A_85, %dma_start3A_86] : memref<32x125x80xi32, #tpu.memory_space<hbm>> -> memref<1x125x80xi32, #tpu.memory_space<hbm>>
      %dma_start3A_88 = tpu.memref_squeeze %dma_start3A_87 : memref<1x125x80xi32, #tpu.memory_space<hbm>> -> memref<125x80xi32, #tpu.memory_space<hbm>>
      %dma_start3A_89 = arith.constant 0 : i32
      %dma_start3A_90 = arith.constant 0 : i32
      %dma_start3A_91 = tpu.memref_slice %arg3[%add3A, %dma_start3A_89, %dma_start3A_90] : memref<32x125x80xi32, #tpu.memory_space<hbm>> -> memref<1x125x80xi32, #tpu.memory_space<hbm>>
      %dma_start3A_92 = tpu.memref_squeeze %dma_start3A_91 : memref<1x125x80xi32, #tpu.memory_space<hbm>> -> memref<125x80xi32, #tpu.memory_space<hbm>>
      tpu.enqueue_dma source(%dma_start3A_92 : memref<125x80xi32, #tpu.memory_space<hbm>>) target(%arg7 : memref<125x80xi32, #tpu.memory_space<vmem>>) target_semaphore(%run_scoped3A : memref<!tpu.dma_semaphore, #tpu.memory_space<semaphore_mem>>)
      %dma_wait3A = arith.constant 0 : i32
      %dma_wait3A_93 = arith.constant 0 : i32
      %dma_wait3A_94 = tpu.memref_slice %arg3[%add3A, %dma_wait3A, %dma_wait3A_93] : memref<32x125x80xi32, #tpu.memory_space<hbm>> -> memref<1x125x80xi32, #tpu.memory_space<hbm>>
      %dma_wait3A_95 = tpu.memref_squeeze %dma_wait3A_94 : memref<1x125x80xi32, #tpu.memory_space<hbm>> -> memref<125x80xi32, #tpu.memory_space<hbm>>
      %dma_wait3A_96 = arith.constant 0 : i32
      %dma_wait3A_97 = arith.constant 0 : i32
      %dma_wait3A_98 = tpu.memref_slice %arg3[%add3A, %dma_wait3A_96, %dma_wait3A_97] : memref<32x125x80xi32, #tpu.memory_space<hbm>> -> memref<1x125x80xi32, #tpu.memory_space<hbm>>
      %dma_wait3A_99 = tpu.memref_squeeze %dma_wait3A_98 : memref<1x125x80xi32, #tpu.memory_space<hbm>> -> memref<125x80xi32, #tpu.memory_space<hbm>>
      tpu.wait_dma2 semaphore(%run_scoped3A : memref<!tpu.dma_semaphore, #tpu.memory_space<semaphore_mem>>) src(%dma_wait3A_99 : memref<125x80xi32, #tpu.memory_space<hbm>>) dst(%arg7 : memref<125x80xi32, #tpu.memory_space<vmem>>)
      tpu.yield
    }) : () -> ()
    "tpu.region"() ({
      %run_scoped3A = tpu.sem_alloc : memref<!tpu.dma_semaphore, #tpu.memory_space<semaphore_mem>>
      %dma_start3A_85 = arith.constant 0 : i32
      %dma_start3A_86 = arith.constant 0 : i32
      %dma_start3A_87 = tpu.memref_slice %arg4[%add3A, %dma_start3A_85, %dma_start3A_86] : memref<32x125x80xi32, #tpu.memory_space<hbm>> -> memref<1x125x80xi32, #tpu.memory_space<hbm>>
      %dma_start3A_88 = tpu.memref_squeeze %dma_start3A_87 : memref<1x125x80xi32, #tpu.memory_space<hbm>> -> memref<125x80xi32, #tpu.memory_space<hbm>>
      %dma_start3A_89 = arith.constant 0 : i32
      %dma_start3A_90 = arith.constant 0 : i32
      %dma_start3A_91 = tpu.memref_slice %arg4[%add3A, %dma_start3A_89, %dma_start3A_90] : memref<32x125x80xi32, #tpu.memory_space<hbm>> -> memref<1x125x80xi32, #tpu.memory_space<hbm>>
      %dma_start3A_92 = tpu.memref_squeeze %dma_start3A_91 : memref<1x125x80xi32, #tpu.memory_space<hbm>> -> memref<125x80xi32, #tpu.memory_space<hbm>>
      tpu.enqueue_dma source(%dma_start3A_92 : memref<125x80xi32, #tpu.memory_space<hbm>>) target(%arg8 : memref<125x80xi32, #tpu.memory_space<vmem>>) target_semaphore(%run_scoped3A : memref<!tpu.dma_semaphore, #tpu.memory_space<semaphore_mem>>)
      %dma_wait3A = arith.constant 0 : i32
      %dma_wait3A_93 = arith.constant 0 : i32
      %dma_wait3A_94 = tpu.memref_slice %arg4[%add3A, %dma_wait3A, %dma_wait3A_93] : memref<32x125x80xi32, #tpu.memory_space<hbm>> -> memref<1x125x80xi32, #tpu.memory_space<hbm>>
      %dma_wait3A_95 = tpu.memref_squeeze %dma_wait3A_94 : memref<1x125x80xi32, #tpu.memory_space<hbm>> -> memref<125x80xi32, #tpu.memory_space<hbm>>
      %dma_wait3A_96 = arith.constant 0 : i32
      %dma_wait3A_97 = arith.constant 0 : i32
      %dma_wait3A_98 = tpu.memref_slice %arg4[%add3A, %dma_wait3A_96, %dma_wait3A_97] : memref<32x125x80xi32, #tpu.memory_space<hbm>> -> memref<1x125x80xi32, #tpu.memory_space<hbm>>
      %dma_wait3A_99 = tpu.memref_squeeze %dma_wait3A_98 : memref<1x125x80xi32, #tpu.memory_space<hbm>> -> memref<125x80xi32, #tpu.memory_space<hbm>>
      tpu.wait_dma2 semaphore(%run_scoped3A : memref<!tpu.dma_semaphore, #tpu.memory_space<semaphore_mem>>) src(%dma_wait3A_99 : memref<125x80xi32, #tpu.memory_space<hbm>>) dst(%arg8 : memref<125x80xi32, #tpu.memory_space<vmem>>)
      tpu.yield
    }) : () -> ()
    %dma_start3A = arith.constant 0 : i32
    %dma_start3A_3 = arith.constant 0 : i32
    %dma_start3A_4 = tpu.memref_slice %arg7[%dma_start3A, %dma_start3A_3] : memref<125x80xi32, #tpu.memory_space<vmem>> -> memref<1x80xi32, #tpu.memory_space<vmem>>
    %dma_start3A_5 = tpu.memref_squeeze %dma_start3A_4 : memref<1x80xi32, #tpu.memory_space<vmem>> -> memref<80xi32, #tpu.memory_space<vmem>>
    %dma_start3A_6 = arith.constant 0 : i32
    %dma_start3A_7 = arith.constant 0 : i32
    %dma_start3A_8 = tpu.memref_slice %arg2[%dma_start3A_6, %dma_start3A_7] : memref<10000x32xf32, #tpu.memory_space<hbm>> -> memref<10000x32xf32, #tpu.memory_space<hbm>>
    tpu.enqueue_indirect_dma source(%dma_start3A_8 : memref<10000x32xf32, #tpu.memory_space<hbm>>) target(%arg9 : memref<80x32xf32, #tpu.memory_space<vmem>>) offsets(%dma_start3A_5 : memref<80xi32, #tpu.memory_space<vmem>>) semaphore(%arg20 : memref<!tpu.dma_semaphore, #tpu.memory_space<semaphore_mem>>)
    %dma_start3A_9 = arith.constant 1 : i32
    %dma_start3A_10 = arith.constant 0 : i32
    %dma_start3A_11 = tpu.memref_slice %arg7[%dma_start3A_9, %dma_start3A_10] : memref<125x80xi32, #tpu.memory_space<vmem>> -> memref<1x80xi32, #tpu.memory_space<vmem>>
    %dma_start3A_12 = tpu.memref_squeeze %dma_start3A_11 : memref<1x80xi32, #tpu.memory_space<vmem>> -> memref<80xi32, #tpu.memory_space<vmem>>
    %dma_start3A_13 = arith.constant 0 : i32
    %dma_start3A_14 = arith.constant 0 : i32
    %dma_start3A_15 = tpu.memref_slice %arg2[%dma_start3A_13, %dma_start3A_14] : memref<10000x32xf32, #tpu.memory_space<hbm>> -> memref<10000x32xf32, #tpu.memory_space<hbm>>
    tpu.enqueue_indirect_dma source(%dma_start3A_15 : memref<10000x32xf32, #tpu.memory_space<hbm>>) target(%arg10 : memref<80x32xf32, #tpu.memory_space<vmem>>) offsets(%dma_start3A_12 : memref<80xi32, #tpu.memory_space<vmem>>) semaphore(%arg21 : memref<!tpu.dma_semaphore, #tpu.memory_space<semaphore_mem>>)
    %dma_start3A_16 = arith.constant 2 : i32
    %dma_start3A_17 = arith.constant 0 : i32
    %dma_start3A_18 = tpu.memref_slice %arg7[%dma_start3A_16, %dma_start3A_17] : memref<125x80xi32, #tpu.memory_space<vmem>> -> memref<1x80xi32, #tpu.memory_space<vmem>>
    %dma_start3A_19 = tpu.memref_squeeze %dma_start3A_18 : memref<1x80xi32, #tpu.memory_space<vmem>> -> memref<80xi32, #tpu.memory_space<vmem>>
    %dma_start3A_20 = arith.constant 0 : i32
    %dma_start3A_21 = arith.constant 0 : i32
    %dma_start3A_22 = tpu.memref_slice %arg2[%dma_start3A_20, %dma_start3A_21] : memref<10000x32xf32, #tpu.memory_space<hbm>> -> memref<10000x32xf32, #tpu.memory_space<hbm>>
    tpu.enqueue_indirect_dma source(%dma_start3A_22 : memref<10000x32xf32, #tpu.memory_space<hbm>>) target(%arg11 : memref<80x32xf32, #tpu.memory_space<vmem>>) offsets(%dma_start3A_19 : memref<80xi32, #tpu.memory_space<vmem>>) semaphore(%arg22 : memref<!tpu.dma_semaphore, #tpu.memory_space<semaphore_mem>>)
    %dma_start3A_23 = arith.constant 3 : i32
    %dma_start3A_24 = arith.constant 0 : i32
    %dma_start3A_25 = tpu.memref_slice %arg7[%dma_start3A_23, %dma_start3A_24] : memref<125x80xi32, #tpu.memory_space<vmem>> -> memref<1x80xi32, #tpu.memory_space<vmem>>
    %dma_start3A_26 = tpu.memref_squeeze %dma_start3A_25 : memref<1x80xi32, #tpu.memory_space<vmem>> -> memref<80xi32, #tpu.memory_space<vmem>>
    %dma_start3A_27 = arith.constant 0 : i32
    %dma_start3A_28 = arith.constant 0 : i32
    %dma_start3A_29 = tpu.memref_slice %arg2[%dma_start3A_27, %dma_start3A_28] : memref<10000x32xf32, #tpu.memory_space<hbm>> -> memref<10000x32xf32, #tpu.memory_space<hbm>>
    tpu.enqueue_indirect_dma source(%dma_start3A_29 : memref<10000x32xf32, #tpu.memory_space<hbm>>) target(%arg12 : memref<80x32xf32, #tpu.memory_space<vmem>>) offsets(%dma_start3A_26 : memref<80xi32, #tpu.memory_space<vmem>>) semaphore(%arg23 : memref<!tpu.dma_semaphore, #tpu.memory_space<semaphore_mem>>)
    %dma_start3A_30 = arith.constant 4 : i32
    %dma_start3A_31 = arith.constant 0 : i32
    %dma_start3A_32 = tpu.memref_slice %arg7[%dma_start3A_30, %dma_start3A_31] : memref<125x80xi32, #tpu.memory_space<vmem>> -> memref<1x80xi32, #tpu.memory_space<vmem>>
    %dma_start3A_33 = tpu.memref_squeeze %dma_start3A_32 : memref<1x80xi32, #tpu.memory_space<vmem>> -> memref<80xi32, #tpu.memory_space<vmem>>
    %dma_start3A_34 = arith.constant 0 : i32
    %dma_start3A_35 = arith.constant 0 : i32
    %dma_start3A_36 = tpu.memref_slice %arg2[%dma_start3A_34, %dma_start3A_35] : memref<10000x32xf32, #tpu.memory_space<hbm>> -> memref<10000x32xf32, #tpu.memory_space<hbm>>
    tpu.enqueue_indirect_dma source(%dma_start3A_36 : memref<10000x32xf32, #tpu.memory_space<hbm>>) target(%arg13 : memref<80x32xf32, #tpu.memory_space<vmem>>) offsets(%dma_start3A_33 : memref<80xi32, #tpu.memory_space<vmem>>) semaphore(%arg24 : memref<!tpu.dma_semaphore, #tpu.memory_space<semaphore_mem>>)
    %dma_start3A_37 = arith.constant 5 : i32
    %dma_start3A_38 = arith.constant 0 : i32
    %dma_start3A_39 = tpu.memref_slice %arg7[%dma_start3A_37, %dma_start3A_38] : memref<125x80xi32, #tpu.memory_space<vmem>> -> memref<1x80xi32, #tpu.memory_space<vmem>>
    %dma_start3A_40 = tpu.memref_squeeze %dma_start3A_39 : memref<1x80xi32, #tpu.memory_space<vmem>> -> memref<80xi32, #tpu.memory_space<vmem>>
    %dma_start3A_41 = arith.constant 0 : i32
    %dma_start3A_42 = arith.constant 0 : i32
    %dma_start3A_43 = tpu.memref_slice %arg2[%dma_start3A_41, %dma_start3A_42] : memref<10000x32xf32, #tpu.memory_space<hbm>> -> memref<10000x32xf32, #tpu.memory_space<hbm>>
    tpu.enqueue_indirect_dma source(%dma_start3A_43 : memref<10000x32xf32, #tpu.memory_space<hbm>>) target(%arg14 : memref<80x32xf32, #tpu.memory_space<vmem>>) offsets(%dma_start3A_40 : memref<80xi32, #tpu.memory_space<vmem>>) semaphore(%arg25 : memref<!tpu.dma_semaphore, #tpu.memory_space<semaphore_mem>>)
    %dma_start3A_44 = arith.constant 6 : i32
    %dma_start3A_45 = arith.constant 0 : i32
    %dma_start3A_46 = tpu.memref_slice %arg7[%dma_start3A_44, %dma_start3A_45] : memref<125x80xi32, #tpu.memory_space<vmem>> -> memref<1x80xi32, #tpu.memory_space<vmem>>
    %dma_start3A_47 = tpu.memref_squeeze %dma_start3A_46 : memref<1x80xi32, #tpu.memory_space<vmem>> -> memref<80xi32, #tpu.memory_space<vmem>>
    %dma_start3A_48 = arith.constant 0 : i32
    %dma_start3A_49 = arith.constant 0 : i32
    %dma_start3A_50 = tpu.memref_slice %arg2[%dma_start3A_48, %dma_start3A_49] : memref<10000x32xf32, #tpu.memory_space<hbm>> -> memref<10000x32xf32, #tpu.memory_space<hbm>>
    tpu.enqueue_indirect_dma source(%dma_start3A_50 : memref<10000x32xf32, #tpu.memory_space<hbm>>) target(%arg15 : memref<80x32xf32, #tpu.memory_space<vmem>>) offsets(%dma_start3A_47 : memref<80xi32, #tpu.memory_space<vmem>>) semaphore(%arg26 : memref<!tpu.dma_semaphore, #tpu.memory_space<semaphore_mem>>)
    %dma_start3A_51 = arith.constant 7 : i32
    %dma_start3A_52 = arith.constant 0 : i32
    %dma_start3A_53 = tpu.memref_slice %arg7[%dma_start3A_51, %dma_start3A_52] : memref<125x80xi32, #tpu.memory_space<vmem>> -> memref<1x80xi32, #tpu.memory_space<vmem>>
    %dma_start3A_54 = tpu.memref_squeeze %dma_start3A_53 : memref<1x80xi32, #tpu.memory_space<vmem>> -> memref<80xi32, #tpu.memory_space<vmem>>
    %dma_start3A_55 = arith.constant 0 : i32
    %dma_start3A_56 = arith.constant 0 : i32
    %dma_start3A_57 = tpu.memref_slice %arg2[%dma_start3A_55, %dma_start3A_56] : memref<10000x32xf32, #tpu.memory_space<hbm>> -> memref<10000x32xf32, #tpu.memory_space<hbm>>
    tpu.enqueue_indirect_dma source(%dma_start3A_57 : memref<10000x32xf32, #tpu.memory_space<hbm>>) target(%arg16 : memref<80x32xf32, #tpu.memory_space<vmem>>) offsets(%dma_start3A_54 : memref<80xi32, #tpu.memory_space<vmem>>) semaphore(%arg27 : memref<!tpu.dma_semaphore, #tpu.memory_space<semaphore_mem>>)
    %dma_start3A_58 = arith.constant 8 : i32
    %dma_start3A_59 = arith.constant 0 : i32
    %dma_start3A_60 = tpu.memref_slice %arg7[%dma_start3A_58, %dma_start3A_59] : memref<125x80xi32, #tpu.memory_space<vmem>> -> memref<1x80xi32, #tpu.memory_space<vmem>>
    %dma_start3A_61 = tpu.memref_squeeze %dma_start3A_60 : memref<1x80xi32, #tpu.memory_space<vmem>> -> memref<80xi32, #tpu.memory_space<vmem>>
    %dma_start3A_62 = arith.constant 0 : i32
    %dma_start3A_63 = arith.constant 0 : i32
    %dma_start3A_64 = tpu.memref_slice %arg2[%dma_start3A_62, %dma_start3A_63] : memref<10000x32xf32, #tpu.memory_space<hbm>> -> memref<10000x32xf32, #tpu.memory_space<hbm>>
    tpu.enqueue_indirect_dma source(%dma_start3A_64 : memref<10000x32xf32, #tpu.memory_space<hbm>>) target(%arg17 : memref<80x32xf32, #tpu.memory_space<vmem>>) offsets(%dma_start3A_61 : memref<80xi32, #tpu.memory_space<vmem>>) semaphore(%arg28 : memref<!tpu.dma_semaphore, #tpu.memory_space<semaphore_mem>>)
    %dma_start3A_65 = arith.constant 9 : i32
    %dma_start3A_66 = arith.constant 0 : i32
    %dma_start3A_67 = tpu.memref_slice %arg7[%dma_start3A_65, %dma_start3A_66] : memref<125x80xi32, #tpu.memory_space<vmem>> -> memref<1x80xi32, #tpu.memory_space<vmem>>
    %dma_start3A_68 = tpu.memref_squeeze %dma_start3A_67 : memref<1x80xi32, #tpu.memory_space<vmem>> -> memref<80xi32, #tpu.memory_space<vmem>>
    %dma_start3A_69 = arith.constant 0 : i32
    %dma_start3A_70 = arith.constant 0 : i32
    %dma_start3A_71 = tpu.memref_slice %arg2[%dma_start3A_69, %dma_start3A_70] : memref<10000x32xf32, #tpu.memory_space<hbm>> -> memref<10000x32xf32, #tpu.memory_space<hbm>>
    tpu.enqueue_indirect_dma source(%dma_start3A_71 : memref<10000x32xf32, #tpu.memory_space<hbm>>) target(%arg18 : memref<80x32xf32, #tpu.memory_space<vmem>>) offsets(%dma_start3A_68 : memref<80xi32, #tpu.memory_space<vmem>>) semaphore(%arg29 : memref<!tpu.dma_semaphore, #tpu.memory_space<semaphore_mem>>)
    "tpu.region"() ({
      %run_scoped3A = tpu.sem_alloc : memref<!tpu.dma_semaphore, #tpu.memory_space<semaphore_mem>>
      %dma_start3A_85 = arith.constant 0 : i32
      %dma_start3A_86 = tpu.memref_slice %arg19[%multiple_of3A, %dma_start3A_85] : memref<10000x32xf32, #tpu.memory_space<vmem_shared>> -> memref<624x32xf32, #tpu.memory_space<vmem_shared>>
      %dma_start3A_87 = arith.constant 0 : i32
      %dma_start3A_88 = tpu.memref_slice %arg5[%multiple_of3A, %dma_start3A_87] : memref<10000x32xf32, #tpu.memory_space<hbm>> -> memref<624x32xf32, #tpu.memory_space<hbm>>
      tpu.enqueue_dma source(%dma_start3A_88 : memref<624x32xf32, #tpu.memory_space<hbm>>) target(%dma_start3A_86 : memref<624x32xf32, #tpu.memory_space<vmem_shared>>) target_semaphore(%run_scoped3A : memref<!tpu.dma_semaphore, #tpu.memory_space<semaphore_mem>>)
      %dma_wait3A = arith.constant 0 : i32
      %dma_wait3A_89 = tpu.memref_slice %arg19[%multiple_of3A, %dma_wait3A] : memref<10000x32xf32, #tpu.memory_space<vmem_shared>> -> memref<624x32xf32, #tpu.memory_space<vmem_shared>>
      %dma_wait3A_90 = arith.constant 0 : i32
      %dma_wait3A_91 = tpu.memref_slice %arg5[%multiple_of3A, %dma_wait3A_90] : memref<10000x32xf32, #tpu.memory_space<hbm>> -> memref<624x32xf32, #tpu.memory_space<hbm>>
      tpu.wait_dma2 semaphore(%run_scoped3A : memref<!tpu.dma_semaphore, #tpu.memory_space<semaphore_mem>>) src(%dma_wait3A_91 : memref<624x32xf32, #tpu.memory_space<hbm>>) dst(%dma_wait3A_89 : memref<624x32xf32, #tpu.memory_space<vmem_shared>>)
      tpu.yield
    }) : () -> ()
    %eq3A = arith.constant 15 : i32
    %eq3A_72 = arith.cmpi eq, %arg1, %eq3A : i32
    %convert_element_type3A = arith.extui %eq3A_72 : i1 to i32
    %cond3A = arith.constant 0 : i32
    %cond3A_73 = arith.cmpi ne, %convert_element_type3A, %cond3A : i32
    scf.if %cond3A_73 {
      "tpu.region"() ({
        %run_scoped3A = tpu.sem_alloc : memref<!tpu.dma_semaphore, #tpu.memory_space<semaphore_mem>>
        %dma_start3A_85 = arith.constant 9984 : i32
        %dma_start3A_86 = arith.constant 0 : i32
        %dma_start3A_87 = tpu.memref_slice %arg19[%dma_start3A_85, %dma_start3A_86] : memref<10000x32xf32, #tpu.memory_space<vmem_shared>> -> memref<16x32xf32, #tpu.memory_space<vmem_shared>>
        %dma_start3A_88 = arith.constant 9984 : i32
        %dma_start3A_89 = arith.constant 0 : i32
        %dma_start3A_90 = tpu.memref_slice %arg5[%dma_start3A_88, %dma_start3A_89] : memref<10000x32xf32, #tpu.memory_space<hbm>> -> memref<16x32xf32, #tpu.memory_space<hbm>>
        tpu.enqueue_dma source(%dma_start3A_90 : memref<16x32xf32, #tpu.memory_space<hbm>>) target(%dma_start3A_87 : memref<16x32xf32, #tpu.memory_space<vmem_shared>>) target_semaphore(%run_scoped3A : memref<!tpu.dma_semaphore, #tpu.memory_space<semaphore_mem>>)
        %dma_wait3A = arith.constant 9984 : i32
        %dma_wait3A_91 = arith.constant 0 : i32
        %dma_wait3A_92 = tpu.memref_slice %arg19[%dma_wait3A, %dma_wait3A_91] : memref<10000x32xf32, #tpu.memory_space<vmem_shared>> -> memref<16x32xf32, #tpu.memory_space<vmem_shared>>
        %dma_wait3A_93 = arith.constant 9984 : i32
        %dma_wait3A_94 = arith.constant 0 : i32
        %dma_wait3A_95 = tpu.memref_slice %arg5[%dma_wait3A_93, %dma_wait3A_94] : memref<10000x32xf32, #tpu.memory_space<hbm>> -> memref<16x32xf32, #tpu.memory_space<hbm>>
        tpu.wait_dma2 semaphore(%run_scoped3A : memref<!tpu.dma_semaphore, #tpu.memory_space<semaphore_mem>>) src(%dma_wait3A_95 : memref<16x32xf32, #tpu.memory_space<hbm>>) dst(%dma_wait3A_92 : memref<16x32xf32, #tpu.memory_space<vmem_shared>>)
        tpu.yield
      }) : () -> ()
    } else {
    }
    %barrier3A = arith.constant 0 : index
    tpu.barrier barrier_id(%barrier3A)
    %scan3A = arith.constant 0 : i32
    %scan3A_74 = arith.constant 0 : i32
    %scan3A_75 = arith.constant 13 : i32
    %scan3A_76 = arith.addi %scan3A_74, %scan3A_75 : i32
    %scan3A_77 = arith.constant 1 : i32
    scf.for %scan3A_85 = %scan3A_74 to %scan3A_76 step %scan3A_77  : i32 {
      %mul3A_86 = arith.constant 10 : i32
      %mul3A_87 = arith.muli %scan3A_85, %mul3A_86 : i32
      %add3A_88 = arith.constant 0 : i32
      %add3A_89 = arith.addi %mul3A_87, %add3A_88 : i32
      %lt3A = arith.constant 125 : i32
      %lt3A_90 = arith.cmpi slt, %add3A_89, %lt3A : i32
      %convert_element_type3A_91 = arith.extui %lt3A_90 : i1 to i32
      %cond3A_92 = arith.constant 0 : i32
      %cond3A_93 = arith.cmpi ne, %convert_element_type3A_91, %cond3A_92 : i32
      scf.if %cond3A_93 {
        %dma_wait3A = arith.constant 0 : i32
        %dma_wait3A_157 = arith.constant 0 : i32
        %dma_wait3A_158 = tpu.memref_slice %arg2[%dma_wait3A, %dma_wait3A_157] : memref<10000x32xf32, #tpu.memory_space<hbm>> -> memref<80x32xf32, #tpu.memory_space<hbm>>
        %dma_wait3A_159 = arith.constant 0 : i32
        %dma_wait3A_160 = arith.constant 0 : i32
        %dma_wait3A_161 = tpu.memref_slice %arg2[%dma_wait3A_159, %dma_wait3A_160] : memref<10000x32xf32, #tpu.memory_space<hbm>> -> memref<80x32xf32, #tpu.memory_space<hbm>>
        tpu.wait_dma2 semaphore(%arg20 : memref<!tpu.dma_semaphore, #tpu.memory_space<semaphore_mem>>) src(%dma_wait3A_161 : memref<80x32xf32, #tpu.memory_space<hbm>>) dst(%arg9 : memref<80x32xf32, #tpu.memory_space<vmem>>)
        "tpu.region"() ({
          %run_scoped3A = tpu.sem_alloc : memref<!tpu.dma_semaphore, #tpu.memory_space<semaphore_mem>>
          %dma_start3A_169 = arith.constant 0 : i32
          %dma_start3A_170 = tpu.memref_slice %arg8[%add3A_89, %dma_start3A_169] : memref<125x80xi32, #tpu.memory_space<vmem>> -> memref<1x80xi32, #tpu.memory_space<vmem>>
          %dma_start3A_171 = tpu.memref_squeeze %dma_start3A_170 : memref<1x80xi32, #tpu.memory_space<vmem>> -> memref<80xi32, #tpu.memory_space<vmem>>
          %dma_start3A_172 = arith.constant 0 : i32
          %dma_start3A_173 = arith.constant 0 : i32
          %dma_start3A_174 = tpu.memref_slice %arg19[%dma_start3A_172, %dma_start3A_173] : memref<10000x32xf32, #tpu.memory_space<vmem_shared>> -> memref<10000x32xf32, #tpu.memory_space<vmem_shared>>
          tpu.enqueue_indirect_dma source(%arg9 : memref<80x32xf32, #tpu.memory_space<vmem>>) target(%dma_start3A_174 : memref<10000x32xf32, #tpu.memory_space<vmem_shared>>) offsets(%dma_start3A_171 : memref<80xi32, #tpu.memory_space<vmem>>) semaphore(%run_scoped3A : memref<!tpu.dma_semaphore, #tpu.memory_space<semaphore_mem>>) {add = true}
          %dma_wait3A_175 = arith.constant 0 : i32
          %dma_wait3A_176 = tpu.memref_slice %arg8[%add3A_89, %dma_wait3A_175] : memref<125x80xi32, #tpu.memory_space<vmem>> -> memref<1x80xi32, #tpu.memory_space<vmem>>
          %dma_wait3A_177 = tpu.memref_squeeze %dma_wait3A_176 : memref<1x80xi32, #tpu.memory_space<vmem>> -> memref<80xi32, #tpu.memory_space<vmem>>
          %dma_wait3A_178 = arith.constant 0 : i32
          %dma_wait3A_179 = arith.constant 0 : i32
          %dma_wait3A_180 = tpu.memref_slice %arg19[%dma_wait3A_178, %dma_wait3A_179] : memref<10000x32xf32, #tpu.memory_space<vmem_shared>> -> memref<10000x32xf32, #tpu.memory_space<vmem_shared>>
          tpu.wait_indirect_dma semaphore(%run_scoped3A : memref<!tpu.dma_semaphore, #tpu.memory_space<semaphore_mem>>) src(%arg9 : memref<80x32xf32, #tpu.memory_space<vmem>>) dst(%dma_wait3A_180 : memref<10000x32xf32, #tpu.memory_space<vmem_shared>>)
          tpu.yield
        }) : () -> ()
        %add3A_162 = arith.constant 10 : i32
        %add3A_163 = arith.addi %add3A_89, %add3A_162 : i32
        %lt3A_164 = arith.constant 125 : i32
        %lt3A_165 = arith.cmpi slt, %add3A_163, %lt3A_164 : i32
        %convert_element_type3A_166 = arith.extui %lt3A_165 : i1 to i32
        %cond3A_167 = arith.constant 0 : i32
        %cond3A_168 = arith.cmpi ne, %convert_element_type3A_166, %cond3A_167 : i32
        scf.if %cond3A_168 {
          %add3A_169 = arith.constant 10 : i32
          %add3A_170 = arith.addi %add3A_89, %add3A_169 : i32
          %dma_start3A_171 = arith.constant 0 : i32
          %dma_start3A_172 = tpu.memref_slice %arg7[%add3A_170, %dma_start3A_171] : memref<125x80xi32, #tpu.memory_space<vmem>> -> memref<1x80xi32, #tpu.memory_space<vmem>>
          %dma_start3A_173 = tpu.memref_squeeze %dma_start3A_172 : memref<1x80xi32, #tpu.memory_space<vmem>> -> memref<80xi32, #tpu.memory_space<vmem>>
          %dma_start3A_174 = arith.constant 0 : i32
          %dma_start3A_175 = arith.constant 0 : i32
          %dma_start3A_176 = tpu.memref_slice %arg2[%dma_start3A_174, %dma_start3A_175] : memref<10000x32xf32, #tpu.memory_space<hbm>> -> memref<10000x32xf32, #tpu.memory_space<hbm>>
          tpu.enqueue_indirect_dma source(%dma_start3A_176 : memref<10000x32xf32, #tpu.memory_space<hbm>>) target(%arg9 : memref<80x32xf32, #tpu.memory_space<vmem>>) offsets(%dma_start3A_173 : memref<80xi32, #tpu.memory_space<vmem>>) semaphore(%arg20 : memref<!tpu.dma_semaphore, #tpu.memory_space<semaphore_mem>>)
        } else {
        }
      } else {
      }
      %add3A_94 = arith.constant 1 : i32
      %add3A_95 = arith.addi %mul3A_87, %add3A_94 : i32
      %lt3A_96 = arith.constant 125 : i32
      %lt3A_97 = arith.cmpi slt, %add3A_95, %lt3A_96 : i32
      %convert_element_type3A_98 = arith.extui %lt3A_97 : i1 to i32
      %cond3A_99 = arith.constant 0 : i32
      %cond3A_100 = arith.cmpi ne, %convert_element_type3A_98, %cond3A_99 : i32
      scf.if %cond3A_100 {
        %dma_wait3A = arith.constant 0 : i32
        %dma_wait3A_157 = arith.constant 0 : i32
        %dma_wait3A_158 = tpu.memref_slice %arg2[%dma_wait3A, %dma_wait3A_157] : memref<10000x32xf32, #tpu.memory_space<hbm>> -> memref<80x32xf32, #tpu.memory_space<hbm>>
        %dma_wait3A_159 = arith.constant 0 : i32
        %dma_wait3A_160 = arith.constant 0 : i32
        %dma_wait3A_161 = tpu.memref_slice %arg2[%dma_wait3A_159, %dma_wait3A_160] : memref<10000x32xf32, #tpu.memory_space<hbm>> -> memref<80x32xf32, #tpu.memory_space<hbm>>
        tpu.wait_dma2 semaphore(%arg21 : memref<!tpu.dma_semaphore, #tpu.memory_space<semaphore_mem>>) src(%dma_wait3A_161 : memref<80x32xf32, #tpu.memory_space<hbm>>) dst(%arg10 : memref<80x32xf32, #tpu.memory_space<vmem>>)
        "tpu.region"() ({
          %run_scoped3A = tpu.sem_alloc : memref<!tpu.dma_semaphore, #tpu.memory_space<semaphore_mem>>
          %dma_start3A_169 = arith.constant 0 : i32
          %dma_start3A_170 = tpu.memref_slice %arg8[%add3A_95, %dma_start3A_169] : memref<125x80xi32, #tpu.memory_space<vmem>> -> memref<1x80xi32, #tpu.memory_space<vmem>>
          %dma_start3A_171 = tpu.memref_squeeze %dma_start3A_170 : memref<1x80xi32, #tpu.memory_space<vmem>> -> memref<80xi32, #tpu.memory_space<vmem>>
          %dma_start3A_172 = arith.constant 0 : i32
          %dma_start3A_173 = arith.constant 0 : i32
          %dma_start3A_174 = tpu.memref_slice %arg19[%dma_start3A_172, %dma_start3A_173] : memref<10000x32xf32, #tpu.memory_space<vmem_shared>> -> memref<10000x32xf32, #tpu.memory_space<vmem_shared>>
          tpu.enqueue_indirect_dma source(%arg10 : memref<80x32xf32, #tpu.memory_space<vmem>>) target(%dma_start3A_174 : memref<10000x32xf32, #tpu.memory_space<vmem_shared>>) offsets(%dma_start3A_171 : memref<80xi32, #tpu.memory_space<vmem>>) semaphore(%run_scoped3A : memref<!tpu.dma_semaphore, #tpu.memory_space<semaphore_mem>>) {add = true}
          %dma_wait3A_175 = arith.constant 0 : i32
          %dma_wait3A_176 = tpu.memref_slice %arg8[%add3A_95, %dma_wait3A_175] : memref<125x80xi32, #tpu.memory_space<vmem>> -> memref<1x80xi32, #tpu.memory_space<vmem>>
          %dma_wait3A_177 = tpu.memref_squeeze %dma_wait3A_176 : memref<1x80xi32, #tpu.memory_space<vmem>> -> memref<80xi32, #tpu.memory_space<vmem>>
          %dma_wait3A_178 = arith.constant 0 : i32
          %dma_wait3A_179 = arith.constant 0 : i32
          %dma_wait3A_180 = tpu.memref_slice %arg19[%dma_wait3A_178, %dma_wait3A_179] : memref<10000x32xf32, #tpu.memory_space<vmem_shared>> -> memref<10000x32xf32, #tpu.memory_space<vmem_shared>>
          tpu.wait_indirect_dma semaphore(%run_scoped3A : memref<!tpu.dma_semaphore, #tpu.memory_space<semaphore_mem>>) src(%arg10 : memref<80x32xf32, #tpu.memory_space<vmem>>) dst(%dma_wait3A_180 : memref<10000x32xf32, #tpu.memory_space<vmem_shared>>)
          tpu.yield
        }) : () -> ()
        %add3A_162 = arith.constant 10 : i32
        %add3A_163 = arith.addi %add3A_95, %add3A_162 : i32
        %lt3A_164 = arith.constant 125 : i32
        %lt3A_165 = arith.cmpi slt, %add3A_163, %lt3A_164 : i32
        %convert_element_type3A_166 = arith.extui %lt3A_165 : i1 to i32
        %cond3A_167 = arith.constant 0 : i32
        %cond3A_168 = arith.cmpi ne, %convert_element_type3A_166, %cond3A_167 : i32
        scf.if %cond3A_168 {
          %add3A_169 = arith.constant 10 : i32
          %add3A_170 = arith.addi %add3A_95, %add3A_169 : i32
          %dma_start3A_171 = arith.constant 0 : i32
          %dma_start3A_172 = tpu.memref_slice %arg7[%add3A_170, %dma_start3A_171] : memref<125x80xi32, #tpu.memory_space<vmem>> -> memref<1x80xi32, #tpu.memory_space<vmem>>
          %dma_start3A_173 = tpu.memref_squeeze %dma_start3A_172 : memref<1x80xi32, #tpu.memory_space<vmem>> -> memref<80xi32, #tpu.memory_space<vmem>>
          %dma_start3A_174 = arith.constant 0 : i32
          %dma_start3A_175 = arith.constant 0 : i32
          %dma_start3A_176 = tpu.memref_slice %arg2[%dma_start3A_174, %dma_start3A_175] : memref<10000x32xf32, #tpu.memory_space<hbm>> -> memref<10000x32xf32, #tpu.memory_space<hbm>>
          tpu.enqueue_indirect_dma source(%dma_start3A_176 : memref<10000x32xf32, #tpu.memory_space<hbm>>) target(%arg10 : memref<80x32xf32, #tpu.memory_space<vmem>>) offsets(%dma_start3A_173 : memref<80xi32, #tpu.memory_space<vmem>>) semaphore(%arg21 : memref<!tpu.dma_semaphore, #tpu.memory_space<semaphore_mem>>)
        } else {
        }
      } else {
      }
      %add3A_101 = arith.constant 2 : i32
      %add3A_102 = arith.addi %mul3A_87, %add3A_101 : i32
      %lt3A_103 = arith.constant 125 : i32
      %lt3A_104 = arith.cmpi slt, %add3A_102, %lt3A_103 : i32
      %convert_element_type3A_105 = arith.extui %lt3A_104 : i1 to i32
      %cond3A_106 = arith.constant 0 : i32
      %cond3A_107 = arith.cmpi ne, %convert_element_type3A_105, %cond3A_106 : i32
      scf.if %cond3A_107 {
        %dma_wait3A = arith.constant 0 : i32
        %dma_wait3A_157 = arith.constant 0 : i32
        %dma_wait3A_158 = tpu.memref_slice %arg2[%dma_wait3A, %dma_wait3A_157] : memref<10000x32xf32, #tpu.memory_space<hbm>> -> memref<80x32xf32, #tpu.memory_space<hbm>>
        %dma_wait3A_159 = arith.constant 0 : i32
        %dma_wait3A_160 = arith.constant 0 : i32
        %dma_wait3A_161 = tpu.memref_slice %arg2[%dma_wait3A_159, %dma_wait3A_160] : memref<10000x32xf32, #tpu.memory_space<hbm>> -> memref<80x32xf32, #tpu.memory_space<hbm>>
        tpu.wait_dma2 semaphore(%arg22 : memref<!tpu.dma_semaphore, #tpu.memory_space<semaphore_mem>>) src(%dma_wait3A_161 : memref<80x32xf32, #tpu.memory_space<hbm>>) dst(%arg11 : memref<80x32xf32, #tpu.memory_space<vmem>>)
        "tpu.region"() ({
          %run_scoped3A = tpu.sem_alloc : memref<!tpu.dma_semaphore, #tpu.memory_space<semaphore_mem>>
          %dma_start3A_169 = arith.constant 0 : i32
          %dma_start3A_170 = tpu.memref_slice %arg8[%add3A_102, %dma_start3A_169] : memref<125x80xi32, #tpu.memory_space<vmem>> -> memref<1x80xi32, #tpu.memory_space<vmem>>
          %dma_start3A_171 = tpu.memref_squeeze %dma_start3A_170 : memref<1x80xi32, #tpu.memory_space<vmem>> -> memref<80xi32, #tpu.memory_space<vmem>>
          %dma_start3A_172 = arith.constant 0 : i32
          %dma_start3A_173 = arith.constant 0 : i32
          %dma_start3A_174 = tpu.memref_slice %arg19[%dma_start3A_172, %dma_start3A_173] : memref<10000x32xf32, #tpu.memory_space<vmem_shared>> -> memref<10000x32xf32, #tpu.memory_space<vmem_shared>>
          tpu.enqueue_indirect_dma source(%arg11 : memref<80x32xf32, #tpu.memory_space<vmem>>) target(%dma_start3A_174 : memref<10000x32xf32, #tpu.memory_space<vmem_shared>>) offsets(%dma_start3A_171 : memref<80xi32, #tpu.memory_space<vmem>>) semaphore(%run_scoped3A : memref<!tpu.dma_semaphore, #tpu.memory_space<semaphore_mem>>) {add = true}
          %dma_wait3A_175 = arith.constant 0 : i32
          %dma_wait3A_176 = tpu.memref_slice %arg8[%add3A_102, %dma_wait3A_175] : memref<125x80xi32, #tpu.memory_space<vmem>> -> memref<1x80xi32, #tpu.memory_space<vmem>>
          %dma_wait3A_177 = tpu.memref_squeeze %dma_wait3A_176 : memref<1x80xi32, #tpu.memory_space<vmem>> -> memref<80xi32, #tpu.memory_space<vmem>>
          %dma_wait3A_178 = arith.constant 0 : i32
          %dma_wait3A_179 = arith.constant 0 : i32
          %dma_wait3A_180 = tpu.memref_slice %arg19[%dma_wait3A_178, %dma_wait3A_179] : memref<10000x32xf32, #tpu.memory_space<vmem_shared>> -> memref<10000x32xf32, #tpu.memory_space<vmem_shared>>
          tpu.wait_indirect_dma semaphore(%run_scoped3A : memref<!tpu.dma_semaphore, #tpu.memory_space<semaphore_mem>>) src(%arg11 : memref<80x32xf32, #tpu.memory_space<vmem>>) dst(%dma_wait3A_180 : memref<10000x32xf32, #tpu.memory_space<vmem_shared>>)
          tpu.yield
        }) : () -> ()
        %add3A_162 = arith.constant 10 : i32
        %add3A_163 = arith.addi %add3A_102, %add3A_162 : i32
        %lt3A_164 = arith.constant 125 : i32
        %lt3A_165 = arith.cmpi slt, %add3A_163, %lt3A_164 : i32
        %convert_element_type3A_166 = arith.extui %lt3A_165 : i1 to i32
        %cond3A_167 = arith.constant 0 : i32
        %cond3A_168 = arith.cmpi ne, %convert_element_type3A_166, %cond3A_167 : i32
        scf.if %cond3A_168 {
          %add3A_169 = arith.constant 10 : i32
          %add3A_170 = arith.addi %add3A_102, %add3A_169 : i32
          %dma_start3A_171 = arith.constant 0 : i32
          %dma_start3A_172 = tpu.memref_slice %arg7[%add3A_170, %dma_start3A_171] : memref<125x80xi32, #tpu.memory_space<vmem>> -> memref<1x80xi32, #tpu.memory_space<vmem>>
          %dma_start3A_173 = tpu.memref_squeeze %dma_start3A_172 : memref<1x80xi32, #tpu.memory_space<vmem>> -> memref<80xi32, #tpu.memory_space<vmem>>
          %dma_start3A_174 = arith.constant 0 : i32
          %dma_start3A_175 = arith.constant 0 : i32
          %dma_start3A_176 = tpu.memref_slice %arg2[%dma_start3A_174, %dma_start3A_175] : memref<10000x32xf32, #tpu.memory_space<hbm>> -> memref<10000x32xf32, #tpu.memory_space<hbm>>
          tpu.enqueue_indirect_dma source(%dma_start3A_176 : memref<10000x32xf32, #tpu.memory_space<hbm>>) target(%arg11 : memref<80x32xf32, #tpu.memory_space<vmem>>) offsets(%dma_start3A_173 : memref<80xi32, #tpu.memory_space<vmem>>) semaphore(%arg22 : memref<!tpu.dma_semaphore, #tpu.memory_space<semaphore_mem>>)
        } else {
        }
      } else {
      }
      %add3A_108 = arith.constant 3 : i32
      %add3A_109 = arith.addi %mul3A_87, %add3A_108 : i32
      %lt3A_110 = arith.constant 125 : i32
      %lt3A_111 = arith.cmpi slt, %add3A_109, %lt3A_110 : i32
      %convert_element_type3A_112 = arith.extui %lt3A_111 : i1 to i32
      %cond3A_113 = arith.constant 0 : i32
      %cond3A_114 = arith.cmpi ne, %convert_element_type3A_112, %cond3A_113 : i32
      scf.if %cond3A_114 {
        %dma_wait3A = arith.constant 0 : i32
        %dma_wait3A_157 = arith.constant 0 : i32
        %dma_wait3A_158 = tpu.memref_slice %arg2[%dma_wait3A, %dma_wait3A_157] : memref<10000x32xf32, #tpu.memory_space<hbm>> -> memref<80x32xf32, #tpu.memory_space<hbm>>
        %dma_wait3A_159 = arith.constant 0 : i32
        %dma_wait3A_160 = arith.constant 0 : i32
        %dma_wait3A_161 = tpu.memref_slice %arg2[%dma_wait3A_159, %dma_wait3A_160] : memref<10000x32xf32, #tpu.memory_space<hbm>> -> memref<80x32xf32, #tpu.memory_space<hbm>>
        tpu.wait_dma2 semaphore(%arg23 : memref<!tpu.dma_semaphore, #tpu.memory_space<semaphore_mem>>) src(%dma_wait3A_161 : memref<80x32xf32, #tpu.memory_space<hbm>>) dst(%arg12 : memref<80x32xf32, #tpu.memory_space<vmem>>)
        "tpu.region"() ({
          %run_scoped3A = tpu.sem_alloc : memref<!tpu.dma_semaphore, #tpu.memory_space<semaphore_mem>>
          %dma_start3A_169 = arith.constant 0 : i32
          %dma_start3A_170 = tpu.memref_slice %arg8[%add3A_109, %dma_start3A_169] : memref<125x80xi32, #tpu.memory_space<vmem>> -> memref<1x80xi32, #tpu.memory_space<vmem>>
          %dma_start3A_171 = tpu.memref_squeeze %dma_start3A_170 : memref<1x80xi32, #tpu.memory_space<vmem>> -> memref<80xi32, #tpu.memory_space<vmem>>
          %dma_start3A_172 = arith.constant 0 : i32
          %dma_start3A_173 = arith.constant 0 : i32
          %dma_start3A_174 = tpu.memref_slice %arg19[%dma_start3A_172, %dma_start3A_173] : memref<10000x32xf32, #tpu.memory_space<vmem_shared>> -> memref<10000x32xf32, #tpu.memory_space<vmem_shared>>
          tpu.enqueue_indirect_dma source(%arg12 : memref<80x32xf32, #tpu.memory_space<vmem>>) target(%dma_start3A_174 : memref<10000x32xf32, #tpu.memory_space<vmem_shared>>) offsets(%dma_start3A_171 : memref<80xi32, #tpu.memory_space<vmem>>) semaphore(%run_scoped3A : memref<!tpu.dma_semaphore, #tpu.memory_space<semaphore_mem>>) {add = true}
          %dma_wait3A_175 = arith.constant 0 : i32
          %dma_wait3A_176 = tpu.memref_slice %arg8[%add3A_109, %dma_wait3A_175] : memref<125x80xi32, #tpu.memory_space<vmem>> -> memref<1x80xi32, #tpu.memory_space<vmem>>
          %dma_wait3A_177 = tpu.memref_squeeze %dma_wait3A_176 : memref<1x80xi32, #tpu.memory_space<vmem>> -> memref<80xi32, #tpu.memory_space<vmem>>
          %dma_wait3A_178 = arith.constant 0 : i32
          %dma_wait3A_179 = arith.constant 0 : i32
          %dma_wait3A_180 = tpu.memref_slice %arg19[%dma_wait3A_178, %dma_wait3A_179] : memref<10000x32xf32, #tpu.memory_space<vmem_shared>> -> memref<10000x32xf32, #tpu.memory_space<vmem_shared>>
          tpu.wait_indirect_dma semaphore(%run_scoped3A : memref<!tpu.dma_semaphore, #tpu.memory_space<semaphore_mem>>) src(%arg12 : memref<80x32xf32, #tpu.memory_space<vmem>>) dst(%dma_wait3A_180 : memref<10000x32xf32, #tpu.memory_space<vmem_shared>>)
          tpu.yield
        }) : () -> ()
        %add3A_162 = arith.constant 10 : i32
        %add3A_163 = arith.addi %add3A_109, %add3A_162 : i32
        %lt3A_164 = arith.constant 125 : i32
        %lt3A_165 = arith.cmpi slt, %add3A_163, %lt3A_164 : i32
        %convert_element_type3A_166 = arith.extui %lt3A_165 : i1 to i32
        %cond3A_167 = arith.constant 0 : i32
        %cond3A_168 = arith.cmpi ne, %convert_element_type3A_166, %cond3A_167 : i32
        scf.if %cond3A_168 {
          %add3A_169 = arith.constant 10 : i32
          %add3A_170 = arith.addi %add3A_109, %add3A_169 : i32
          %dma_start3A_171 = arith.constant 0 : i32
          %dma_start3A_172 = tpu.memref_slice %arg7[%add3A_170, %dma_start3A_171] : memref<125x80xi32, #tpu.memory_space<vmem>> -> memref<1x80xi32, #tpu.memory_space<vmem>>
          %dma_start3A_173 = tpu.memref_squeeze %dma_start3A_172 : memref<1x80xi32, #tpu.memory_space<vmem>> -> memref<80xi32, #tpu.memory_space<vmem>>
          %dma_start3A_174 = arith.constant 0 : i32
          %dma_start3A_175 = arith.constant 0 : i32
          %dma_start3A_176 = tpu.memref_slice %arg2[%dma_start3A_174, %dma_start3A_175] : memref<10000x32xf32, #tpu.memory_space<hbm>> -> memref<10000x32xf32, #tpu.memory_space<hbm>>
          tpu.enqueue_indirect_dma source(%dma_start3A_176 : memref<10000x32xf32, #tpu.memory_space<hbm>>) target(%arg12 : memref<80x32xf32, #tpu.memory_space<vmem>>) offsets(%dma_start3A_173 : memref<80xi32, #tpu.memory_space<vmem>>) semaphore(%arg23 : memref<!tpu.dma_semaphore, #tpu.memory_space<semaphore_mem>>)
        } else {
        }
      } else {
      }
      %add3A_115 = arith.constant 4 : i32
      %add3A_116 = arith.addi %mul3A_87, %add3A_115 : i32
      %lt3A_117 = arith.constant 125 : i32
      %lt3A_118 = arith.cmpi slt, %add3A_116, %lt3A_117 : i32
      %convert_element_type3A_119 = arith.extui %lt3A_118 : i1 to i32
      %cond3A_120 = arith.constant 0 : i32
      %cond3A_121 = arith.cmpi ne, %convert_element_type3A_119, %cond3A_120 : i32
      scf.if %cond3A_121 {
        %dma_wait3A = arith.constant 0 : i32
        %dma_wait3A_157 = arith.constant 0 : i32
        %dma_wait3A_158 = tpu.memref_slice %arg2[%dma_wait3A, %dma_wait3A_157] : memref<10000x32xf32, #tpu.memory_space<hbm>> -> memref<80x32xf32, #tpu.memory_space<hbm>>
        %dma_wait3A_159 = arith.constant 0 : i32
        %dma_wait3A_160 = arith.constant 0 : i32
        %dma_wait3A_161 = tpu.memref_slice %arg2[%dma_wait3A_159, %dma_wait3A_160] : memref<10000x32xf32, #tpu.memory_space<hbm>> -> memref<80x32xf32, #tpu.memory_space<hbm>>
        tpu.wait_dma2 semaphore(%arg24 : memref<!tpu.dma_semaphore, #tpu.memory_space<semaphore_mem>>) src(%dma_wait3A_161 : memref<80x32xf32, #tpu.memory_space<hbm>>) dst(%arg13 : memref<80x32xf32, #tpu.memory_space<vmem>>)
        "tpu.region"() ({
          %run_scoped3A = tpu.sem_alloc : memref<!tpu.dma_semaphore, #tpu.memory_space<semaphore_mem>>
          %dma_start3A_169 = arith.constant 0 : i32
          %dma_start3A_170 = tpu.memref_slice %arg8[%add3A_116, %dma_start3A_169] : memref<125x80xi32, #tpu.memory_space<vmem>> -> memref<1x80xi32, #tpu.memory_space<vmem>>
          %dma_start3A_171 = tpu.memref_squeeze %dma_start3A_170 : memref<1x80xi32, #tpu.memory_space<vmem>> -> memref<80xi32, #tpu.memory_space<vmem>>
          %dma_start3A_172 = arith.constant 0 : i32
          %dma_start3A_173 = arith.constant 0 : i32
          %dma_start3A_174 = tpu.memref_slice %arg19[%dma_start3A_172, %dma_start3A_173] : memref<10000x32xf32, #tpu.memory_space<vmem_shared>> -> memref<10000x32xf32, #tpu.memory_space<vmem_shared>>
          tpu.enqueue_indirect_dma source(%arg13 : memref<80x32xf32, #tpu.memory_space<vmem>>) target(%dma_start3A_174 : memref<10000x32xf32, #tpu.memory_space<vmem_shared>>) offsets(%dma_start3A_171 : memref<80xi32, #tpu.memory_space<vmem>>) semaphore(%run_scoped3A : memref<!tpu.dma_semaphore, #tpu.memory_space<semaphore_mem>>) {add = true}
          %dma_wait3A_175 = arith.constant 0 : i32
          %dma_wait3A_176 = tpu.memref_slice %arg8[%add3A_116, %dma_wait3A_175] : memref<125x80xi32, #tpu.memory_space<vmem>> -> memref<1x80xi32, #tpu.memory_space<vmem>>
          %dma_wait3A_177 = tpu.memref_squeeze %dma_wait3A_176 : memref<1x80xi32, #tpu.memory_space<vmem>> -> memref<80xi32, #tpu.memory_space<vmem>>
          %dma_wait3A_178 = arith.constant 0 : i32
          %dma_wait3A_179 = arith.constant 0 : i32
          %dma_wait3A_180 = tpu.memref_slice %arg19[%dma_wait3A_178, %dma_wait3A_179] : memref<10000x32xf32, #tpu.memory_space<vmem_shared>> -> memref<10000x32xf32, #tpu.memory_space<vmem_shared>>
          tpu.wait_indirect_dma semaphore(%run_scoped3A : memref<!tpu.dma_semaphore, #tpu.memory_space<semaphore_mem>>) src(%arg13 : memref<80x32xf32, #tpu.memory_space<vmem>>) dst(%dma_wait3A_180 : memref<10000x32xf32, #tpu.memory_space<vmem_shared>>)
          tpu.yield
        }) : () -> ()
        %add3A_162 = arith.constant 10 : i32
        %add3A_163 = arith.addi %add3A_116, %add3A_162 : i32
        %lt3A_164 = arith.constant 125 : i32
        %lt3A_165 = arith.cmpi slt, %add3A_163, %lt3A_164 : i32
        %convert_element_type3A_166 = arith.extui %lt3A_165 : i1 to i32
        %cond3A_167 = arith.constant 0 : i32
        %cond3A_168 = arith.cmpi ne, %convert_element_type3A_166, %cond3A_167 : i32
        scf.if %cond3A_168 {
          %add3A_169 = arith.constant 10 : i32
          %add3A_170 = arith.addi %add3A_116, %add3A_169 : i32
          %dma_start3A_171 = arith.constant 0 : i32
          %dma_start3A_172 = tpu.memref_slice %arg7[%add3A_170, %dma_start3A_171] : memref<125x80xi32, #tpu.memory_space<vmem>> -> memref<1x80xi32, #tpu.memory_space<vmem>>
          %dma_start3A_173 = tpu.memref_squeeze %dma_start3A_172 : memref<1x80xi32, #tpu.memory_space<vmem>> -> memref<80xi32, #tpu.memory_space<vmem>>
          %dma_start3A_174 = arith.constant 0 : i32
          %dma_start3A_175 = arith.constant 0 : i32
          %dma_start3A_176 = tpu.memref_slice %arg2[%dma_start3A_174, %dma_start3A_175] : memref<10000x32xf32, #tpu.memory_space<hbm>> -> memref<10000x32xf32, #tpu.memory_space<hbm>>
          tpu.enqueue_indirect_dma source(%dma_start3A_176 : memref<10000x32xf32, #tpu.memory_space<hbm>>) target(%arg13 : memref<80x32xf32, #tpu.memory_space<vmem>>) offsets(%dma_start3A_173 : memref<80xi32, #tpu.memory_space<vmem>>) semaphore(%arg24 : memref<!tpu.dma_semaphore, #tpu.memory_space<semaphore_mem>>)
        } else {
        }
      } else {
      }
      %add3A_122 = arith.constant 5 : i32
      %add3A_123 = arith.addi %mul3A_87, %add3A_122 : i32
      %lt3A_124 = arith.constant 125 : i32
      %lt3A_125 = arith.cmpi slt, %add3A_123, %lt3A_124 : i32
      %convert_element_type3A_126 = arith.extui %lt3A_125 : i1 to i32
      %cond3A_127 = arith.constant 0 : i32
      %cond3A_128 = arith.cmpi ne, %convert_element_type3A_126, %cond3A_127 : i32
      scf.if %cond3A_128 {
        %dma_wait3A = arith.constant 0 : i32
        %dma_wait3A_157 = arith.constant 0 : i32
        %dma_wait3A_158 = tpu.memref_slice %arg2[%dma_wait3A, %dma_wait3A_157] : memref<10000x32xf32, #tpu.memory_space<hbm>> -> memref<80x32xf32, #tpu.memory_space<hbm>>
        %dma_wait3A_159 = arith.constant 0 : i32
        %dma_wait3A_160 = arith.constant 0 : i32
        %dma_wait3A_161 = tpu.memref_slice %arg2[%dma_wait3A_159, %dma_wait3A_160] : memref<10000x32xf32, #tpu.memory_space<hbm>> -> memref<80x32xf32, #tpu.memory_space<hbm>>
        tpu.wait_dma2 semaphore(%arg25 : memref<!tpu.dma_semaphore, #tpu.memory_space<semaphore_mem>>) src(%dma_wait3A_161 : memref<80x32xf32, #tpu.memory_space<hbm>>) dst(%arg14 : memref<80x32xf32, #tpu.memory_space<vmem>>)
        "tpu.region"() ({
          %run_scoped3A = tpu.sem_alloc : memref<!tpu.dma_semaphore, #tpu.memory_space<semaphore_mem>>
          %dma_start3A_169 = arith.constant 0 : i32
          %dma_start3A_170 = tpu.memref_slice %arg8[%add3A_123, %dma_start3A_169] : memref<125x80xi32, #tpu.memory_space<vmem>> -> memref<1x80xi32, #tpu.memory_space<vmem>>
          %dma_start3A_171 = tpu.memref_squeeze %dma_start3A_170 : memref<1x80xi32, #tpu.memory_space<vmem>> -> memref<80xi32, #tpu.memory_space<vmem>>
          %dma_start3A_172 = arith.constant 0 : i32
          %dma_start3A_173 = arith.constant 0 : i32
          %dma_start3A_174 = tpu.memref_slice %arg19[%dma_start3A_172, %dma_start3A_173] : memref<10000x32xf32, #tpu.memory_space<vmem_shared>> -> memref<10000x32xf32, #tpu.memory_space<vmem_shared>>
          tpu.enqueue_indirect_dma source(%arg14 : memref<80x32xf32, #tpu.memory_space<vmem>>) target(%dma_start3A_174 : memref<10000x32xf32, #tpu.memory_space<vmem_shared>>) offsets(%dma_start3A_171 : memref<80xi32, #tpu.memory_space<vmem>>) semaphore(%run_scoped3A : memref<!tpu.dma_semaphore, #tpu.memory_space<semaphore_mem>>) {add = true}
          %dma_wait3A_175 = arith.constant 0 : i32
          %dma_wait3A_176 = tpu.memref_slice %arg8[%add3A_123, %dma_wait3A_175] : memref<125x80xi32, #tpu.memory_space<vmem>> -> memref<1x80xi32, #tpu.memory_space<vmem>>
          %dma_wait3A_177 = tpu.memref_squeeze %dma_wait3A_176 : memref<1x80xi32, #tpu.memory_space<vmem>> -> memref<80xi32, #tpu.memory_space<vmem>>
          %dma_wait3A_178 = arith.constant 0 : i32
          %dma_wait3A_179 = arith.constant 0 : i32
          %dma_wait3A_180 = tpu.memref_slice %arg19[%dma_wait3A_178, %dma_wait3A_179] : memref<10000x32xf32, #tpu.memory_space<vmem_shared>> -> memref<10000x32xf32, #tpu.memory_space<vmem_shared>>
          tpu.wait_indirect_dma semaphore(%run_scoped3A : memref<!tpu.dma_semaphore, #tpu.memory_space<semaphore_mem>>) src(%arg14 : memref<80x32xf32, #tpu.memory_space<vmem>>) dst(%dma_wait3A_180 : memref<10000x32xf32, #tpu.memory_space<vmem_shared>>)
          tpu.yield
        }) : () -> ()
        %add3A_162 = arith.constant 10 : i32
        %add3A_163 = arith.addi %add3A_123, %add3A_162 : i32
        %lt3A_164 = arith.constant 125 : i32
        %lt3A_165 = arith.cmpi slt, %add3A_163, %lt3A_164 : i32
        %convert_element_type3A_166 = arith.extui %lt3A_165 : i1 to i32
        %cond3A_167 = arith.constant 0 : i32
        %cond3A_168 = arith.cmpi ne, %convert_element_type3A_166, %cond3A_167 : i32
        scf.if %cond3A_168 {
          %add3A_169 = arith.constant 10 : i32
          %add3A_170 = arith.addi %add3A_123, %add3A_169 : i32
          %dma_start3A_171 = arith.constant 0 : i32
          %dma_start3A_172 = tpu.memref_slice %arg7[%add3A_170, %dma_start3A_171] : memref<125x80xi32, #tpu.memory_space<vmem>> -> memref<1x80xi32, #tpu.memory_space<vmem>>
          %dma_start3A_173 = tpu.memref_squeeze %dma_start3A_172 : memref<1x80xi32, #tpu.memory_space<vmem>> -> memref<80xi32, #tpu.memory_space<vmem>>
          %dma_start3A_174 = arith.constant 0 : i32
          %dma_start3A_175 = arith.constant 0 : i32
          %dma_start3A_176 = tpu.memref_slice %arg2[%dma_start3A_174, %dma_start3A_175] : memref<10000x32xf32, #tpu.memory_space<hbm>> -> memref<10000x32xf32, #tpu.memory_space<hbm>>
          tpu.enqueue_indirect_dma source(%dma_start3A_176 : memref<10000x32xf32, #tpu.memory_space<hbm>>) target(%arg14 : memref<80x32xf32, #tpu.memory_space<vmem>>) offsets(%dma_start3A_173 : memref<80xi32, #tpu.memory_space<vmem>>) semaphore(%arg25 : memref<!tpu.dma_semaphore, #tpu.memory_space<semaphore_mem>>)
        } else {
        }
      } else {
      }
      %add3A_129 = arith.constant 6 : i32
      %add3A_130 = arith.addi %mul3A_87, %add3A_129 : i32
      %lt3A_131 = arith.constant 125 : i32
      %lt3A_132 = arith.cmpi slt, %add3A_130, %lt3A_131 : i32
      %convert_element_type3A_133 = arith.extui %lt3A_132 : i1 to i32
      %cond3A_134 = arith.constant 0 : i32
      %cond3A_135 = arith.cmpi ne, %convert_element_type3A_133, %cond3A_134 : i32
      scf.if %cond3A_135 {
        %dma_wait3A = arith.constant 0 : i32
        %dma_wait3A_157 = arith.constant 0 : i32
        %dma_wait3A_158 = tpu.memref_slice %arg2[%dma_wait3A, %dma_wait3A_157] : memref<10000x32xf32, #tpu.memory_space<hbm>> -> memref<80x32xf32, #tpu.memory_space<hbm>>
        %dma_wait3A_159 = arith.constant 0 : i32
        %dma_wait3A_160 = arith.constant 0 : i32
        %dma_wait3A_161 = tpu.memref_slice %arg2[%dma_wait3A_159, %dma_wait3A_160] : memref<10000x32xf32, #tpu.memory_space<hbm>> -> memref<80x32xf32, #tpu.memory_space<hbm>>
        tpu.wait_dma2 semaphore(%arg26 : memref<!tpu.dma_semaphore, #tpu.memory_space<semaphore_mem>>) src(%dma_wait3A_161 : memref<80x32xf32, #tpu.memory_space<hbm>>) dst(%arg15 : memref<80x32xf32, #tpu.memory_space<vmem>>)
        "tpu.region"() ({
          %run_scoped3A = tpu.sem_alloc : memref<!tpu.dma_semaphore, #tpu.memory_space<semaphore_mem>>
          %dma_start3A_169 = arith.constant 0 : i32
          %dma_start3A_170 = tpu.memref_slice %arg8[%add3A_130, %dma_start3A_169] : memref<125x80xi32, #tpu.memory_space<vmem>> -> memref<1x80xi32, #tpu.memory_space<vmem>>
          %dma_start3A_171 = tpu.memref_squeeze %dma_start3A_170 : memref<1x80xi32, #tpu.memory_space<vmem>> -> memref<80xi32, #tpu.memory_space<vmem>>
          %dma_start3A_172 = arith.constant 0 : i32
          %dma_start3A_173 = arith.constant 0 : i32
          %dma_start3A_174 = tpu.memref_slice %arg19[%dma_start3A_172, %dma_start3A_173] : memref<10000x32xf32, #tpu.memory_space<vmem_shared>> -> memref<10000x32xf32, #tpu.memory_space<vmem_shared>>
          tpu.enqueue_indirect_dma source(%arg15 : memref<80x32xf32, #tpu.memory_space<vmem>>) target(%dma_start3A_174 : memref<10000x32xf32, #tpu.memory_space<vmem_shared>>) offsets(%dma_start3A_171 : memref<80xi32, #tpu.memory_space<vmem>>) semaphore(%run_scoped3A : memref<!tpu.dma_semaphore, #tpu.memory_space<semaphore_mem>>) {add = true}
          %dma_wait3A_175 = arith.constant 0 : i32
          %dma_wait3A_176 = tpu.memref_slice %arg8[%add3A_130, %dma_wait3A_175] : memref<125x80xi32, #tpu.memory_space<vmem>> -> memref<1x80xi32, #tpu.memory_space<vmem>>
          %dma_wait3A_177 = tpu.memref_squeeze %dma_wait3A_176 : memref<1x80xi32, #tpu.memory_space<vmem>> -> memref<80xi32, #tpu.memory_space<vmem>>
          %dma_wait3A_178 = arith.constant 0 : i32
          %dma_wait3A_179 = arith.constant 0 : i32
          %dma_wait3A_180 = tpu.memref_slice %arg19[%dma_wait3A_178, %dma_wait3A_179] : memref<10000x32xf32, #tpu.memory_space<vmem_shared>> -> memref<10000x32xf32, #tpu.memory_space<vmem_shared>>
          tpu.wait_indirect_dma semaphore(%run_scoped3A : memref<!tpu.dma_semaphore, #tpu.memory_space<semaphore_mem>>) src(%arg15 : memref<80x32xf32, #tpu.memory_space<vmem>>) dst(%dma_wait3A_180 : memref<10000x32xf32, #tpu.memory_space<vmem_shared>>)
          tpu.yield
        }) : () -> ()
        %add3A_162 = arith.constant 10 : i32
        %add3A_163 = arith.addi %add3A_130, %add3A_162 : i32
        %lt3A_164 = arith.constant 125 : i32
        %lt3A_165 = arith.cmpi slt, %add3A_163, %lt3A_164 : i32
        %convert_element_type3A_166 = arith.extui %lt3A_165 : i1 to i32
        %cond3A_167 = arith.constant 0 : i32
        %cond3A_168 = arith.cmpi ne, %convert_element_type3A_166, %cond3A_167 : i32
        scf.if %cond3A_168 {
          %add3A_169 = arith.constant 10 : i32
          %add3A_170 = arith.addi %add3A_130, %add3A_169 : i32
          %dma_start3A_171 = arith.constant 0 : i32
          %dma_start3A_172 = tpu.memref_slice %arg7[%add3A_170, %dma_start3A_171] : memref<125x80xi32, #tpu.memory_space<vmem>> -> memref<1x80xi32, #tpu.memory_space<vmem>>
          %dma_start3A_173 = tpu.memref_squeeze %dma_start3A_172 : memref<1x80xi32, #tpu.memory_space<vmem>> -> memref<80xi32, #tpu.memory_space<vmem>>
          %dma_start3A_174 = arith.constant 0 : i32
          %dma_start3A_175 = arith.constant 0 : i32
          %dma_start3A_176 = tpu.memref_slice %arg2[%dma_start3A_174, %dma_start3A_175] : memref<10000x32xf32, #tpu.memory_space<hbm>> -> memref<10000x32xf32, #tpu.memory_space<hbm>>
          tpu.enqueue_indirect_dma source(%dma_start3A_176 : memref<10000x32xf32, #tpu.memory_space<hbm>>) target(%arg15 : memref<80x32xf32, #tpu.memory_space<vmem>>) offsets(%dma_start3A_173 : memref<80xi32, #tpu.memory_space<vmem>>) semaphore(%arg26 : memref<!tpu.dma_semaphore, #tpu.memory_space<semaphore_mem>>)
        } else {
        }
      } else {
      }
      %add3A_136 = arith.constant 7 : i32
      %add3A_137 = arith.addi %mul3A_87, %add3A_136 : i32
      %lt3A_138 = arith.constant 125 : i32
      %lt3A_139 = arith.cmpi slt, %add3A_137, %lt3A_138 : i32
      %convert_element_type3A_140 = arith.extui %lt3A_139 : i1 to i32
      %cond3A_141 = arith.constant 0 : i32
      %cond3A_142 = arith.cmpi ne, %convert_element_type3A_140, %cond3A_141 : i32
      scf.if %cond3A_142 {
        %dma_wait3A = arith.constant 0 : i32
        %dma_wait3A_157 = arith.constant 0 : i32
        %dma_wait3A_158 = tpu.memref_slice %arg2[%dma_wait3A, %dma_wait3A_157] : memref<10000x32xf32, #tpu.memory_space<hbm>> -> memref<80x32xf32, #tpu.memory_space<hbm>>
        %dma_wait3A_159 = arith.constant 0 : i32
        %dma_wait3A_160 = arith.constant 0 : i32
        %dma_wait3A_161 = tpu.memref_slice %arg2[%dma_wait3A_159, %dma_wait3A_160] : memref<10000x32xf32, #tpu.memory_space<hbm>> -> memref<80x32xf32, #tpu.memory_space<hbm>>
        tpu.wait_dma2 semaphore(%arg27 : memref<!tpu.dma_semaphore, #tpu.memory_space<semaphore_mem>>) src(%dma_wait3A_161 : memref<80x32xf32, #tpu.memory_space<hbm>>) dst(%arg16 : memref<80x32xf32, #tpu.memory_space<vmem>>)
        "tpu.region"() ({
          %run_scoped3A = tpu.sem_alloc : memref<!tpu.dma_semaphore, #tpu.memory_space<semaphore_mem>>
          %dma_start3A_169 = arith.constant 0 : i32
          %dma_start3A_170 = tpu.memref_slice %arg8[%add3A_137, %dma_start3A_169] : memref<125x80xi32, #tpu.memory_space<vmem>> -> memref<1x80xi32, #tpu.memory_space<vmem>>
          %dma_start3A_171 = tpu.memref_squeeze %dma_start3A_170 : memref<1x80xi32, #tpu.memory_space<vmem>> -> memref<80xi32, #tpu.memory_space<vmem>>
          %dma_start3A_172 = arith.constant 0 : i32
          %dma_start3A_173 = arith.constant 0 : i32
          %dma_start3A_174 = tpu.memref_slice %arg19[%dma_start3A_172, %dma_start3A_173] : memref<10000x32xf32, #tpu.memory_space<vmem_shared>> -> memref<10000x32xf32, #tpu.memory_space<vmem_shared>>
          tpu.enqueue_indirect_dma source(%arg16 : memref<80x32xf32, #tpu.memory_space<vmem>>) target(%dma_start3A_174 : memref<10000x32xf32, #tpu.memory_space<vmem_shared>>) offsets(%dma_start3A_171 : memref<80xi32, #tpu.memory_space<vmem>>) semaphore(%run_scoped3A : memref<!tpu.dma_semaphore, #tpu.memory_space<semaphore_mem>>) {add = true}
          %dma_wait3A_175 = arith.constant 0 : i32
          %dma_wait3A_176 = tpu.memref_slice %arg8[%add3A_137, %dma_wait3A_175] : memref<125x80xi32, #tpu.memory_space<vmem>> -> memref<1x80xi32, #tpu.memory_space<vmem>>
          %dma_wait3A_177 = tpu.memref_squeeze %dma_wait3A_176 : memref<1x80xi32, #tpu.memory_space<vmem>> -> memref<80xi32, #tpu.memory_space<vmem>>
          %dma_wait3A_178 = arith.constant 0 : i32
          %dma_wait3A_179 = arith.constant 0 : i32
          %dma_wait3A_180 = tpu.memref_slice %arg19[%dma_wait3A_178, %dma_wait3A_179] : memref<10000x32xf32, #tpu.memory_space<vmem_shared>> -> memref<10000x32xf32, #tpu.memory_space<vmem_shared>>
          tpu.wait_indirect_dma semaphore(%run_scoped3A : memref<!tpu.dma_semaphore, #tpu.memory_space<semaphore_mem>>) src(%arg16 : memref<80x32xf32, #tpu.memory_space<vmem>>) dst(%dma_wait3A_180 : memref<10000x32xf32, #tpu.memory_space<vmem_shared>>)
          tpu.yield
        }) : () -> ()
        %add3A_162 = arith.constant 10 : i32
        %add3A_163 = arith.addi %add3A_137, %add3A_162 : i32
        %lt3A_164 = arith.constant 125 : i32
        %lt3A_165 = arith.cmpi slt, %add3A_163, %lt3A_164 : i32
        %convert_element_type3A_166 = arith.extui %lt3A_165 : i1 to i32
        %cond3A_167 = arith.constant 0 : i32
        %cond3A_168 = arith.cmpi ne, %convert_element_type3A_166, %cond3A_167 : i32
        scf.if %cond3A_168 {
          %add3A_169 = arith.constant 10 : i32
          %add3A_170 = arith.addi %add3A_137, %add3A_169 : i32
          %dma_start3A_171 = arith.constant 0 : i32
          %dma_start3A_172 = tpu.memref_slice %arg7[%add3A_170, %dma_start3A_171] : memref<125x80xi32, #tpu.memory_space<vmem>> -> memref<1x80xi32, #tpu.memory_space<vmem>>
          %dma_start3A_173 = tpu.memref_squeeze %dma_start3A_172 : memref<1x80xi32, #tpu.memory_space<vmem>> -> memref<80xi32, #tpu.memory_space<vmem>>
          %dma_start3A_174 = arith.constant 0 : i32
          %dma_start3A_175 = arith.constant 0 : i32
          %dma_start3A_176 = tpu.memref_slice %arg2[%dma_start3A_174, %dma_start3A_175] : memref<10000x32xf32, #tpu.memory_space<hbm>> -> memref<10000x32xf32, #tpu.memory_space<hbm>>
          tpu.enqueue_indirect_dma source(%dma_start3A_176 : memref<10000x32xf32, #tpu.memory_space<hbm>>) target(%arg16 : memref<80x32xf32, #tpu.memory_space<vmem>>) offsets(%dma_start3A_173 : memref<80xi32, #tpu.memory_space<vmem>>) semaphore(%arg27 : memref<!tpu.dma_semaphore, #tpu.memory_space<semaphore_mem>>)
        } else {
        }
      } else {
      }
      %add3A_143 = arith.constant 8 : i32
      %add3A_144 = arith.addi %mul3A_87, %add3A_143 : i32
      %lt3A_145 = arith.constant 125 : i32
      %lt3A_146 = arith.cmpi slt, %add3A_144, %lt3A_145 : i32
      %convert_element_type3A_147 = arith.extui %lt3A_146 : i1 to i32
      %cond3A_148 = arith.constant 0 : i32
      %cond3A_149 = arith.cmpi ne, %convert_element_type3A_147, %cond3A_148 : i32
      scf.if %cond3A_149 {
        %dma_wait3A = arith.constant 0 : i32
        %dma_wait3A_157 = arith.constant 0 : i32
        %dma_wait3A_158 = tpu.memref_slice %arg2[%dma_wait3A, %dma_wait3A_157] : memref<10000x32xf32, #tpu.memory_space<hbm>> -> memref<80x32xf32, #tpu.memory_space<hbm>>
        %dma_wait3A_159 = arith.constant 0 : i32
        %dma_wait3A_160 = arith.constant 0 : i32
        %dma_wait3A_161 = tpu.memref_slice %arg2[%dma_wait3A_159, %dma_wait3A_160] : memref<10000x32xf32, #tpu.memory_space<hbm>> -> memref<80x32xf32, #tpu.memory_space<hbm>>
        tpu.wait_dma2 semaphore(%arg28 : memref<!tpu.dma_semaphore, #tpu.memory_space<semaphore_mem>>) src(%dma_wait3A_161 : memref<80x32xf32, #tpu.memory_space<hbm>>) dst(%arg17 : memref<80x32xf32, #tpu.memory_space<vmem>>)
        "tpu.region"() ({
          %run_scoped3A = tpu.sem_alloc : memref<!tpu.dma_semaphore, #tpu.memory_space<semaphore_mem>>
          %dma_start3A_169 = arith.constant 0 : i32
          %dma_start3A_170 = tpu.memref_slice %arg8[%add3A_144, %dma_start3A_169] : memref<125x80xi32, #tpu.memory_space<vmem>> -> memref<1x80xi32, #tpu.memory_space<vmem>>
          %dma_start3A_171 = tpu.memref_squeeze %dma_start3A_170 : memref<1x80xi32, #tpu.memory_space<vmem>> -> memref<80xi32, #tpu.memory_space<vmem>>
          %dma_start3A_172 = arith.constant 0 : i32
          %dma_start3A_173 = arith.constant 0 : i32
          %dma_start3A_174 = tpu.memref_slice %arg19[%dma_start3A_172, %dma_start3A_173] : memref<10000x32xf32, #tpu.memory_space<vmem_shared>> -> memref<10000x32xf32, #tpu.memory_space<vmem_shared>>
          tpu.enqueue_indirect_dma source(%arg17 : memref<80x32xf32, #tpu.memory_space<vmem>>) target(%dma_start3A_174 : memref<10000x32xf32, #tpu.memory_space<vmem_shared>>) offsets(%dma_start3A_171 : memref<80xi32, #tpu.memory_space<vmem>>) semaphore(%run_scoped3A : memref<!tpu.dma_semaphore, #tpu.memory_space<semaphore_mem>>) {add = true}
          %dma_wait3A_175 = arith.constant 0 : i32
          %dma_wait3A_176 = tpu.memref_slice %arg8[%add3A_144, %dma_wait3A_175] : memref<125x80xi32, #tpu.memory_space<vmem>> -> memref<1x80xi32, #tpu.memory_space<vmem>>
          %dma_wait3A_177 = tpu.memref_squeeze %dma_wait3A_176 : memref<1x80xi32, #tpu.memory_space<vmem>> -> memref<80xi32, #tpu.memory_space<vmem>>
          %dma_wait3A_178 = arith.constant 0 : i32
          %dma_wait3A_179 = arith.constant 0 : i32
          %dma_wait3A_180 = tpu.memref_slice %arg19[%dma_wait3A_178, %dma_wait3A_179] : memref<10000x32xf32, #tpu.memory_space<vmem_shared>> -> memref<10000x32xf32, #tpu.memory_space<vmem_shared>>
          tpu.wait_indirect_dma semaphore(%run_scoped3A : memref<!tpu.dma_semaphore, #tpu.memory_space<semaphore_mem>>) src(%arg17 : memref<80x32xf32, #tpu.memory_space<vmem>>) dst(%dma_wait3A_180 : memref<10000x32xf32, #tpu.memory_space<vmem_shared>>)
          tpu.yield
        }) : () -> ()
        %add3A_162 = arith.constant 10 : i32
        %add3A_163 = arith.addi %add3A_144, %add3A_162 : i32
        %lt3A_164 = arith.constant 125 : i32
        %lt3A_165 = arith.cmpi slt, %add3A_163, %lt3A_164 : i32
        %convert_element_type3A_166 = arith.extui %lt3A_165 : i1 to i32
        %cond3A_167 = arith.constant 0 : i32
        %cond3A_168 = arith.cmpi ne, %convert_element_type3A_166, %cond3A_167 : i32
        scf.if %cond3A_168 {
          %add3A_169 = arith.constant 10 : i32
          %add3A_170 = arith.addi %add3A_144, %add3A_169 : i32
          %dma_start3A_171 = arith.constant 0 : i32
          %dma_start3A_172 = tpu.memref_slice %arg7[%add3A_170, %dma_start3A_171] : memref<125x80xi32, #tpu.memory_space<vmem>> -> memref<1x80xi32, #tpu.memory_space<vmem>>
          %dma_start3A_173 = tpu.memref_squeeze %dma_start3A_172 : memref<1x80xi32, #tpu.memory_space<vmem>> -> memref<80xi32, #tpu.memory_space<vmem>>
          %dma_start3A_174 = arith.constant 0 : i32
          %dma_start3A_175 = arith.constant 0 : i32
          %dma_start3A_176 = tpu.memref_slice %arg2[%dma_start3A_174, %dma_start3A_175] : memref<10000x32xf32, #tpu.memory_space<hbm>> -> memref<10000x32xf32, #tpu.memory_space<hbm>>
          tpu.enqueue_indirect_dma source(%dma_start3A_176 : memref<10000x32xf32, #tpu.memory_space<hbm>>) target(%arg17 : memref<80x32xf32, #tpu.memory_space<vmem>>) offsets(%dma_start3A_173 : memref<80xi32, #tpu.memory_space<vmem>>) semaphore(%arg28 : memref<!tpu.dma_semaphore, #tpu.memory_space<semaphore_mem>>)
        } else {
        }
      } else {
      }
      %add3A_150 = arith.constant 9 : i32
      %add3A_151 = arith.addi %mul3A_87, %add3A_150 : i32
      %lt3A_152 = arith.constant 125 : i32
      %lt3A_153 = arith.cmpi slt, %add3A_151, %lt3A_152 : i32
      %convert_element_type3A_154 = arith.extui %lt3A_153 : i1 to i32
      %cond3A_155 = arith.constant 0 : i32
      %cond3A_156 = arith.cmpi ne, %convert_element_type3A_154, %cond3A_155 : i32
      scf.if %cond3A_156 {
        %dma_wait3A = arith.constant 0 : i32
        %dma_wait3A_157 = arith.constant 0 : i32
        %dma_wait3A_158 = tpu.memref_slice %arg2[%dma_wait3A, %dma_wait3A_157] : memref<10000x32xf32, #tpu.memory_space<hbm>> -> memref<80x32xf32, #tpu.memory_space<hbm>>
        %dma_wait3A_159 = arith.constant 0 : i32
        %dma_wait3A_160 = arith.constant 0 : i32
        %dma_wait3A_161 = tpu.memref_slice %arg2[%dma_wait3A_159, %dma_wait3A_160] : memref<10000x32xf32, #tpu.memory_space<hbm>> -> memref<80x32xf32, #tpu.memory_space<hbm>>
        tpu.wait_dma2 semaphore(%arg29 : memref<!tpu.dma_semaphore, #tpu.memory_space<semaphore_mem>>) src(%dma_wait3A_161 : memref<80x32xf32, #tpu.memory_space<hbm>>) dst(%arg18 : memref<80x32xf32, #tpu.memory_space<vmem>>)
        "tpu.region"() ({
          %run_scoped3A = tpu.sem_alloc : memref<!tpu.dma_semaphore, #tpu.memory_space<semaphore_mem>>
          %dma_start3A_169 = arith.constant 0 : i32
          %dma_start3A_170 = tpu.memref_slice %arg8[%add3A_151, %dma_start3A_169] : memref<125x80xi32, #tpu.memory_space<vmem>> -> memref<1x80xi32, #tpu.memory_space<vmem>>
          %dma_start3A_171 = tpu.memref_squeeze %dma_start3A_170 : memref<1x80xi32, #tpu.memory_space<vmem>> -> memref<80xi32, #tpu.memory_space<vmem>>
          %dma_start3A_172 = arith.constant 0 : i32
          %dma_start3A_173 = arith.constant 0 : i32
          %dma_start3A_174 = tpu.memref_slice %arg19[%dma_start3A_172, %dma_start3A_173] : memref<10000x32xf32, #tpu.memory_space<vmem_shared>> -> memref<10000x32xf32, #tpu.memory_space<vmem_shared>>
          tpu.enqueue_indirect_dma source(%arg18 : memref<80x32xf32, #tpu.memory_space<vmem>>) target(%dma_start3A_174 : memref<10000x32xf32, #tpu.memory_space<vmem_shared>>) offsets(%dma_start3A_171 : memref<80xi32, #tpu.memory_space<vmem>>) semaphore(%run_scoped3A : memref<!tpu.dma_semaphore, #tpu.memory_space<semaphore_mem>>) {add = true}
          %dma_wait3A_175 = arith.constant 0 : i32
          %dma_wait3A_176 = tpu.memref_slice %arg8[%add3A_151, %dma_wait3A_175] : memref<125x80xi32, #tpu.memory_space<vmem>> -> memref<1x80xi32, #tpu.memory_space<vmem>>
          %dma_wait3A_177 = tpu.memref_squeeze %dma_wait3A_176 : memref<1x80xi32, #tpu.memory_space<vmem>> -> memref<80xi32, #tpu.memory_space<vmem>>
          %dma_wait3A_178 = arith.constant 0 : i32
          %dma_wait3A_179 = arith.constant 0 : i32
          %dma_wait3A_180 = tpu.memref_slice %arg19[%dma_wait3A_178, %dma_wait3A_179] : memref<10000x32xf32, #tpu.memory_space<vmem_shared>> -> memref<10000x32xf32, #tpu.memory_space<vmem_shared>>
          tpu.wait_indirect_dma semaphore(%run_scoped3A : memref<!tpu.dma_semaphore, #tpu.memory_space<semaphore_mem>>) src(%arg18 : memref<80x32xf32, #tpu.memory_space<vmem>>) dst(%dma_wait3A_180 : memref<10000x32xf32, #tpu.memory_space<vmem_shared>>)
          tpu.yield
        }) : () -> ()
        %add3A_162 = arith.constant 10 : i32
        %add3A_163 = arith.addi %add3A_151, %add3A_162 : i32
        %lt3A_164 = arith.constant 125 : i32
        %lt3A_165 = arith.cmpi slt, %add3A_163, %lt3A_164 : i32
        %convert_element_type3A_166 = arith.extui %lt3A_165 : i1 to i32
        %cond3A_167 = arith.constant 0 : i32
        %cond3A_168 = arith.cmpi ne, %convert_element_type3A_166, %cond3A_167 : i32
        scf.if %cond3A_168 {
          %add3A_169 = arith.constant 10 : i32
          %add3A_170 = arith.addi %add3A_151, %add3A_169 : i32
          %dma_start3A_171 = arith.constant 0 : i32
          %dma_start3A_172 = tpu.memref_slice %arg7[%add3A_170, %dma_start3A_171] : memref<125x80xi32, #tpu.memory_space<vmem>> -> memref<1x80xi32, #tpu.memory_space<vmem>>
          %dma_start3A_173 = tpu.memref_squeeze %dma_start3A_172 : memref<1x80xi32, #tpu.memory_space<vmem>> -> memref<80xi32, #tpu.memory_space<vmem>>
          %dma_start3A_174 = arith.constant 0 : i32
          %dma_start3A_175 = arith.constant 0 : i32
          %dma_start3A_176 = tpu.memref_slice %arg2[%dma_start3A_174, %dma_start3A_175] : memref<10000x32xf32, #tpu.memory_space<hbm>> -> memref<10000x32xf32, #tpu.memory_space<hbm>>
          tpu.enqueue_indirect_dma source(%dma_start3A_176 : memref<10000x32xf32, #tpu.memory_space<hbm>>) target(%arg18 : memref<80x32xf32, #tpu.memory_space<vmem>>) offsets(%dma_start3A_173 : memref<80xi32, #tpu.memory_space<vmem>>) semaphore(%arg29 : memref<!tpu.dma_semaphore, #tpu.memory_space<semaphore_mem>>)
        } else {
        }
      } else {
      }
    }
    %scan3A_78 = arith.constant 13 : i32
    %barrier3A_79 = arith.constant 0 : index
    tpu.barrier barrier_id(%barrier3A_79)
    "tpu.region"() ({
      %run_scoped3A = tpu.sem_alloc : memref<!tpu.dma_semaphore, #tpu.memory_space<semaphore_mem>>
      %dma_start3A_85 = arith.constant 0 : i32
      %dma_start3A_86 = tpu.memref_slice %arg6[%arg0, %multiple_of3A, %dma_start3A_85] : memref<2x10000x32xf32, #tpu.memory_space<hbm>> -> memref<1x624x32xf32, #tpu.memory_space<hbm>>
      %dma_start3A_87 = tpu.memref_squeeze %dma_start3A_86 : memref<1x624x32xf32, #tpu.memory_space<hbm>> -> memref<624x32xf32, #tpu.memory_space<hbm>>
      %dma_start3A_88 = arith.constant 0 : i32
      %dma_start3A_89 = tpu.memref_slice %arg19[%multiple_of3A, %dma_start3A_88] : memref<10000x32xf32, #tpu.memory_space<vmem_shared>> -> memref<624x32xf32, #tpu.memory_space<vmem_shared>>
      tpu.enqueue_dma source(%dma_start3A_89 : memref<624x32xf32, #tpu.memory_space<vmem_shared>>) target(%dma_start3A_87 : memref<624x32xf32, #tpu.memory_space<hbm>>) target_semaphore(%run_scoped3A : memref<!tpu.dma_semaphore, #tpu.memory_space<semaphore_mem>>)
      %dma_wait3A = arith.constant 0 : i32
      %dma_wait3A_90 = tpu.memref_slice %arg6[%arg0, %multiple_of3A, %dma_wait3A] : memref<2x10000x32xf32, #tpu.memory_space<hbm>> -> memref<1x624x32xf32, #tpu.memory_space<hbm>>
      %dma_wait3A_91 = tpu.memref_squeeze %dma_wait3A_90 : memref<1x624x32xf32, #tpu.memory_space<hbm>> -> memref<624x32xf32, #tpu.memory_space<hbm>>
      %dma_wait3A_92 = arith.constant 0 : i32
      %dma_wait3A_93 = tpu.memref_slice %arg19[%multiple_of3A, %dma_wait3A_92] : memref<10000x32xf32, #tpu.memory_space<vmem_shared>> -> memref<624x32xf32, #tpu.memory_space<vmem_shared>>
      tpu.wait_dma2 semaphore(%run_scoped3A : memref<!tpu.dma_semaphore, #tpu.memory_space<semaphore_mem>>) src(%dma_wait3A_93 : memref<624x32xf32, #tpu.memory_space<vmem_shared>>) dst(%dma_wait3A_91 : memref<624x32xf32, #tpu.memory_space<hbm>>)
      tpu.yield
    }) : () -> ()
    %eq3A_80 = arith.constant 15 : i32
    %eq3A_81 = arith.cmpi eq, %arg1, %eq3A_80 : i32
    %convert_element_type3A_82 = arith.extui %eq3A_81 : i1 to i32
    %cond3A_83 = arith.constant 0 : i32
    %cond3A_84 = arith.cmpi ne, %convert_element_type3A_82, %cond3A_83 : i32
    scf.if %cond3A_84 {
      "tpu.region"() ({
        %run_scoped3A = tpu.sem_alloc : memref<!tpu.dma_semaphore, #tpu.memory_space<semaphore_mem>>
        %dma_start3A_85 = arith.constant 9984 : i32
        %dma_start3A_86 = arith.constant 0 : i32
        %dma_start3A_87 = tpu.memref_slice %arg6[%arg0, %dma_start3A_85, %dma_start3A_86] : memref<2x10000x32xf32, #tpu.memory_space<hbm>> -> memref<1x16x32xf32, #tpu.memory_space<hbm>>
        %dma_start3A_88 = tpu.memref_squeeze %dma_start3A_87 : memref<1x16x32xf32, #tpu.memory_space<hbm>> -> memref<16x32xf32, #tpu.memory_space<hbm>>
        %dma_start3A_89 = arith.constant 9984 : i32
        %dma_start3A_90 = arith.constant 0 : i32
        %dma_start3A_91 = tpu.memref_slice %arg19[%dma_start3A_89, %dma_start3A_90] : memref<10000x32xf32, #tpu.memory_space<vmem_shared>> -> memref<16x32xf32, #tpu.memory_space<vmem_shared>>
        tpu.enqueue_dma source(%dma_start3A_91 : memref<16x32xf32, #tpu.memory_space<vmem_shared>>) target(%dma_start3A_88 : memref<16x32xf32, #tpu.memory_space<hbm>>) target_semaphore(%run_scoped3A : memref<!tpu.dma_semaphore, #tpu.memory_space<semaphore_mem>>)
        %dma_wait3A = arith.constant 9984 : i32
        %dma_wait3A_92 = arith.constant 0 : i32
        %dma_wait3A_93 = tpu.memref_slice %arg6[%arg0, %dma_wait3A, %dma_wait3A_92] : memref<2x10000x32xf32, #tpu.memory_space<hbm>> -> memref<1x16x32xf32, #tpu.memory_space<hbm>>
        %dma_wait3A_94 = tpu.memref_squeeze %dma_wait3A_93 : memref<1x16x32xf32, #tpu.memory_space<hbm>> -> memref<16x32xf32, #tpu.memory_space<hbm>>
        %dma_wait3A_95 = arith.constant 9984 : i32
        %dma_wait3A_96 = arith.constant 0 : i32
        %dma_wait3A_97 = tpu.memref_slice %arg19[%dma_wait3A_95, %dma_wait3A_96] : memref<10000x32xf32, #tpu.memory_space<vmem_shared>> -> memref<16x32xf32, #tpu.memory_space<vmem_shared>>
        tpu.wait_dma2 semaphore(%run_scoped3A : memref<!tpu.dma_semaphore, #tpu.memory_space<semaphore_mem>>) src(%dma_wait3A_97 : memref<16x32xf32, #tpu.memory_space<vmem_shared>>) dst(%dma_wait3A_94 : memref<16x32xf32, #tpu.memory_space<hbm>>)
        tpu.yield
      }) : () -> ()
    } else {
    }
    return
  }
}

module attributes {stable_mosaic.version = 14 : i64} {
  func.func @body(%arg0: i32, %arg1: memref<2000x128xf32, #tpu.memory_space<vmem>>, %arg2: memref<128x64xf32, #tpu.memory_space<vmem>>, %arg3: memref<2000x64xf32, #tpu.memory_space<vmem>>) attributes {dimension_semantics = [#tpu.dimension_semantics<arbitrary>], iteration_bounds = array<i64: 5>, scalar_prefetch = 0 : i64, scratch_operands = 0 : i64, tpu.core_type = #tpu.core_type<tc>, window_params = [{transform_indices = @transform_0, window_bounds = array<i64: 2000, 128>}, {pipeline_mode = #tpu.pipeline_mode<synchronous>, transform_indices = @transform_1, window_bounds = array<i64: 128, 64>}, {transform_indices = @transform_2, window_bounds = array<i64: 2000, 64>}]} {
    %get3A = arith.constant 0 : index
    %get3A_0 = arith.constant 0 : index
    %get3A_1 = vector.load %arg1[%get3A, %get3A_0] : memref<2000x128xf32, #tpu.memory_space<vmem>>, vector<2000x128xf32>
    %get3A_2 = arith.constant 0 : index
    %get3A_3 = arith.constant 0 : index
    %get3A_4 = vector.load %arg2[%get3A_2, %get3A_3] : memref<128x64xf32, #tpu.memory_space<vmem>>, vector<128x64xf32>
    %dot_general3A = arith.constant dense<0.000000e+00> : vector<2000x64xf32>
    %dot_general3A_5 = tpu.matmul %get3A_1, %get3A_4, %dot_general3A {dimension_numbers = #tpu.dot_dimension_numbers<[1], [0], [0], [1], [0, 0, 1, 1], [], []>, transpose_lhs_hint = false} : vector<2000x128xf32>, vector<128x64xf32>, vector<2000x64xf32> -> vector<2000x64xf32>
    %swap3A = arith.constant 0 : index
    %swap3A_6 = arith.constant 0 : index
    %swap3A_7 = vector.load %arg3[%swap3A, %swap3A_6] : memref<2000x64xf32, #tpu.memory_space<vmem>>, vector<2000x64xf32>
    tpu.vector_store %arg3[%swap3A, %swap3A_6], %dot_general3A_5 {strides = array<i32>} : memref<2000x64xf32, #tpu.memory_space<vmem>>, vector<2000x64xf32>,
    return
  }
  func.func @transform_0(%arg0: i32) -> (i32, i32) {
    %c0_i32 = arith.constant 0 : i32
    %c0_i32_0 = arith.constant 0 : i32
    return %arg0, %c0_i32 : i32, i32
  }
  func.func @transform_1(%arg0: i32) -> (i32, i32) {
    %c0_i32 = arith.constant 0 : i32
    %c0_i32_0 = arith.constant 0 : i32
    %c0_i32_1 = arith.constant 0 : i32
    return %c0_i32, %c0_i32_0 : i32, i32
  }
  func.func @transform_2(%arg0: i32) -> (i32, i32) {
    %c0_i32 = arith.constant 0 : i32
    %c0_i32_0 = arith.constant 0 : i32
    return %arg0, %c0_i32 : i32, i32
  }
}

module attributes {stable_mosaic.version = 14 : i64} {
  func.func @body(%arg0: i32, %arg1: memref<2000x128xf32, #tpu.memory_space<vmem>>, %arg2: memref<128x64xf32, #tpu.memory_space<vmem>>, %arg3: memref<1x64xf32, #tpu.memory_space<vmem>>, %arg4: memref<2000x64xf32, #tpu.memory_space<vmem>>) attributes {dimension_semantics = [#tpu.dimension_semantics<arbitrary>], iteration_bounds = array<i64: 5>, scalar_prefetch = 0 : i64, scratch_operands = 0 : i64, tpu.core_type = #tpu.core_type<tc>, window_params = [{transform_indices = @transform_0, window_bounds = array<i64: 2000, 128>}, {pipeline_mode = #tpu.pipeline_mode<synchronous>, transform_indices = @transform_1, window_bounds = array<i64: 128, 64>}, {pipeline_mode = #tpu.pipeline_mode<synchronous>, transform_indices = @transform_2, window_bounds = array<i64: 1, 64>}, {transform_indices = @transform_3, window_bounds = array<i64: 2000, 64>}]} {
    %get3A = arith.constant 0 : index
    %get3A_0 = arith.constant 0 : index
    %get3A_1 = vector.load %arg1[%get3A, %get3A_0] : memref<2000x128xf32, #tpu.memory_space<vmem>>, vector<2000x128xf32>
    %get3A_2 = arith.constant 0 : index
    %get3A_3 = arith.constant 0 : index
    %get3A_4 = vector.load %arg2[%get3A_2, %get3A_3] : memref<128x64xf32, #tpu.memory_space<vmem>>, vector<128x64xf32>
    %dot_general3A = arith.constant dense<0.000000e+00> : vector<2000x64xf32>
    %dot_general3A_5 = tpu.matmul %get3A_1, %get3A_4, %dot_general3A {dimension_numbers = #tpu.dot_dimension_numbers<[1], [0], [0], [1], [0, 0, 1, 1], [], []>, transpose_lhs_hint = false} : vector<2000x128xf32>, vector<128x64xf32>, vector<2000x64xf32> -> vector<2000x64xf32>
    %get3A_6 = arith.constant 0 : index
    %get3A_7 = arith.constant 0 : index
    %get3A_8 = vector.load %arg3[%get3A_6, %get3A_7] : memref<1x64xf32, #tpu.memory_space<vmem>>, vector<1x64xf32>
    %add3A = vector.broadcast %get3A_8 : vector<1x64xf32> to vector<2000x64xf32>
    %add3A_9 = arith.addf %dot_general3A_5, %add3A : vector<2000x64xf32>
    %swap3A = arith.constant 0 : index
    %swap3A_10 = arith.constant 0 : index
    %swap3A_11 = vector.load %arg4[%swap3A, %swap3A_10] : memref<2000x64xf32, #tpu.memory_space<vmem>>, vector<2000x64xf32>
    tpu.vector_store %arg4[%swap3A, %swap3A_10], %add3A_9 {strides = array<i32>} : memref<2000x64xf32, #tpu.memory_space<vmem>>, vector<2000x64xf32>,
    return
  }
  func.func @transform_0(%arg0: i32) -> (i32, i32) {
    %c0_i32 = arith.constant 0 : i32
    %c0_i32_0 = arith.constant 0 : i32
    return %arg0, %c0_i32 : i32, i32
  }
  func.func @transform_1(%arg0: i32) -> (i32, i32) {
    %c0_i32 = arith.constant 0 : i32
    %c0_i32_0 = arith.constant 0 : i32
    %c0_i32_1 = arith.constant 0 : i32
    return %c0_i32, %c0_i32_0 : i32, i32
  }
  func.func @transform_2(%arg0: i32) -> (i32, i32) {
    %c0_i32 = arith.constant 0 : i32
    %c0_i32_0 = arith.constant 0 : i32
    %c0_i32_1 = arith.constant 0 : i32
    return %c0_i32, %c0_i32_0 : i32, i32
  }
  func.func @transform_3(%arg0: i32) -> (i32, i32) {
    %c0_i32 = arith.constant 0 : i32
    %c0_i32_0 = arith.constant 0 : i32
    return %arg0, %c0_i32 : i32, i32
  }
}

module attributes {stable_mosaic.version = 14 : i64} {
  func.func @body(%arg0: i32, %arg1: memref<2x2000x64xf32, #tpu.memory_space<vmem>>, %arg2: memref<2x2000x16xf32, #tpu.memory_space<vmem>>, %arg3: memref<2000x64xf32, #tpu.memory_space<vmem>>, %arg4: memref<2000x64xf32, #tpu.memory_space<vmem>>, %arg5: memref<1x32xf32, #tpu.memory_space<vmem>>, %arg6: memref<1x32xf32, #tpu.memory_space<vmem>>, %arg7: memref<2000x32xf32, #tpu.memory_space<vmem>>) attributes {dimension_semantics = [#tpu.dimension_semantics<arbitrary>], iteration_bounds = array<i64: 5>, scalar_prefetch = 0 : i64, scratch_operands = 0 : i64, tpu.core_type = #tpu.core_type<tc>, window_params = [{transform_indices = @transform_0, window_bounds = array<i64: 2, 2000, 64>}, {transform_indices = @transform_1, window_bounds = array<i64: 2, 2000, 16>}, {transform_indices = @transform_2, window_bounds = array<i64: 2000, 64>}, {transform_indices = @transform_3, window_bounds = array<i64: 2000, 64>}, {pipeline_mode = #tpu.pipeline_mode<synchronous>, transform_indices = @transform_4, window_bounds = array<i64: 1, 32>}, {pipeline_mode = #tpu.pipeline_mode<synchronous>, transform_indices = @transform_5, window_bounds = array<i64: 1, 32>}, {transform_indices = @transform_6, window_bounds = array<i64: 2000, 32>}]} {
    %get3A = arith.constant 0 : index
    %get3A_0 = arith.constant 0 : index
    %get3A_1 = arith.constant 0 : index
    %get3A_2 = vector.load %arg1[%get3A, %get3A_0, %get3A_1] : memref<2x2000x64xf32, #tpu.memory_space<vmem>>, vector<2x2000x64xf32>
    %slice3A = vector.extract_strided_slice %get3A_2 {offsets = [0, 0, 0], sizes = [1, 2000, 64], strides = [1, 1, 1]} : vector<2x2000x64xf32> to vector<1x2000x64xf32>
    %squeeze3A = vector.shape_cast %slice3A : vector<1x2000x64xf32> to vector<2000x64xf32>
    %slice3A_3 = vector.extract_strided_slice %get3A_2 {offsets = [1, 0, 0], sizes = [1, 2000, 64], strides = [1, 1, 1]} : vector<2x2000x64xf32> to vector<1x2000x64xf32>
    %squeeze3A_4 = vector.shape_cast %slice3A_3 : vector<1x2000x64xf32> to vector<2000x64xf32>
    %add3A = arith.addf %squeeze3A, %squeeze3A_4 : vector<2000x64xf32>
    %get3A_5 = arith.constant 0 : index
    %get3A_6 = arith.constant 0 : index
    %get3A_7 = vector.load %arg3[%get3A_5, %get3A_6] : memref<2000x64xf32, #tpu.memory_space<vmem>>, vector<2000x64xf32>
    %add3A_8 = arith.addf %add3A, %get3A_7 : vector<2000x64xf32>
    %get3A_9 = arith.constant 0 : index
    %get3A_10 = arith.constant 0 : index
    %get3A_11 = arith.constant 0 : index
    %get3A_12 = vector.load %arg2[%get3A_9, %get3A_10, %get3A_11] : memref<2x2000x16xf32, #tpu.memory_space<vmem>>, vector<2x2000x16xf32>
    %slice3A_13 = vector.extract_strided_slice %get3A_12 {offsets = [0, 0, 0], sizes = [1, 2000, 1], strides = [1, 1, 1]} : vector<2x2000x16xf32> to vector<1x2000x1xf32>
    %squeeze3A_14 = vector.shape_cast %slice3A_13 : vector<1x2000x1xf32> to vector<2000x1xf32>
    %slice3A_15 = vector.extract_strided_slice %get3A_12 {offsets = [1, 0, 0], sizes = [1, 2000, 1], strides = [1, 1, 1]} : vector<2x2000x16xf32> to vector<1x2000x1xf32>
    %squeeze3A_16 = vector.shape_cast %slice3A_15 : vector<1x2000x1xf32> to vector<2000x1xf32>
    %add3A_17 = arith.addf %squeeze3A_14, %squeeze3A_16 : vector<2000x1xf32>
    %add3A_18 = arith.constant 1.000000e+00 : f32
    %add3A_19 = vector.broadcast %add3A_18 : f32 to vector<2000x1xf32>
    %add3A_20 = arith.addf %add3A_17, %add3A_19 : vector<2000x1xf32>
    %div3A = vector.broadcast %add3A_20 : vector<2000x1xf32> to vector<2000x64xf32>
    %div3A_21 = arith.divf %add3A_8, %div3A : vector<2000x64xf32>
    %slice3A_22 = vector.extract_strided_slice %div3A_21 {offsets = [0, 0], sizes = [2000, 32], strides = [1, 1]} : vector<2000x64xf32> to vector<2000x32xf32>
    %get3A_23 = arith.constant 0 : index
    %get3A_24 = arith.constant 0 : index
    %get3A_25 = vector.load %arg5[%get3A_23, %get3A_24] : memref<1x32xf32, #tpu.memory_space<vmem>>, vector<1x32xf32>
    %add3A_26 = vector.broadcast %get3A_25 : vector<1x32xf32> to vector<2000x32xf32>
    %add3A_27 = arith.addf %slice3A_22, %add3A_26 : vector<2000x32xf32>
    %slice3A_28 = vector.extract_strided_slice %div3A_21 {offsets = [0, 32], sizes = [2000, 32], strides = [1, 1]} : vector<2000x64xf32> to vector<2000x32xf32>
    %get3A_29 = arith.constant 0 : index
    %get3A_30 = arith.constant 0 : index
    %get3A_31 = vector.load %arg6[%get3A_29, %get3A_30] : memref<1x32xf32, #tpu.memory_space<vmem>>, vector<1x32xf32>
    %add3A_32 = vector.broadcast %get3A_31 : vector<1x32xf32> to vector<2000x32xf32>
    %add3A_33 = arith.addf %slice3A_28, %add3A_32 : vector<2000x32xf32>
    %get3A_34 = arith.constant 0 : index
    %get3A_35 = arith.constant 0 : index
    %get3A_36 = vector.load %arg4[%get3A_34, %get3A_35] : memref<2000x64xf32, #tpu.memory_space<vmem>>, vector<2000x64xf32>
    %slice3A_37 = vector.extract_strided_slice %get3A_36 {offsets = [0, 32], sizes = [2000, 1], strides = [1, 1]} : vector<2000x64xf32> to vector<2000x1xf32>
    %logistic3A = arith.negf %slice3A_37 : vector<2000x1xf32>
    %logistic3A_38 = math.exp %logistic3A : vector<2000x1xf32>
    %logistic3A_39 = arith.constant 1.000000e+00 : f32
    %logistic3A_40 = vector.broadcast %logistic3A_39 : f32 to vector<2000x1xf32>
    %logistic3A_41 = arith.addf %logistic3A_40, %logistic3A_38 : vector<2000x1xf32>
    %logistic3A_42 = arith.divf %logistic3A_40, %logistic3A_41 : vector<2000x1xf32>
    %mul3A = vector.broadcast %logistic3A_42 : vector<2000x1xf32> to vector<2000x32xf32>
    %mul3A_43 = arith.mulf %add3A_27, %mul3A : vector<2000x32xf32>
    %sub3A = arith.constant 1.000000e+00 : f32
    %sub3A_44 = vector.broadcast %sub3A : f32 to vector<2000x1xf32>
    %sub3A_45 = arith.subf %sub3A_44, %logistic3A_42 : vector<2000x1xf32>
    %mul3A_46 = vector.broadcast %sub3A_45 : vector<2000x1xf32> to vector<2000x32xf32>
    %mul3A_47 = arith.mulf %add3A_33, %mul3A_46 : vector<2000x32xf32>
    %add3A_48 = arith.addf %mul3A_43, %mul3A_47 : vector<2000x32xf32>
    %max3A = arith.constant 0.000000e+00 : f32
    %max3A_49 = vector.broadcast %max3A : f32 to vector<2000x32xf32>
    %max3A_50 = arith.maximumf %add3A_48, %max3A_49 : vector<2000x32xf32>
    %slice3A_51 = vector.extract_strided_slice %get3A_36 {offsets = [0, 0], sizes = [2000, 32], strides = [1, 1]} : vector<2000x64xf32> to vector<2000x32xf32>
    %add3A_52 = arith.addf %slice3A_51, %max3A_50 : vector<2000x32xf32>
    %max3A_53 = arith.constant 0.000000e+00 : f32
    %max3A_54 = vector.broadcast %max3A_53 : f32 to vector<2000x32xf32>
    %max3A_55 = arith.maximumf %add3A_52, %max3A_54 : vector<2000x32xf32>
    %swap3A = arith.constant 0 : index
    %swap3A_56 = arith.constant 0 : index
    %swap3A_57 = vector.load %arg7[%swap3A, %swap3A_56] : memref<2000x32xf32, #tpu.memory_space<vmem>>, vector<2000x32xf32>
    tpu.vector_store %arg7[%swap3A, %swap3A_56], %max3A_55 {strides = array<i32>} : memref<2000x32xf32, #tpu.memory_space<vmem>>, vector<2000x32xf32>,
    return
  }
  func.func @transform_0(%arg0: i32) -> (i32, i32, i32) {
    %c0_i32 = arith.constant 0 : i32
    %c0_i32_0 = arith.constant 0 : i32
    %c0_i32_1 = arith.constant 0 : i32
    return %c0_i32, %arg0, %c0_i32_0 : i32, i32, i32
  }
  func.func @transform_1(%arg0: i32) -> (i32, i32, i32) {
    %c0_i32 = arith.constant 0 : i32
    %c0_i32_0 = arith.constant 0 : i32
    %c0_i32_1 = arith.constant 0 : i32
    return %c0_i32, %arg0, %c0_i32_0 : i32, i32, i32
  }
  func.func @transform_2(%arg0: i32) -> (i32, i32) {
    %c0_i32 = arith.constant 0 : i32
    %c0_i32_0 = arith.constant 0 : i32
    return %arg0, %c0_i32 : i32, i32
  }
  func.func @transform_3(%arg0: i32) -> (i32, i32) {
    %c0_i32 = arith.constant 0 : i32
    %c0_i32_0 = arith.constant 0 : i32
    return %arg0, %c0_i32 : i32, i32
  }
  func.func @transform_4(%arg0: i32) -> (i32, i32) {
    %c0_i32 = arith.constant 0 : i32
    %c0_i32_0 = arith.constant 0 : i32
    %c0_i32_1 = arith.constant 0 : i32
    return %c0_i32, %c0_i32_0 : i32, i32
  }
  func.func @transform_5(%arg0: i32) -> (i32, i32) {
    %c0_i32 = arith.constant 0 : i32
    %c0_i32_0 = arith.constant 0 : i32
    %c0_i32_1 = arith.constant 0 : i32
    return %c0_i32, %c0_i32_0 : i32, i32
  }
  func.func @transform_6(%arg0: i32) -> (i32, i32) {
    %c0_i32 = arith.constant 0 : i32
    %c0_i32_0 = arith.constant 0 : i32
    return %arg0, %c0_i32 : i32, i32
  }
}

module attributes {stable_mosaic.version = 14 : i64} {
  func.func @body(%arg0: i32, %arg1: memref<2x2000x32xf32, #tpu.memory_space<vmem>>, %arg2: memref<2x2000x16xf32, #tpu.memory_space<vmem>>, %arg3: memref<2000x32xf32, #tpu.memory_space<vmem>>, %arg4: memref<32x128xf32, #tpu.memory_space<vmem>>, %arg5: memref<1x128xf32, #tpu.memory_space<vmem>>, %arg6: memref<32x128xf32, #tpu.memory_space<vmem>>, %arg7: memref<1x128xf32, #tpu.memory_space<vmem>>, %arg8: memref<2000x64xf32, #tpu.memory_space<vmem>>) attributes {dimension_semantics = [#tpu.dimension_semantics<arbitrary>], iteration_bounds = array<i64: 5>, scalar_prefetch = 0 : i64, scratch_operands = 0 : i64, tpu.core_type = #tpu.core_type<tc>, window_params = [{transform_indices = @transform_0, window_bounds = array<i64: 2, 2000, 32>}, {transform_indices = @transform_1, window_bounds = array<i64: 2, 2000, 16>}, {transform_indices = @transform_2, window_bounds = array<i64: 2000, 32>}, {pipeline_mode = #tpu.pipeline_mode<synchronous>, transform_indices = @transform_3, window_bounds = array<i64: 32, 128>}, {pipeline_mode = #tpu.pipeline_mode<synchronous>, transform_indices = @transform_4, window_bounds = array<i64: 1, 128>}, {pipeline_mode = #tpu.pipeline_mode<synchronous>, transform_indices = @transform_5, window_bounds = array<i64: 32, 128>}, {pipeline_mode = #tpu.pipeline_mode<synchronous>, transform_indices = @transform_6, window_bounds = array<i64: 1, 128>}, {transform_indices = @transform_7, window_bounds = array<i64: 2000, 64>}]} {
    %get3A = arith.constant 0 : index
    %get3A_0 = arith.constant 0 : index
    %get3A_1 = vector.load %arg3[%get3A, %get3A_0] : memref<2000x32xf32, #tpu.memory_space<vmem>>, vector<2000x32xf32>
    %get3A_2 = arith.constant 0 : index
    %get3A_3 = arith.constant 0 : index
    %get3A_4 = arith.constant 0 : index
    %get3A_5 = vector.load %arg2[%get3A_2, %get3A_3, %get3A_4] : memref<2x2000x16xf32, #tpu.memory_space<vmem>>, vector<2x2000x16xf32>
    %slice3A = vector.extract_strided_slice %get3A_5 {offsets = [0, 0, 0], sizes = [1, 2000, 1], strides = [1, 1, 1]} : vector<2x2000x16xf32> to vector<1x2000x1xf32>
    %squeeze3A = vector.shape_cast %slice3A : vector<1x2000x1xf32> to vector<2000x1xf32>
    %slice3A_6 = vector.extract_strided_slice %get3A_5 {offsets = [1, 0, 0], sizes = [1, 2000, 1], strides = [1, 1, 1]} : vector<2x2000x16xf32> to vector<1x2000x1xf32>
    %squeeze3A_7 = vector.shape_cast %slice3A_6 : vector<1x2000x1xf32> to vector<2000x1xf32>
    %add3A = arith.addf %squeeze3A, %squeeze3A_7 : vector<2000x1xf32>
    %add3A_8 = arith.constant 1.000000e+00 : f32
    %add3A_9 = vector.broadcast %add3A_8 : f32 to vector<2000x1xf32>
    %add3A_10 = arith.addf %add3A, %add3A_9 : vector<2000x1xf32>
    %get3A_11 = arith.constant 0 : index
    %get3A_12 = arith.constant 0 : index
    %get3A_13 = vector.load %arg4[%get3A_11, %get3A_12] : memref<32x128xf32, #tpu.memory_space<vmem>>, vector<32x128xf32>
    %dot_general3A = arith.constant dense<0.000000e+00> : vector<2000x128xf32>
    %dot_general3A_14 = tpu.matmul %get3A_1, %get3A_13, %dot_general3A {dimension_numbers = #tpu.dot_dimension_numbers<[1], [0], [0], [1], [0, 0, 1, 1], [], []>, transpose_lhs_hint = false} : vector<2000x32xf32>, vector<32x128xf32>, vector<2000x128xf32> -> vector<2000x128xf32>
    %get3A_15 = arith.constant 0 : index
    %get3A_16 = arith.constant 0 : index
    %get3A_17 = vector.load %arg5[%get3A_15, %get3A_16] : memref<1x128xf32, #tpu.memory_space<vmem>>, vector<1x128xf32>
    %add3A_18 = vector.broadcast %get3A_17 : vector<1x128xf32> to vector<2000x128xf32>
    %add3A_19 = arith.addf %dot_general3A_14, %add3A_18 : vector<2000x128xf32>
    %slice3A_20 = vector.extract_strided_slice %add3A_19 {offsets = [0, 64], sizes = [2000, 1], strides = [1, 1]} : vector<2000x128xf32> to vector<2000x1xf32>
    %logistic3A = arith.negf %slice3A_20 : vector<2000x1xf32>
    %logistic3A_21 = math.exp %logistic3A : vector<2000x1xf32>
    %logistic3A_22 = arith.constant 1.000000e+00 : f32
    %logistic3A_23 = vector.broadcast %logistic3A_22 : f32 to vector<2000x1xf32>
    %logistic3A_24 = arith.addf %logistic3A_23, %logistic3A_21 : vector<2000x1xf32>
    %logistic3A_25 = arith.divf %logistic3A_23, %logistic3A_24 : vector<2000x1xf32>
    %get3A_26 = arith.constant 0 : index
    %get3A_27 = arith.constant 0 : index
    %get3A_28 = arith.constant 0 : index
    %get3A_29 = vector.load %arg1[%get3A_26, %get3A_27, %get3A_28] : memref<2x2000x32xf32, #tpu.memory_space<vmem>>, vector<2x2000x32xf32>
    %slice3A_30 = vector.extract_strided_slice %get3A_29 {offsets = [0, 0, 0], sizes = [1, 2000, 32], strides = [1, 1, 1]} : vector<2x2000x32xf32> to vector<1x2000x32xf32>
    %squeeze3A_31 = vector.shape_cast %slice3A_30 : vector<1x2000x32xf32> to vector<2000x32xf32>
    %slice3A_32 = vector.extract_strided_slice %get3A_29 {offsets = [1, 0, 0], sizes = [1, 2000, 32], strides = [1, 1, 1]} : vector<2x2000x32xf32> to vector<1x2000x32xf32>
    %squeeze3A_33 = vector.shape_cast %slice3A_32 : vector<1x2000x32xf32> to vector<2000x32xf32>
    %add3A_34 = arith.addf %squeeze3A_31, %squeeze3A_33 : vector<2000x32xf32>
    %add3A_35 = arith.addf %add3A_34, %get3A_1 : vector<2000x32xf32>
    %div3A = vector.broadcast %add3A_10 : vector<2000x1xf32> to vector<2000x32xf32>
    %div3A_36 = arith.divf %add3A_35, %div3A : vector<2000x32xf32>
    %get3A_37 = arith.constant 0 : index
    %get3A_38 = arith.constant 0 : index
    %get3A_39 = vector.load %arg6[%get3A_37, %get3A_38] : memref<32x128xf32, #tpu.memory_space<vmem>>, vector<32x128xf32>
    %dot_general3A_40 = arith.constant dense<0.000000e+00> : vector<2000x128xf32>
    %dot_general3A_41 = tpu.matmul %div3A_36, %get3A_39, %dot_general3A_40 {dimension_numbers = #tpu.dot_dimension_numbers<[1], [0], [0], [1], [0, 0, 1, 1], [], []>, transpose_lhs_hint = false} : vector<2000x32xf32>, vector<32x128xf32>, vector<2000x128xf32> -> vector<2000x128xf32>
    %get3A_42 = arith.constant 0 : index
    %get3A_43 = arith.constant 0 : index
    %get3A_44 = vector.load %arg7[%get3A_42, %get3A_43] : memref<1x128xf32, #tpu.memory_space<vmem>>, vector<1x128xf32>
    %add3A_45 = vector.broadcast %get3A_44 : vector<1x128xf32> to vector<2000x128xf32>
    %add3A_46 = arith.addf %dot_general3A_41, %add3A_45 : vector<2000x128xf32>
    %slice3A_47 = vector.extract_strided_slice %add3A_46 {offsets = [0, 0], sizes = [2000, 64], strides = [1, 1]} : vector<2000x128xf32> to vector<2000x64xf32>
    %slice3A_48 = vector.extract_strided_slice %add3A_46 {offsets = [0, 64], sizes = [2000, 64], strides = [1, 1]} : vector<2000x128xf32> to vector<2000x64xf32>
    %slice3A_49 = vector.extract_strided_slice %add3A_19 {offsets = [0, 0], sizes = [2000, 64], strides = [1, 1]} : vector<2000x128xf32> to vector<2000x64xf32>
    %mul3A = vector.broadcast %logistic3A_25 : vector<2000x1xf32> to vector<2000x64xf32>
    %mul3A_50 = arith.mulf %slice3A_47, %mul3A : vector<2000x64xf32>
    %sub3A = arith.constant 1.000000e+00 : f32
    %sub3A_51 = vector.broadcast %sub3A : f32 to vector<2000x1xf32>
    %sub3A_52 = arith.subf %sub3A_51, %logistic3A_25 : vector<2000x1xf32>
    %mul3A_53 = vector.broadcast %sub3A_52 : vector<2000x1xf32> to vector<2000x64xf32>
    %mul3A_54 = arith.mulf %slice3A_48, %mul3A_53 : vector<2000x64xf32>
    %add3A_55 = arith.addf %mul3A_50, %mul3A_54 : vector<2000x64xf32>
    %max3A = arith.constant 0.000000e+00 : f32
    %max3A_56 = vector.broadcast %max3A : f32 to vector<2000x64xf32>
    %max3A_57 = arith.maximumf %add3A_55, %max3A_56 : vector<2000x64xf32>
    %add3A_58 = arith.addf %slice3A_49, %max3A_57 : vector<2000x64xf32>
    %swap3A = arith.constant 0 : index
    %swap3A_59 = arith.constant 0 : index
    %swap3A_60 = vector.load %arg8[%swap3A, %swap3A_59] : memref<2000x64xf32, #tpu.memory_space<vmem>>, vector<2000x64xf32>
    tpu.vector_store %arg8[%swap3A, %swap3A_59], %add3A_58 {strides = array<i32>} : memref<2000x64xf32, #tpu.memory_space<vmem>>, vector<2000x64xf32>,
    return
  }
  func.func @transform_0(%arg0: i32) -> (i32, i32, i32) {
    %c0_i32 = arith.constant 0 : i32
    %c0_i32_0 = arith.constant 0 : i32
    %c0_i32_1 = arith.constant 0 : i32
    return %c0_i32, %arg0, %c0_i32_0 : i32, i32, i32
  }
  func.func @transform_1(%arg0: i32) -> (i32, i32, i32) {
    %c0_i32 = arith.constant 0 : i32
    %c0_i32_0 = arith.constant 0 : i32
    %c0_i32_1 = arith.constant 0 : i32
    return %c0_i32, %arg0, %c0_i32_0 : i32, i32, i32
  }
  func.func @transform_2(%arg0: i32) -> (i32, i32) {
    %c0_i32 = arith.constant 0 : i32
    %c0_i32_0 = arith.constant 0 : i32
    return %arg0, %c0_i32 : i32, i32
  }
  func.func @transform_3(%arg0: i32) -> (i32, i32) {
    %c0_i32 = arith.constant 0 : i32
    %c0_i32_0 = arith.constant 0 : i32
    %c0_i32_1 = arith.constant 0 : i32
    return %c0_i32, %c0_i32_0 : i32, i32
  }
  func.func @transform_4(%arg0: i32) -> (i32, i32) {
    %c0_i32 = arith.constant 0 : i32
    %c0_i32_0 = arith.constant 0 : i32
    %c0_i32_1 = arith.constant 0 : i32
    return %c0_i32, %c0_i32_0 : i32, i32
  }
  func.func @transform_5(%arg0: i32) -> (i32, i32) {
    %c0_i32 = arith.constant 0 : i32
    %c0_i32_0 = arith.constant 0 : i32
    %c0_i32_1 = arith.constant 0 : i32
    return %c0_i32, %c0_i32_0 : i32, i32
  }
  func.func @transform_6(%arg0: i32) -> (i32, i32) {
    %c0_i32 = arith.constant 0 : i32
    %c0_i32_0 = arith.constant 0 : i32
    %c0_i32_1 = arith.constant 0 : i32
    return %c0_i32, %c0_i32_0 : i32, i32
  }
  func.func @transform_7(%arg0: i32) -> (i32, i32) {
    %c0_i32 = arith.constant 0 : i32
    %c0_i32_0 = arith.constant 0 : i32
    return %arg0, %c0_i32 : i32, i32
  }
}

</mosaic_0001>

<sc_bundles>
// kernel: kernel.11.cloned.1.call-start
scs
__scs_entry_jumppad:
0x0: {  	(pc) =	sbr.rel $0x88, $3  }
0x1: {  	(tag) =	ssettag $0x0;
	lr =	simm.s32 $0x1  }
0x2: {  	[smem:$0x3F8F] =	sst lr;
	_ =	strace $0xD0000000  }
0x3: {  	_ = 	snop  }
0x4: {  	_ = 	snop  }
0x5: {  	_ = 	snop  }
0x6: {  	_ = 	snop  }
0x7: {  	_ = 	snop  }
__scs_overlays_trampoline_lowered:
0x8: {  	[smem:$0x3F9E] =	sst s0  }
0x9: {  	[smem:$0x3F9F] =	sst s1  }
0xa: {  	[smem:$0x3FA0] =	sst s2  }
0xb: {  	[smem:$0x3FA1] =	sst s3  }
0xc: {  	[smem:$0x3FA2] =	sst s4  }
0xd: {  	[smem:$0x3FA3] =	sst s5  }
0xe: {  	[smem:$0x3FA4] =	sst s6  }
0xf: {  	[smem:$0x3FA5] =	sst s7  }
0x10: {  	[smem:$0x3FA6] =	sst s8  }
0x11: {  	[smem:$0x3FA7] =	sst s9;
	s0 =	simm.s32 @!p0 $0x0  }
0x12: {  	s1 =	sld [smem:$0x3F8D];
	s0 =	simm.s32 @p0 $0x1  }
0x13: {  	[smem:$0x3FA8] =	sst s0;
	s0 =	simm.s32 @!p1 $0x0  }
0x14: {  	s2 =	sld [smem:$0x3F8C];
	s0 =	simm.s32 @p1 $0x1  }
0x15: {  	[smem:$0x3FA9] =	sst s0;
	s0 =	simm.s32 @!p2 $0x0  }
0x16: {  	s3 =	sld [smem:$0x3FDB];
	s0 =	simm.s32 @p2 $0x1  }
0x17: {  	s4 =	simm.s32 $0x1BF5;
	[smem:$0x3FAB] =	sst s0  }
0x18: {  	s0 =	sld [smem:$0x3F8E];
	_ =	swait.ge [sflag:s4], $0x0  }
0x19: {  	s7 =	sld [smem:$0x3F8F]  }
0x1a: {  	s8 =	sadd.s32 $0xFFFFE003, lr  }
0x1b: {  	s9 =	sadd.s32 $0xFFFFFEF7, lr;
	s5 =	simm.s32 $0xFFFFFFFF;
	p2 =	slt.u32 s8, $0xFFFFF086  }
0x1c: {  	p1 =	slt.u32 s9, $0xF7A;
	s5 =	simm.s32 @!p2 $0x0  }
0x1d: {  	s5 =	simm.s32 @p1 $0x1;
	p0 =	seq.s32 s7, s2  }
0x1e: {  	s7 =	smul.u32 @!p0 $0xF7A, s2;
	p2 =	seq.s32 @!p0 s5, $0x0  }
0x1f: {  	s9 =	smul.u32 $0xF7A, s1;
	s8 =	simm.s32 @!p0 $0x1BF5;
	p2 =	por !p2, p0  }
0x20: {  	[sflag:s8] =	ssyncset.s32 @!p0 $0xFFFFF086;
	s6 =	sadd.s32 @!p0 s3, s7;
	s7 =	simm.s32 @!p0 $0x108  }
0x21: {  	s3 =	sadd.s32 s3, s9;
	s6 =	sadd.s32 @!p0 $0x88, s6;
	s7 =	simm.s32 @p2 $0x1082  }
0x22: {  	[simem:s7], [sflag:s8] =	dma.local @!p0 [hbm:s6], $0xF7A  }
0x23: {  	s9 =	sor.u32 $0xD0000000, s2;
	s6 =	simm.s32 $0x108;
	_ =	swait.ge @!p0 [sflag:s8], $0x0  }
0x24: {  	s3 =	sadd.s32 $0x88, s3;
	s6 =	simm.s32 @!p1 $0x1082;
	[sflag:s4] =	ssyncset.s32 $0xFFFFF086  }
0x25: {  	[simem:s6], [sflag:s4] =	dma.local [hbm:s3], $0xF7A  }
0x26: {  	[smem:$0x3F8F] =	sst s1;
	(tag) =	ssettag s2;
	_ =	strace s9  }
0x27: {  	s1 =	sld [smem:$0x3F9F]  }
0x28: {  	s2 =	sld [smem:$0x3FA0]  }
0x29: {  	s4 =	sld [smem:$0x3FA2]  }
0x2a: {  	p0 =	seq.s32 s5, $0x0;
	s5 =	sld [smem:$0x3FA3]  }
0x2b: {  	s6 =	sld [smem:$0x3FA4]  }
0x2c: {  	s7 =	sld [smem:$0x3FA5]  }
0x2d: {  	s3 =	simm.s32 $0x108;
	s8 =	sld [smem:$0x3FA6]  }
0x2e: {  	s3 =	simm.s32 @!p0 $0x1082;
	s9 =	sld [smem:$0x3FA7]  }
0x2f: {  	lr =	sadd.s32 s0, s3;
	s0 =	sld [smem:$0x3F9E]  }
0x30: {  	s3 =	sld [smem:$0x3FA1]  }
0x31: {  	[smem:$0x3FAA] =	sst s10  }
0x32: {  	s10 =	sld [smem:$0x3FA8];
	_ =	sdelay $0x3  }
0x33: {  	p0 =	seq.s32 s10, $0x1;
	s10 =	sld [smem:$0x3FAA];
	_ =	sdelay $0x3  }
0x34: {  	[smem:$0x3FAA] =	sst s10  }
0x35: {  	s10 =	sld [smem:$0x3FA9];
	_ =	sdelay $0x3  }
0x36: {  	p1 =	seq.s32 s10, $0x1;
	s10 =	sld [smem:$0x3FAA];
	_ =	sdelay $0x3  }
0x37: {  	[smem:$0x3FAA] =	sst s10  }
0x38: {  	s10 =	sld [smem:$0x3FAB]  }
0x39: {  	_ = 	snop;
	(pc) =	sbr.ind lr, $3  }
0x3a: {  	_ = 	snop  }
0x3b: {  	_ = 	snop  }
0x3c: {  	p2 =	seq.s32 s10, $0x1;
	s10 =	sld [smem:$0x3FAA]  }
0x3d: {  	_ =	shalt  }
0x3e: {  	_ =	shalt  }
0x3f: {  	_ =	shalt  }
0x40: {  	_ =	shalt  }
0x41: {  	_ =	shalt  }
0x42: {  	_ =	shalt  }
0x43: {  	_ =	shalt  }
0x44: {  	_ =	shalt  }
0x45: {  	_ =	shalt  }
0x46: {  	_ =	shalt  }
0x47: {  	_ =	shalt  }
0x48: {  	_ =	shalt  }
0x49: {  	_ =	shalt  }
0x4a: {  	_ =	shalt  }
0x4b: {  	_ =	shalt  }
0x4c: {  	_ =	shalt  }
0x4d: {  	_ =	shalt  }
0x4e: {  	_ =	shalt  }
0x4f: {  	_ =	shalt  }
0x50: {  	_ =	shalt  }
0x51: {  	_ =	shalt  }
0x52: {  	_ =	shalt  }
0x53: {  	_ =	shalt  }
0x54: {  	_ =	shalt  }
0x55: {  	_ =	shalt  }
0x56: {  	_ =	shalt  }
0x57: {  	_ =	shalt  }
0x58: {  	_ =	shalt  }
0x59: {  	_ =	shalt  }
0x5a: {  	_ =	shalt  }
0x5b: {  	_ =	shalt  }
0x5c: {  	_ =	shalt  }
0x5d: {  	_ =	shalt  }
0x5e: {  	_ =	shalt  }
0x5f: {  	_ =	shalt  }
0x60: {  	_ =	shalt  }
0x61: {  	_ =	shalt  }
0x62: {  	_ =	shalt  }
0x63: {  	_ =	shalt  }
0x64: {  	_ =	shalt  }
0x65: {  	_ =	shalt  }
0x66: {  	_ =	shalt  }
0x67: {  	_ =	shalt  }
0x68: {  	_ =	shalt  }
0x69: {  	_ =	shalt  }
0x6a: {  	_ =	shalt  }
0x6b: {  	_ =	shalt  }
0x6c: {  	_ =	shalt  }
0x6d: {  	_ =	shalt  }
0x6e: {  	_ =	shalt  }
0x6f: {  	_ =	shalt  }
0x70: {  	_ =	shalt  }
0x71: {  	_ =	shalt  }
0x72: {  	_ =	shalt  }
0x73: {  	_ =	shalt  }
0x74: {  	_ =	shalt  }
0x75: {  	_ =	shalt  }
0x76: {  	_ =	shalt  }
0x77: {  	_ =	shalt  }
0x78: {  	_ =	shalt  }
0x79: {  	_ =	shalt  }
0x7a: {  	_ =	shalt  }
0x7b: {  	_ =	shalt  }
0x7c: {  	_ =	shalt  }
0x7d: {  	_ =	shalt  }
0x7e: {  	_ =	shalt  }
0x7f: {  	_ =	shalt  }
0x80: {  	_ =	shalt  }
0x81: {  	_ =	shalt  }
0x82: {  	_ =	shalt  }
0x83: {  	_ =	shalt  }
0x84: {  	_ =	shalt  }
0x85: {  	_ =	shalt  }
0x86: {  	_ =	shalt  }
0x87: {  	_ =	shalt  }
.Lfunc_end0:
.L_simem_size_0:
called_computation.1_lowered:
.L_overlay_start_0:
0x88: {  	s2 =	sld [smem:$0x3FD9]  }
0x89: {  	s3 =	sld [smem:$0x3FFE];
	_ =	sdelay $0x1  }
0x8a: {  	s1 =	srdreg.scid  }
0x8b: {  	s0 =	sand.u32 $0x1, s1  }
0x8c: {  	s14 =	sshll.u32 s0, $0xA;
	s2 =	sadd.s32 s3, s2  }
0x8d: {  	s2 =	sadd.s32 s2, s14  }
0x8e: {  	[smem:$0x3FB6] =	sst s2  }
0x8f: {  	_ = 	snop  }
0x90: {  	s2 =	sld [smem:$0x3FD0];
	_ =	sdelay $0x2  }
0x91: {  	s15 =	simm.s32 $0xA;
	s4 =	simm.s32 $0x10  }
0x92: {  	[smem:s4], [sflag:s15] =	dma.local [hbm:s2], $0x1  }
0x93: {  	_ =	swait.eq [sflag:s15], $0x1  }
0x94: {  	[sflag:s15] =	ssyncset.done $0x0  }
0x95: {  	[sflag:s15] =	ssyncadd.s32 $0xFFFFFFFF  }
0x96: {  	s16 =	sld [smem:$0x11];
	(tm) =	ssettm $0x1  }
0x97: {  	s17 =	sld [smem:$0x3FFB];
	_ =	sdelay $0x3  }
0x98: {  	_ =	strace s17  }
0x99: {  	s3 =	sld [smem:$0x3FFC];
	_ =	sdelay $0x3  }
0x9a: {  	_ =	strace s3  }
0x9b: {  	s3 =	sld [smem:$0x3FFD];
	_ =	sdelay $0x3  }
0x9c: {  	_ =	strace s3  }
0x9d: {  	_ =	strace $0x8FFFFFFF  }
0x9e: {  	s18 =	sld [smem:$0x3FDB];
	_ =	sdelay $0x1  }
0x9f: {  	s19 =	simm.s32 $_scs_section_size  }
0xa0: {  	s5 =	simm.s32 $_size__tile_overlayer_lowered;
	s6 =	simm.s32 $_tile_overlayer_lowered  }
0xa1: {  	s22 =	simm.s32 $0x1BFF;
	s21 =	sshll.u32 s6, $0x1;
	s3 =	sadd.s32 s19, s18  }
0xa2: {  	s7 =	simm.s32 $0x0;
	s20 =	sshll.u32 s5, $0x1;
	s5 =	sadd.s32 s21, s3  }
0xa3: {  	[timem:s7], [sflag:s22] =	dma.local [hbm:s5], s20  }
0xa4: {  	_ =	swait.ge [sflag:s22], s20  }
0xa5: {  	s4 =	ssub.s32 $0x0, s20;
	[sflag:s22] =	ssyncset.done $0x0  }
0xa6: {  	[sflag:s22] =	ssyncadd.s32 s4;
	_ =	sdelay $0x1  }
0xa7: {  	s23 =	simm.s32 $0x1B8B  }
0xa8: {  	_ =	swait.ge [sflag:s23], $0x1  }
0xa9: {  	[sflag:s23] =	ssyncset.done $0x0  }
0xaa: {  	s25 =	simm.s32 $0x1B8E;
	s24 =	sld [smem:$0x3FFE];
	[sflag:s23] =	ssyncadd.s32 $0xFFFFFFFF  }
0xab: {  	s26 =	simm.s32 $execute0_lowered;
	[smem:$0x3FD2] =	sst s25  }
0xac: {  	s5 =	sshll.u32 s26, $0x1;
	_ =	strace $0x80000049;
	[dreg:$0x1] =	wrdreg $0xFFFFFFFF  }
0xad: {  	s28 =	simm.s32 $_size_execute0_lowered;
	s3 =	sadd.s32 s3, s5;
	[dreg:$0x0] =	wrdreg $0x0  }
0xae: {  	s5 =	sshll.u32 s28, $0x1;
	[dreg:$0x2] =	wrdreg s3  }
0xaf: {  	[dreg:$0x3] =	wrdreg s5  }
0xb0: {  	[dreg:$0x4] =	wrdreg $0xC0  }
0xb1: {  	_ =	task [dreg:s7], $0x5FFFF  }
0xb2: {  	[dreg:$0x1] =	wrdreg $0xFFFFFFFF  }
0xb3: {  	[dreg:$0x0] =	wrdreg $0x60  }
0xb4: {  	[dreg:$0x2] =	wrdreg s24  }
0xb5: {  	[dreg:$0x3] =	wrdreg s16  }
0xb6: {  	[dreg:$0x4] =	wrdreg $0xB2200  }
0xb7: {  	[dreg:$0x5] =	wrdreg $0x9  }
0xb8: {  	_ =	task.clear_ibuf [dreg:s7], $0x6FFFF;
	_ =	strace $0x90000049  }
0xb9: {  	s29 =	simm.s32 $0x9;
	_ =	strace $0x8000004B  }
0xba: {  	_ =	swait.ge [sflag:s29], $0x1  }
0xbb: {  	[sflag:s29] =	ssyncadd.s32 $0xFFFFFFFF  }
0xbc: {  	_ =	strace $0x9000004B  }
0xbd: {  	_ =	sfence  }
0xbe: {  	s30 =	sld [smem:$0x0];
	_ =	sdelay $0x2  }
0xbf: {  	s31 =	sshll.u32 s1, $0xD;
	s1 =	sshrl.u32 s1, $0x2  }
0xc0: {  	s3 =	sand.u32 $0x4000, s31;
	s1 =	sadd.s32 s1, s30  }
0xc1: {  	s0 =	sor.u32 s3, s0;
	s1 =	sshll.u32 s1, $0x11  }
0xc2: {  	s0 =	sor.u32 s1, s0  }
0xc3: {  	s0 =	sadd.s32 $0x8F2B, s0  }
0xc4: {  	[sflag:s0] =	ssyncadd.remote.s32 $0x1  }
0xc5: {  	_ =	sfence.sel $0xFFFF  }
0xc6: {  	[dreg:$0x0] =	wrdreg $0xFFFFFFFF;
	(pc) =	sbr.abs _section_cstart, $3  }
0xc7: {  	[dreg:$0x1] =	wrdreg $0xFFFFFFFF  }
0xc8: {  	_ =	task.clear_ibuf [dreg:s7], $0x2FFFF;
	_ =	strace $0x9FFFFFFF  }
0xc9: {  	(tm) =	ssettm $0x7FFFFFFF  }
tec
execute0_lowered:
.L_overlay_start_1:
0x0: {  	(tag) =	ssettag $0x1  }
0x1: {  	s1 =	rddreg [dreg:$0x0]  }
0x2: {  	s0 =	srdreg.scid;
	s5 =	rddreg [dreg:$0x1]  }
0x3: {  	s11 =	stileid.u32;
	s2 =	rddreg [dreg:$0x2];
	s19 =	simm.s32 $0x0  }
0x4: {  	s14 =	simm.s32 $0xB;
	s16 =	simm.s32 $0x50;
	s17 =	simm.s32 $0x4E20  }
0x5: {  	s31 =	simm.s32 $0x9420;
	s18 =	simm.s32 $0xA820;
	s28 =	simm.s32 $0xA  }
0x6: {  	s29 =	simm.s32 $0x0;
	s0 =	sand.u32 $0x1, s0;
	[smem:$0x7FF] =	sst s19  }
0x7: {  	s9 =	smul.u32 $0x4E00, s11;
	s25 =	sadd.s32 $0x4E000, s2;
	p0 =	sne.s32 s11, $0xF  }
0x8: {  	s19 =	simm.s32 $0x1;
	s3 =	sshll.u32 s0, $0x4;
	_ =	strace $0x8000004A  }
0x9: {  	s7 =	ssub.s32 $0x2, s0;
	s0 =	smul.u32 $0x4E200, s0;
	[dreg:$0x8] =	wrdreg s25  }
0xa: {  	s25 =	simm.s32 $0x8;
	s4 =	sor.u32 s11, s3;
	s8 =	sshrl.u32 s9, $0x3  }
0xb: {  	s10 =	sshrl.u32 s7, $0x1;
	s22 =	sadd.s32 s9, s2;
	s6 =	smul.u32 $0x4E2, s4  }
0xc: {  	s4 =	sadd.s32 $0x16400, s1;
	s8 =	sadd.s32 s8, s1;
	s13 =	ssub.s32 s7, s10  }
0xd: {  	[dreg:$0x6] =	wrdreg s22;
	s24 =	sadd.s32 s9, s0;
	s0 =	sshrl.u32 s0, $0x3  }
0xe: {  	s22 =	simm.s32 $0x6C20;
	s23 =	sadd.s32 $0x20200, s8;
	s0 =	sadd.s32 s5, s0  }
0xf: {  	s30 =	smax.u32 s13, $0x1;
	s6 =	sadd.s32 s6, s1;
	[dreg:$0x7] =	wrdreg s23  }
0x10: {  	s1 =	sadd.s32 $0x29E00, s1;
	s0 =	sadd.s32 $0x9C00, s0;
	[dreg:$0xc] =	wrdreg s30  }
.Ltmp0:
0x11: {  	s23 =	simm.s32 $0x6;
	[dreg:$0x9] =	wrdreg s1;
	(pc) =	sbr.rel .LBB2_1-.Ltmp0, $4  }
0x12: {  	s20 =	sadd.s32 $0xC600, s6;
	s21 =	sadd.s32 $0x2800, s6;
	[dreg:$0xb] =	wrdreg s0  }
0x13: {  	s6 =	sshrl.u32 s24, $0x3;
	s24 =	simm.s32 $0x7620;
	[dreg:$0x4] =	wrdreg s20  }
0x14: {  	[dreg:$0x5] =	wrdreg s21;
	s26 =	sadd.s32 s5, s6;
	s20 =	simm.s32 $0x4  }
0x15: {  	s21 =	simm.s32 $0x5;
	[dreg:$0xa] =	wrdreg s26;
	s26 =	simm.s32 $0x8020  }
.LBB2_6:
0x16: {  	_ =	swait.ge [sflag:s21], $0xA00  }
0x17: {  	[sflag:s21] =	ssyncset.done $0x0  }
0x18: {  	s3 =	sadd.s32 $0x2850, s6;
	[sflag:s21] =	ssyncadd.s32 $0xFFFFF600  }
0x19: {  	[spmem:s2] =	stream.indirect.scatter.add.f32 [tilespmem:s24], [sflag:$0xB], $0x20, s3, s16, $0xb8;
	[tilespmem:$0x10040] =	vst v63  }
0x1a: {  	_ =	swait.ge [sflag:s14], $0xA00  }
0x1b: {  	[sflag:s14] =	ssyncset.done $0x0  }
0x1c: {  	[sflag:s14] =	ssyncadd.s32 $0xFFFFF600  }
.LBB2_4:
0x1d: {  	[bflag:$0x0] =	sbarrier.arrive $0xFFFF  }
0x1e: {  	s3 =	rddreg [dreg:$0xa]  }
0x1f: {  	[hbm:s3], [sflag:s30] =	dma.local [spmem:s1], $0x9C0  }
0x20: {  	_ =	swait.ge [sflag:s14], $0x9C0  }
0x21: {  	[sflag:s14] =	ssyncset.done $0x0  }
0x22: {  	s1 =	rddreg [dreg:$0xb];
	[sflag:s14] =	ssyncadd.s32 $0xFFFFF640  }
0x23: {  	[hbm:s1], [sflag:s30] =	dma.local @!p0 [spmem:s0], $0x40  }
0x24: {  	s0 =	simm.s32 @!p0 $0xB  }
0x25: {  	_ =	swait.ge @!p0 [sflag:s0], $0x40  }
0x26: {  	s29 =	sadd.s32 $0x1, s29;
	s30 =	rddreg [dreg:$0xc]  }
0x27: {  	p1 =	sne.s32 s29, s30  }
.Ltmp1:
0x28: {  	_ = 	snop;
	(pc) =	sbr.rel @!p1 .LBB2_5-.Ltmp1, $3  }
0x29: {  	_ =	sdelay $0x1  }
0x2a: {  	[sflag:s0] =	ssyncset.done @!p0 $0x0  }
0x2b: {  	[sflag:s0] =	ssyncadd.s32 @!p0 $0xFFFFFFC0  }
.LBB2_1:
0x2c: {  	s0 =	simm.s32 $0x0;
	s1 =	rddreg [dreg:$0x4]  }
0x2d: {  	[tilespmem:s0], [sflag:$0xB] =	stream.linear.gather [hbm4b:s1+s0], $0x2710, $0x38;
	[tilespmem:$0x10040] =	vst v63  }
0x2e: {  	_ =	swait.ge [sflag:s14], $0x2710  }
0x2f: {  	[sflag:s14] =	ssyncset.done $0x0  }
0x30: {  	s3 =	simm.s32 $0x2710;
	s11 =	rddreg [dreg:$0x5];
	[sflag:s14] =	ssyncadd.s32 $0xFFFFD8F0  }
0x31: {  	[tilespmem:s3], [sflag:$0xB] =	stream.linear.gather [hbm4b:s11+s0], $0x2710, $0x38;
	[tilespmem:$0x10040] =	vst v63  }
0x32: {  	_ =	swait.ge [sflag:s14], $0x2710  }
0x33: {  	[sflag:s14] =	ssyncset.done $0x0  }
0x34: {  	[sflag:s14] =	ssyncadd.s32 $0xFFFFD8F0  }
0x35: {  	[tilespmem:s17], [sflag:$0x1] =	stream.indirect.gather [hbm4b:s4+s16], $0x20, s0, s16, $0xb8;
	[tilespmem:$0x10040] =	vst v63  }
0x36: {  	s12 =	simm.s32 $0x5820  }
0x37: {  	[tilespmem:s12], [sflag:$0x2] =	stream.indirect.gather [hbm4b:s4+s16], $0x20, s16, s16, $0xb8;
	[tilespmem:$0x10040] =	vst v63  }
0x38: {  	s13 =	simm.s32 $0xA0;
	s15 =	simm.s32 $0x6220  }
0x39: {  	[tilespmem:s15], [sflag:$0x3] =	stream.indirect.gather [hbm4b:s4+s16], $0x20, s13, s16, $0xb8;
	[tilespmem:$0x10040] =	vst v63  }
0x3a: {  	s1 =	simm.s32 $0xF0  }
0x3b: {  	[tilespmem:s22], [sflag:$0x4] =	stream.indirect.gather [hbm4b:s4+s16], $0x20, s1, s16, $0xb8;
	[tilespmem:$0x10040] =	vst v63  }
0x3c: {  	s3 =	simm.s32 $0x140  }
0x3d: {  	[tilespmem:s24], [sflag:$0x5] =	stream.indirect.gather [hbm4b:s4+s16], $0x20, s3, s16, $0xb8;
	[tilespmem:$0x10040] =	vst v63  }
0x3e: {  	s5 =	simm.s32 $0x190  }
0x3f: {  	[tilespmem:s26], [sflag:$0x6] =	stream.indirect.gather [hbm4b:s4+s16], $0x20, s5, s16, $0xb8;
	[tilespmem:$0x10040] =	vst v63  }
0x40: {  	s6 =	simm.s32 $0x1E0;
	s7 =	simm.s32 $0x8A20;
	s8 =	simm.s32 $0x230  }
0x41: {  	[tilespmem:s7], [sflag:$0x7] =	stream.indirect.gather [hbm4b:s4+s16], $0x20, s6, s16, $0xb8;
	[tilespmem:$0x10040] =	vst v63  }
0x42: {  	s9 =	simm.s32 $0x280;
	s10 =	simm.s32 $0x9E20;
	s12 =	stileid.u32  }
0x43: {  	[tilespmem:s31], [sflag:$0x8] =	stream.indirect.gather [hbm4b:s4+s16], $0x20, s8, s16, $0xb8;
	[tilespmem:$0x10040] =	vst v63  }
0x44: {  	s11 =	simm.s32 $0x2D0;
	s0 =	sshll.u32 s12, $0x6;
	s13 =	rddreg [dreg:$0x6]  }
0x45: {  	[tilespmem:s10], [sflag:$0x9] =	stream.indirect.gather [hbm4b:s4+s16], $0x20, s9, s16, $0xb8;
	[tilespmem:$0x10040] =	vst v63  }
0x46: {  	s30 =	sor.u32 $0x1C0B, s0;
	s15 =	rddreg [dreg:$0x7];
	s1 =	sshrl.u32 s13, $0x3  }
0x47: {  	[tilespmem:s18], [sflag:$0xA] =	stream.indirect.gather [hbm4b:s4+s16], $0x20, s11, s16, $0xb8;
	[tilespmem:$0x10040] =	vst v63  }
0x48: {  	[spmem:s1], [sflag:s30] =	dma.local [hbm:s15], $0x9C0  }
0x49: {  	_ =	swait.ge [sflag:s14], $0x9C0  }
0x4a: {  	s5 =	simm.s32 @!p0 $0xB;
	[sflag:s14] =	ssyncset.done $0x0;
	s0 =	rddreg [dreg:$0x8]  }
0x4b: {  	s3 =	rddreg [dreg:$0x9];
	[sflag:s14] =	ssyncadd.s32 $0xFFFFF640;
	s0 =	sshrl.u32 @!p0 s0, $0x3  }
0x4c: {  	[spmem:s0], [sflag:s30] =	dma.local @!p0 [hbm:s3], $0x40  }
0x4d: {  	_ =	swait.ge @!p0 [sflag:s5], $0x40  }
0x4e: {  	[sflag:s5] =	ssyncset.done @!p0 $0x0  }
0x4f: {  	[sflag:s5] =	ssyncadd.s32 @!p0 $0xFFFFFFC0  }
0x50: {  	s15 =	simm.s32 $0x0;
	s5 =	simm.s32 $0x0;
	[bflag:$0x0] =	sbarrier.arrive $0xFFFF  }
.LBB2_2:
0x51: {  	_ =	swait.ge [sflag:s19], $0xA00  }
0x52: {  	s6 =	sshra.s32 s15, $0x2;
	[sflag:s19] =	ssyncset.done $0x0  }
0x53: {  	s7 =	sadd.s32 $0x2710, s6;
	[sflag:s19] =	ssyncadd.s32 $0xFFFFF600  }
0x54: {  	[spmem:s2] =	stream.indirect.scatter.add.f32 [tilespmem:s17], [sflag:$0xB], $0x20, s7, s16, $0xb8;
	[tilespmem:$0x10040] =	vst v63  }
0x55: {  	_ =	swait.ge [sflag:s14], $0xA00  }
0x56: {  	p1 =	seq.s32 s15, $0x9600;
	[sflag:s14] =	ssyncset.done $0x0  }
0x57: {  	s7 =	simm.s32 @p1 $0x2;
	[sflag:s14] =	ssyncadd.s32 $0xFFFFF600  }
0x58: {  	_ =	swait.ge @p1 [sflag:s7], $0xA00  }
0x59: {  	s8 =	simm.s32 @p1 $0x4CE0;
	[sflag:s7] =	ssyncset.done @p1 $0x0  }
0x5a: {  	s9 =	simm.s32 @p1 $0x5820;
	[sflag:s7] =	ssyncadd.s32 @p1 $0xFFFFF600;
	s7 =	simm.s32 @p1 $0x50  }
0x5b: {  	[spmem:s2] =	stream.indirect.scatter.add.f32 @p1 [tilespmem:s9], [sflag:$0xB], $0x20, s8, s7, $0xb8;
	[tilespmem:$0x10040] =	vst v63  }
0x5c: {  	s8 =	simm.s32 @p1 $0xB  }
0x5d: {  	_ =	swait.ge @p1 [sflag:s8], $0xA00  }
0x5e: {  	[sflag:s8] =	ssyncset.done @p1 $0x0  }
0x5f: {  	s9 =	simm.s32 @p1 $0x3;
	[sflag:s8] =	ssyncadd.s32 @p1 $0xFFFFF600  }
0x60: {  	_ =	swait.ge @p1 [sflag:s9], $0xA00  }
0x61: {  	s10 =	sshra.s32 @p1 s15, $0x2;
	[sflag:s9] =	ssyncset.done @p1 $0x0  }
0x62: {  	[sflag:s9] =	ssyncadd.s32 @p1 $0xFFFFF600;
	s9 =	sadd.s32 @p1 $0x27B0, s10;
	s10 =	simm.s32 @p1 $0x6220  }
0x63: {  	[spmem:s2] =	stream.indirect.scatter.add.f32 @p1 [tilespmem:s10], [sflag:$0xB], $0x20, s9, s7, $0xb8;
	[tilespmem:$0x10040] =	vst v63  }
0x64: {  	_ =	swait.ge @p1 [sflag:s8], $0xA00  }
0x65: {  	s7 =	sshra.s32 @!p1 s15, $0x2;
	s9 =	simm.s32 @!p1 $0x50;
	[sflag:s8] =	ssyncset.done @p1 $0x0  }
0x66: {  	s10 =	simm.s32 @!p1 $0x4E20;
	[sflag:s8] =	ssyncadd.s32 @p1 $0xFFFFF600;
	s8 =	sadd.s32 @!p1 $0x320, s7  }
0x67: {  	[tilespmem:s10], [sflag:$0x1] =	stream.indirect.gather @!p1 [hbm4b:s4+s9], $0x20, s8, s9, $0xb8;
	[tilespmem:$0x10040] =	vst v63  }
0x68: {  	s8 =	simm.s32 @!p1 $0x2  }
0x69: {  	_ =	swait.ge @!p1 [sflag:s8], $0xA00  }
0x6a: {  	[sflag:s8] =	ssyncset.done @!p1 $0x0  }
0x6b: {  	s10 =	simm.s32 @!p1 $0x5820;
	[sflag:s8] =	ssyncadd.s32 @!p1 $0xFFFFF600;
	s8 =	sadd.s32 @!p1 $0x2760, s7  }
0x6c: {  	[spmem:s2] =	stream.indirect.scatter.add.f32 @!p1 [tilespmem:s10], [sflag:$0xB], $0x20, s8, s9, $0xb8;
	[tilespmem:$0x10040] =	vst v63  }
0x6d: {  	s8 =	simm.s32 @!p1 $0xB  }
0x6e: {  	_ =	swait.ge @!p1 [sflag:s8], $0xA00  }
0x6f: {  	[sflag:s8] =	ssyncset.done @!p1 $0x0  }
0x70: {  	s11 =	sadd.s32 @!p1 $0x370, s7;
	[sflag:s8] =	ssyncadd.s32 @!p1 $0xFFFFF600  }
0x71: {  	[tilespmem:s10], [sflag:$0x2] =	stream.indirect.gather @!p1 [hbm4b:s4+s9], $0x20, s11, s9, $0xb8;
	[tilespmem:$0x10040] =	vst v63  }
0x72: {  	s10 =	simm.s32 @!p1 $0x3  }
0x73: {  	_ =	swait.ge @!p1 [sflag:s10], $0xA00  }
0x74: {  	[sflag:s10] =	ssyncset.done @!p1 $0x0  }
0x75: {  	s11 =	simm.s32 @!p1 $0x6220;
	[sflag:s10] =	ssyncadd.s32 @!p1 $0xFFFFF600;
	s10 =	sadd.s32 @!p1 $0x27B0, s7  }
0x76: {  	[spmem:s2] =	stream.indirect.scatter.add.f32 @!p1 [tilespmem:s11], [sflag:$0xB], $0x20, s10, s9, $0xb8;
	[tilespmem:$0x10040] =	vst v63  }
0x77: {  	_ =	swait.ge @!p1 [sflag:s8], $0xA00  }
0x78: {  	[sflag:s8] =	ssyncset.done @!p1 $0x0  }
0x79: {  	s7 =	sadd.s32 @!p1 $0x3C0, s7;
	[sflag:s8] =	ssyncadd.s32 @!p1 $0xFFFFF600  }
0x7a: {  	[tilespmem:s11], [sflag:$0x3] =	stream.indirect.gather @!p1 [hbm4b:s4+s9], $0x20, s7, s9, $0xb8;
	[tilespmem:$0x10040] =	vst v63  }
0x7b: {  	_ =	swait.ge [sflag:s20], $0xA00  }
0x7c: {  	[sflag:s20] =	ssyncset.done $0x0  }
.Ltmp2:
0x7d: {  	s13 =	sadd.s32 $0x2800, s6;
	[sflag:s20] =	ssyncadd.s32 $0xFFFFF600;
	(pc) =	sbr.rel @p1 .LBB2_6-.Ltmp2, $4  }
0x7e: {  	[spmem:s2] =	stream.indirect.scatter.add.f32 [tilespmem:s22], [sflag:$0xB], $0x20, s13, s16, $0xb8;
	[tilespmem:$0x10040] =	vst v63  }
0x7f: {  	_ =	swait.ge [sflag:s14], $0xA00  }
0x80: {  	[sflag:s14] =	ssyncset.done $0x0  }
0x81: {  	[sflag:s14] =	ssyncadd.s32 $0xFFFFF600  }
0x82: {  	s7 =	sadd.s32 $0x410, s6  }
0x83: {  	[tilespmem:s22], [sflag:$0x4] =	stream.indirect.gather [hbm4b:s4+s16], $0x20, s7, s16, $0xb8;
	[tilespmem:$0x10040] =	vst v63  }
0x84: {  	_ =	swait.ge [sflag:s21], $0xA00  }
0x85: {  	[sflag:s21] =	ssyncset.done $0x0  }
0x86: {  	s10 =	sadd.s32 $0x2850, s6;
	[sflag:s21] =	ssyncadd.s32 $0xFFFFF600  }
0x87: {  	[spmem:s2] =	stream.indirect.scatter.add.f32 [tilespmem:s24], [sflag:$0xB], $0x20, s10, s16, $0xb8;
	[tilespmem:$0x10040] =	vst v63  }
0x88: {  	_ =	swait.ge [sflag:s14], $0xA00  }
0x89: {  	[sflag:s14] =	ssyncset.done $0x0  }
0x8a: {  	s11 =	sadd.s32 $0x460, s6;
	[sflag:s14] =	ssyncadd.s32 $0xFFFFF600  }
0x8b: {  	[tilespmem:s24], [sflag:$0x5] =	stream.indirect.gather [hbm4b:s4+s16], $0x20, s11, s16, $0xb8;
	[tilespmem:$0x10040] =	vst v63  }
0x8c: {  	_ =	swait.ge [sflag:s23], $0xA00  }
0x8d: {  	[sflag:s23] =	ssyncset.done $0x0  }
0x8e: {  	s12 =	sadd.s32 $0x28A0, s6;
	[sflag:s23] =	ssyncadd.s32 $0xFFFFF600  }
0x8f: {  	[spmem:s2] =	stream.indirect.scatter.add.f32 [tilespmem:s26], [sflag:$0xB], $0x20, s12, s16, $0xb8;
	[tilespmem:$0x10040] =	vst v63  }
0x90: {  	_ =	swait.ge [sflag:s14], $0xA00  }
0x91: {  	p1 =	sgt.u32 s5, $0xA;
	[sflag:s14] =	ssyncset.done $0x0  }
0x92: {  	s7 =	simm.s32 @p1 $0x7;
	[sflag:s14] =	ssyncadd.s32 $0xFFFFF600  }
0x93: {  	_ =	swait.ge @p1 [sflag:s7], $0xA00  }
0x94: {  	[sflag:s7] =	ssyncset.done @p1 $0x0  }
0x95: {  	[sflag:s7] =	ssyncadd.s32 @p1 $0xFFFFF600;
	s7 =	sshra.s32 @p1 s15, $0x2  }
0x96: {  	s9 =	simm.s32 @p1 $0x50;
	s10 =	simm.s32 @p1 $0x8A20;
	s8 =	sadd.s32 @p1 $0x28F0, s7  }
0x97: {  	[spmem:s2] =	stream.indirect.scatter.add.f32 @p1 [tilespmem:s10], [sflag:$0xB], $0x20, s8, s9, $0xb8;
	[tilespmem:$0x10040] =	vst v63  }
0x98: {  	s8 =	simm.s32 @p1 $0xB  }
0x99: {  	_ =	swait.ge @p1 [sflag:s8], $0xA00  }
0x9a: {  	s13 =	simm.s32 @!p1 $0x8020;
	s10 =	sshra.s32 @!p1 s15, $0x2;
	[sflag:s8] =	ssyncset.done @p1 $0x0  }
0x9b: {  	s12 =	simm.s32 @!p1 $0x50;
	s11 =	sadd.s32 @!p1 $0x4B0, s10;
	[sflag:s8] =	ssyncadd.s32 @p1 $0xFFFFF600  }
0x9c: {  	[tilespmem:s13], [sflag:$0x6] =	stream.indirect.gather @!p1 [hbm4b:s4+s12], $0x20, s11, s12, $0xb8;
	[tilespmem:$0x10040] =	vst v63  }
0x9d: {  	s11 =	simm.s32 @!p1 $0x7  }
0x9e: {  	_ =	swait.ge @!p1 [sflag:s11], $0xA00  }
0x9f: {  	[sflag:s11] =	ssyncset.done @!p1 $0x0  }
0xa0: {  	s13 =	simm.s32 @!p1 $0x8A20;
	[sflag:s11] =	ssyncadd.s32 @!p1 $0xFFFFF600;
	s11 =	sadd.s32 @!p1 $0x28F0, s10  }
0xa1: {  	[spmem:s2] =	stream.indirect.scatter.add.f32 @!p1 [tilespmem:s13], [sflag:$0xB], $0x20, s11, s12, $0xb8;
	[tilespmem:$0x10040] =	vst v63  }
0xa2: {  	s11 =	simm.s32 @!p1 $0xB  }
0xa3: {  	_ =	swait.ge @!p1 [sflag:s11], $0xA00  }
0xa4: {  	[sflag:s11] =	ssyncset.done @!p1 $0x0  }
0xa5: {  	s3 =	sadd.s32 @!p1 $0x500, s10;
	[sflag:s11] =	ssyncadd.s32 @!p1 $0xFFFFF600  }
0xa6: {  	[tilespmem:s13], [sflag:$0x7] =	stream.indirect.gather @!p1 [hbm4b:s4+s12], $0x20, s3, s12, $0xb8;
	[tilespmem:$0x10040] =	vst v63  }
0xa7: {  	_ =	swait.ge [sflag:s25], $0xA00  }
0xa8: {  	[sflag:s25] =	ssyncset.done $0x0  }
0xa9: {  	s13 =	sadd.s32 $0x2940, s6;
	[sflag:s25] =	ssyncadd.s32 $0xFFFFF600  }
0xaa: {  	[spmem:s2] =	stream.indirect.scatter.add.f32 [tilespmem:s31], [sflag:$0xB], $0x20, s13, s16, $0xb8;
	[tilespmem:$0x10040] =	vst v63  }
0xab: {  	_ =	swait.ge [sflag:s14], $0xA00  }
0xac: {  	[sflag:s14] =	ssyncset.done $0x0  }
0xad: {  	s3 =	simm.s32 @p1 $0x9;
	[sflag:s14] =	ssyncadd.s32 $0xFFFFF600  }
0xae: {  	_ =	swait.ge @p1 [sflag:s3], $0xA00  }
0xaf: {  	[sflag:s3] =	ssyncset.done @p1 $0x0  }
0xb0: {  	[sflag:s3] =	ssyncadd.s32 @p1 $0xFFFFF600;
	s3 =	sadd.s32 @p1 $0x2990, s7;
	s7 =	simm.s32 @p1 $0x9E20  }
0xb1: {  	[spmem:s2] =	stream.indirect.scatter.add.f32 @p1 [tilespmem:s7], [sflag:$0xB], $0x20, s3, s9, $0xb8;
	[tilespmem:$0x10040] =	vst v63  }
0xb2: {  	_ =	swait.ge @p1 [sflag:s8], $0xA00  }
0xb3: {  	[sflag:s8] =	ssyncset.done @p1 $0x0  }
0xb4: {  	s3 =	sadd.s32 @!p1 $0x550, s10;
	s7 =	simm.s32 @!p1 $0x9420;
	[sflag:s8] =	ssyncadd.s32 @p1 $0xFFFFF600  }
0xb5: {  	[tilespmem:s7], [sflag:$0x8] =	stream.indirect.gather @!p1 [hbm4b:s4+s12], $0x20, s3, s12, $0xb8;
	[tilespmem:$0x10040] =	vst v63  }
0xb6: {  	s3 =	simm.s32 @!p1 $0x9  }
0xb7: {  	_ =	swait.ge @!p1 [sflag:s3], $0xA00  }
0xb8: {  	[sflag:s3] =	ssyncset.done @!p1 $0x0  }
0xb9: {  	s7 =	simm.s32 @!p1 $0x9E20;
	[sflag:s3] =	ssyncadd.s32 @!p1 $0xFFFFF600;
	s3 =	sadd.s32 @!p1 $0x2990, s10  }
0xba: {  	[spmem:s2] =	stream.indirect.scatter.add.f32 @!p1 [tilespmem:s7], [sflag:$0xB], $0x20, s3, s12, $0xb8;
	[tilespmem:$0x10040] =	vst v63  }
0xbb: {  	_ =	swait.ge @!p1 [sflag:s11], $0xA00  }
0xbc: {  	[sflag:s11] =	ssyncset.done @!p1 $0x0  }
0xbd: {  	s3 =	sadd.s32 @!p1 $0x5A0, s10;
	[sflag:s11] =	ssyncadd.s32 @!p1 $0xFFFFF600  }
0xbe: {  	[tilespmem:s7], [sflag:$0x9] =	stream.indirect.gather @!p1 [hbm4b:s4+s12], $0x20, s3, s12, $0xb8;
	[tilespmem:$0x10040] =	vst v63  }
0xbf: {  	_ =	swait.ge [sflag:s28], $0xA00  }
0xc0: {  	[sflag:s28] =	ssyncset.done $0x0  }
0xc1: {  	s13 =	sadd.s32 $0x29E0, s6;
	[sflag:s28] =	ssyncadd.s32 $0xFFFFF600  }
0xc2: {  	[spmem:s2] =	stream.indirect.scatter.add.f32 [tilespmem:s18], [sflag:$0xB], $0x20, s13, s16, $0xb8;
	[tilespmem:$0x10040] =	vst v63  }
0xc3: {  	_ =	swait.ge [sflag:s14], $0xA00  }
0xc4: {  	s15 =	sadd.s32 $0xC80, s15;
	[sflag:s14] =	ssyncset.done $0x0  }
0xc5: {  	s6 =	simm.s32 @!p1 $0xA820;
	s3 =	sadd.s32 @!p1 $0x5F0, s10;
	[sflag:s14] =	ssyncadd.s32 $0xFFFFF600  }
0xc6: {  	[tilespmem:s6], [sflag:$0xA] =	stream.indirect.gather @!p1 [hbm4b:s4+s12], $0x20, s3, s12, $0xb8;
	[tilespmem:$0x10040] =	vst v63  }
0xc7: {  	p1 =	sne.s32 s15, $0xA280  }
.Ltmp3:
0xc8: {  	_ = 	snop;
	(pc) =	sbr.rel @p1 .LBB2_2-.Ltmp3, $4  }
.Ltmp4:
0xc9: {  	_ = 	snop;
	(pc) =	sbr.rel @!p1 .LBB2_4-.Ltmp4, $4  }
0xca: {  	_ = 	snop  }
0xcb: {  	_ = 	snop  }
0xcc: {  	s5 =	sadd.s32 $0x1, s5  }
0xcd: {  	_ = 	snop  }
.LBB2_5:
0xce: {  	_ =	sfence.sel $0x180000  }
0xcf: {  	[bflag:$0x0] =	sbarrier.arrive $0xFFFF  }
0xd0: {  	_ =	strace $0x9000004A  }
0xd1: {  	s0 =	stileid.u32;
	[bflag:$0x2] =	sbarrier.arrive $0xFFFF  }
0xd2: {  	p0 =	sne.s32 s0, $0x0;
	s0 =	rddreg [dreg:$0x3]  }
0xd3: {  	s0 =	sadd.s32 @!p0 $0x100000, s0  }
0xd4: {  	[sflag:s0] =	ssyncadd.tile.s32 @!p0 $0x1;
	_ =	shalt  }
.Lfunc_end2:
_tile_overlayer_lowered:
.L_overlay_start_2:
0xd5: {  	(tag) =	ssettag $0x2  }
0xd6: {  	s0 =	rddreg [dreg:$0x0];
	s2 =	stileid.u32  }
0xd7: {  	s1 =	rddreg [dreg:$0x1];
	p0 =	sne.s32 s2, $0x0  }
0xd8: {  	s3 =	rddreg [dreg:$0x2];
	[bflag:$0x3] =	sbarrier.arrive $0xFFFF;
	s2 =	simm.s32 @!p0 $0x1C0B  }
0xd9: {  	[timem:s3], [sflag:s2] =	dma.local @!p0 [hbm:s0], s1  }
0xda: {  	s0 =	simm.s32 @!p0 $0xB  }
0xdb: {  	_ =	swait.ge @!p0 [sflag:s0], s1  }
0xdc: {  	s1 =	ssub.s32 @!p0 $0x0, s1;
	[sflag:s0] =	ssyncset.done @!p0 $0x0  }
0xdd: {  	[sflag:s0] =	ssyncadd.s32 @!p0 s1  }
0xde: {  	[bflag:$0x3] =	sbarrier.arrive $0xFFFF  }
0xdf: {  	_ =	shalt  }

// kernel: kernel.8.cloned.1.call-start
scs
__scs_entry_jumppad:
0x0: {  	(pc) =	sbr.rel $0x88, $3  }
0x1: {  	(tag) =	ssettag $0x0;
	lr =	simm.s32 $0x1  }
0x2: {  	[smem:$0x3F8F] =	sst lr;
	_ =	strace $0xD0000000  }
0x3: {  	_ = 	snop  }
0x4: {  	_ = 	snop  }
0x5: {  	_ = 	snop  }
0x6: {  	_ = 	snop  }
0x7: {  	_ = 	snop  }
__scs_overlays_trampoline_lowered:
0x8: {  	[smem:$0x3F9E] =	sst s0  }
0x9: {  	[smem:$0x3F9F] =	sst s1  }
0xa: {  	[smem:$0x3FA0] =	sst s2  }
0xb: {  	[smem:$0x3FA1] =	sst s3  }
0xc: {  	[smem:$0x3FA2] =	sst s4  }
0xd: {  	[smem:$0x3FA3] =	sst s5  }
0xe: {  	[smem:$0x3FA4] =	sst s6  }
0xf: {  	[smem:$0x3FA5] =	sst s7  }
0x10: {  	[smem:$0x3FA6] =	sst s8  }
0x11: {  	[smem:$0x3FA7] =	sst s9;
	s0 =	simm.s32 @!p0 $0x0  }
0x12: {  	s1 =	sld [smem:$0x3F8D];
	s0 =	simm.s32 @p0 $0x1  }
0x13: {  	[smem:$0x3FA8] =	sst s0;
	s0 =	simm.s32 @!p1 $0x0  }
0x14: {  	s2 =	sld [smem:$0x3F8C];
	s0 =	simm.s32 @p1 $0x1  }
0x15: {  	[smem:$0x3FA9] =	sst s0;
	s0 =	simm.s32 @!p2 $0x0  }
0x16: {  	s3 =	sld [smem:$0x3FDB];
	s0 =	simm.s32 @p2 $0x1  }
0x17: {  	s4 =	simm.s32 $0x1BF5;
	[smem:$0x3FAB] =	sst s0  }
0x18: {  	s0 =	sld [smem:$0x3F8E];
	_ =	swait.ge [sflag:s4], $0x0  }
0x19: {  	s7 =	sld [smem:$0x3F8F]  }
0x1a: {  	s8 =	sadd.s32 $0xFFFFE003, lr  }
0x1b: {  	s9 =	sadd.s32 $0xFFFFFEF7, lr;
	s5 =	simm.s32 $0xFFFFFFFF;
	p2 =	slt.u32 s8, $0xFFFFF086  }
0x1c: {  	p1 =	slt.u32 s9, $0xF7A;
	s5 =	simm.s32 @!p2 $0x0  }
0x1d: {  	s5 =	simm.s32 @p1 $0x1;
	p0 =	seq.s32 s7, s2  }
0x1e: {  	s7 =	smul.u32 @!p0 $0xF7A, s2;
	p2 =	seq.s32 @!p0 s5, $0x0  }
0x1f: {  	s9 =	smul.u32 $0xF7A, s1;
	s8 =	simm.s32 @!p0 $0x1BF5;
	p2 =	por !p2, p0  }
0x20: {  	[sflag:s8] =	ssyncset.s32 @!p0 $0xFFFFF086;
	s6 =	sadd.s32 @!p0 s3, s7;
	s7 =	simm.s32 @!p0 $0x108  }
0x21: {  	s3 =	sadd.s32 s3, s9;
	s6 =	sadd.s32 @!p0 $0x88, s6;
	s7 =	simm.s32 @p2 $0x1082  }
0x22: {  	[simem:s7], [sflag:s8] =	dma.local @!p0 [hbm:s6], $0xF7A  }
0x23: {  	s9 =	sor.u32 $0xD0000000, s2;
	s6 =	simm.s32 $0x108;
	_ =	swait.ge @!p0 [sflag:s8], $0x0  }
0x24: {  	s3 =	sadd.s32 $0x88, s3;
	s6 =	simm.s32 @!p1 $0x1082;
	[sflag:s4] =	ssyncset.s32 $0xFFFFF086  }
0x25: {  	[simem:s6], [sflag:s4] =	dma.local [hbm:s3], $0xF7A  }
0x26: {  	[smem:$0x3F8F] =	sst s1;
	(tag) =	ssettag s2;
	_ =	strace s9  }
0x27: {  	s1 =	sld [smem:$0x3F9F]  }
0x28: {  	s2 =	sld [smem:$0x3FA0]  }
0x29: {  	s4 =	sld [smem:$0x3FA2]  }
0x2a: {  	p0 =	seq.s32 s5, $0x0;
	s5 =	sld [smem:$0x3FA3]  }
0x2b: {  	s6 =	sld [smem:$0x3FA4]  }
0x2c: {  	s7 =	sld [smem:$0x3FA5]  }
0x2d: {  	s3 =	simm.s32 $0x108;
	s8 =	sld [smem:$0x3FA6]  }
0x2e: {  	s3 =	simm.s32 @!p0 $0x1082;
	s9 =	sld [smem:$0x3FA7]  }
0x2f: {  	lr =	sadd.s32 s0, s3;
	s0 =	sld [smem:$0x3F9E]  }
0x30: {  	s3 =	sld [smem:$0x3FA1]  }
0x31: {  	[smem:$0x3FAA] =	sst s10  }
0x32: {  	s10 =	sld [smem:$0x3FA8];
	_ =	sdelay $0x3  }
0x33: {  	p0 =	seq.s32 s10, $0x1;
	s10 =	sld [smem:$0x3FAA];
	_ =	sdelay $0x3  }
0x34: {  	[smem:$0x3FAA] =	sst s10  }
0x35: {  	s10 =	sld [smem:$0x3FA9];
	_ =	sdelay $0x3  }
0x36: {  	p1 =	seq.s32 s10, $0x1;
	s10 =	sld [smem:$0x3FAA];
	_ =	sdelay $0x3  }
0x37: {  	[smem:$0x3FAA] =	sst s10  }
0x38: {  	s10 =	sld [smem:$0x3FAB]  }
0x39: {  	_ = 	snop;
	(pc) =	sbr.ind lr, $3  }
0x3a: {  	_ = 	snop  }
0x3b: {  	_ = 	snop  }
0x3c: {  	p2 =	seq.s32 s10, $0x1;
	s10 =	sld [smem:$0x3FAA]  }
0x3d: {  	_ =	shalt  }
0x3e: {  	_ =	shalt  }
0x3f: {  	_ =	shalt  }
0x40: {  	_ =	shalt  }
0x41: {  	_ =	shalt  }
0x42: {  	_ =	shalt  }
0x43: {  	_ =	shalt  }
0x44: {  	_ =	shalt  }
0x45: {  	_ =	shalt  }
0x46: {  	_ =	shalt  }
0x47: {  	_ =	shalt  }
0x48: {  	_ =	shalt  }
0x49: {  	_ =	shalt  }
0x4a: {  	_ =	shalt  }
0x4b: {  	_ =	shalt  }
0x4c: {  	_ =	shalt  }
0x4d: {  	_ =	shalt  }
0x4e: {  	_ =	shalt  }
0x4f: {  	_ =	shalt  }
0x50: {  	_ =	shalt  }
0x51: {  	_ =	shalt  }
0x52: {  	_ =	shalt  }
0x53: {  	_ =	shalt  }
0x54: {  	_ =	shalt  }
0x55: {  	_ =	shalt  }
0x56: {  	_ =	shalt  }
0x57: {  	_ =	shalt  }
0x58: {  	_ =	shalt  }
0x59: {  	_ =	shalt  }
0x5a: {  	_ =	shalt  }
0x5b: {  	_ =	shalt  }
0x5c: {  	_ =	shalt  }
0x5d: {  	_ =	shalt  }
0x5e: {  	_ =	shalt  }
0x5f: {  	_ =	shalt  }
0x60: {  	_ =	shalt  }
0x61: {  	_ =	shalt  }
0x62: {  	_ =	shalt  }
0x63: {  	_ =	shalt  }
0x64: {  	_ =	shalt  }
0x65: {  	_ =	shalt  }
0x66: {  	_ =	shalt  }
0x67: {  	_ =	shalt  }
0x68: {  	_ =	shalt  }
0x69: {  	_ =	shalt  }
0x6a: {  	_ =	shalt  }
0x6b: {  	_ =	shalt  }
0x6c: {  	_ =	shalt  }
0x6d: {  	_ =	shalt  }
0x6e: {  	_ =	shalt  }
0x6f: {  	_ =	shalt  }
0x70: {  	_ =	shalt  }
0x71: {  	_ =	shalt  }
0x72: {  	_ =	shalt  }
0x73: {  	_ =	shalt  }
0x74: {  	_ =	shalt  }
0x75: {  	_ =	shalt  }
0x76: {  	_ =	shalt  }
0x77: {  	_ =	shalt  }
0x78: {  	_ =	shalt  }
0x79: {  	_ =	shalt  }
0x7a: {  	_ =	shalt  }
0x7b: {  	_ =	shalt  }
0x7c: {  	_ =	shalt  }
0x7d: {  	_ =	shalt  }
0x7e: {  	_ =	shalt  }
0x7f: {  	_ =	shalt  }
0x80: {  	_ =	shalt  }
0x81: {  	_ =	shalt  }
0x82: {  	_ =	shalt  }
0x83: {  	_ =	shalt  }
0x84: {  	_ =	shalt  }
0x85: {  	_ =	shalt  }
0x86: {  	_ =	shalt  }
0x87: {  	_ =	shalt  }
.Lfunc_end0:
.L_simem_size_0:
called_computation_lowered:
.L_overlay_start_0:
0x88: {  	s2 =	sld [smem:$0x3FD9]  }
0x89: {  	s3 =	sld [smem:$0x3FFE];
	_ =	sdelay $0x1  }
0x8a: {  	s1 =	srdreg.scid  }
0x8b: {  	s0 =	sand.u32 $0x1, s1  }
0x8c: {  	s14 =	sshll.u32 s0, $0xA;
	s2 =	sadd.s32 s3, s2  }
0x8d: {  	s2 =	sadd.s32 s2, s14  }
0x8e: {  	[smem:$0x3FB6] =	sst s2  }
0x8f: {  	_ = 	snop  }
0x90: {  	s2 =	sld [smem:$0x3FD0];
	_ =	sdelay $0x2  }
0x91: {  	s15 =	simm.s32 $0xA;
	s4 =	simm.s32 $0x10  }
0x92: {  	[smem:s4], [sflag:s15] =	dma.local [hbm:s2], $0x1  }
0x93: {  	_ =	swait.eq [sflag:s15], $0x1  }
0x94: {  	[sflag:s15] =	ssyncset.done $0x0  }
0x95: {  	s16 =	sld [smem:$0x10];
	[sflag:s15] =	ssyncadd.s32 $0xFFFFFFFF  }
0x96: {  	s17 =	sld [smem:$0x11];
	(tm) =	ssettm $0x1  }
0x97: {  	s18 =	sld [smem:$0x3FFB];
	_ =	sdelay $0x3  }
0x98: {  	_ =	strace s18  }
0x99: {  	s4 =	sld [smem:$0x3FFC];
	_ =	sdelay $0x3  }
0x9a: {  	_ =	strace s4  }
0x9b: {  	s4 =	sld [smem:$0x3FFD];
	_ =	sdelay $0x3  }
0x9c: {  	_ =	strace s4  }
0x9d: {  	_ =	strace $0x8FFFFFFF  }
0x9e: {  	s19 =	sld [smem:$0x3FDB];
	_ =	sdelay $0x1  }
0x9f: {  	s5 =	simm.s32 $_scs_section_size  }
0xa0: {  	s6 =	simm.s32 $_size__tile_overlayer_lowered;
	s7 =	simm.s32 $_tile_overlayer_lowered  }
0xa1: {  	s22 =	simm.s32 $0x1BFF;
	s21 =	sshll.u32 s7, $0x1;
	s4 =	sadd.s32 s5, s19  }
0xa2: {  	s8 =	simm.s32 $0x0;
	s20 =	sshll.u32 s6, $0x1;
	s6 =	sadd.s32 s21, s4  }
0xa3: {  	[timem:s8], [sflag:s22] =	dma.local [hbm:s6], s20  }
0xa4: {  	_ =	swait.ge [sflag:s22], s20  }
0xa5: {  	s5 =	ssub.s32 $0x0, s20;
	[sflag:s22] =	ssyncset.done $0x0  }
0xa6: {  	[sflag:s22] =	ssyncadd.s32 s5;
	_ =	sdelay $0x1  }
0xa7: {  	s23 =	simm.s32 $0x1B8B  }
0xa8: {  	_ =	swait.ge [sflag:s23], $0x1  }
0xa9: {  	[sflag:s23] =	ssyncset.done $0x0  }
0xaa: {  	s25 =	simm.s32 $0x1B8E;
	s24 =	sld [smem:$0x3FFE];
	[sflag:s23] =	ssyncadd.s32 $0xFFFFFFFF  }
0xab: {  	s26 =	simm.s32 $execute0_lowered;
	[smem:$0x3FD2] =	sst s25  }
0xac: {  	s6 =	sshll.u32 s26, $0x1;
	_ =	strace $0x80000046;
	[dreg:$0x1] =	wrdreg $0xFFFFFFFF  }
0xad: {  	s28 =	simm.s32 $_size_execute0_lowered;
	s4 =	sadd.s32 s4, s6;
	[dreg:$0x0] =	wrdreg $0x0  }
0xae: {  	s6 =	sshll.u32 s28, $0x1;
	[dreg:$0x2] =	wrdreg s4  }
0xaf: {  	[dreg:$0x3] =	wrdreg s6  }
0xb0: {  	[dreg:$0x4] =	wrdreg $0xC0  }
0xb1: {  	_ =	task [dreg:s8], $0x5FFFF  }
0xb2: {  	[dreg:$0x1] =	wrdreg $0xFFFFFFFF  }
0xb3: {  	[dreg:$0x0] =	wrdreg $0x60  }
0xb4: {  	[dreg:$0x2] =	wrdreg s17  }
0xb5: {  	[dreg:$0x3] =	wrdreg s24  }
0xb6: {  	[dreg:$0x4] =	wrdreg s16  }
0xb7: {  	[dreg:$0x5] =	wrdreg $0x11B200  }
0xb8: {  	[dreg:$0x6] =	wrdreg $0x1B7600  }
0xb9: {  	[dreg:$0x7] =	wrdreg $0x9  }
0xba: {  	_ =	task.clear_ibuf [dreg:s8], $0x8FFFF;
	_ =	strace $0x90000046  }
0xbb: {  	s29 =	simm.s32 $0x9;
	_ =	strace $0x80000048  }
0xbc: {  	_ =	swait.ge [sflag:s29], $0x1  }
0xbd: {  	[sflag:s29] =	ssyncadd.s32 $0xFFFFFFFF  }
0xbe: {  	_ =	strace $0x90000048  }
0xbf: {  	_ =	sfence  }
0xc0: {  	s30 =	sld [smem:$0x0];
	_ =	sdelay $0x2  }
0xc1: {  	s31 =	sshll.u32 s1, $0xD;
	s1 =	sshrl.u32 s1, $0x2  }
0xc2: {  	s3 =	sand.u32 $0x4000, s31;
	s1 =	sadd.s32 s1, s30  }
0xc3: {  	s0 =	sor.u32 s3, s0;
	s1 =	sshll.u32 s1, $0x11  }
0xc4: {  	s0 =	sor.u32 s1, s0  }
0xc5: {  	s0 =	sadd.s32 $0x8F2B, s0  }
0xc6: {  	[sflag:s0] =	ssyncadd.remote.s32 $0x1  }
0xc7: {  	_ =	sfence.sel $0xFFFF  }
0xc8: {  	[dreg:$0x0] =	wrdreg $0xFFFFFFFF;
	(pc) =	sbr.abs _section_cstart, $3  }
0xc9: {  	[dreg:$0x1] =	wrdreg $0xFFFFFFFF  }
0xca: {  	_ =	task.clear_ibuf [dreg:s8], $0x2FFFF;
	_ =	strace $0x9FFFFFFF  }
0xcb: {  	(tm) =	ssettm $0x7FFFFFFF  }
tec
execute0_lowered:
.L_overlay_start_1:
0x0: {  	(tag) =	ssettag $0x1  }
0x1: {  	s0 =	rddreg [dreg:$0x0]  }
0x2: {  	s2 =	rddreg [dreg:$0x1]  }
0x3: {  	s1 =	srdreg.scid;
	s6 =	rddreg [dreg:$0x2]  }
0x4: {  	s15 =	stileid.u32;
	s3 =	rddreg [dreg:$0x3];
	s24 =	simm.s32 $0x0  }
0x5: {  	s29 =	simm.s32 $0x7620;
	s31 =	simm.s32 $0x8A20;
	s30 =	simm.s32 $0x11620  }
0x6: {  	s28 =	simm.s32 $0x3;
	s1 =	sand.u32 $0x1, s1;
	s8 =	smul.u32 $0x9C00, s15  }
0x7: {  	[smem:$0x7FF] =	sst s24;
	s9 =	smul.u32 $0x2700, s15;
	s25 =	sadd.s32 $0x2EE00, s2  }
0x8: {  	s14 =	sadd.s32 $0x2F000, s2;
	s20 =	sadd.s32 $0x9C000, s3;
	s21 =	sadd.s32 $0x29C00, s2  }
0x9: {  	p0 =	sne.s32 s15, $0xF;
	s4 =	sshll.u32 s1, $0x4;
	s12 =	ssub.s32 $0x2, s1  }
0xa: {  	s5 =	sor.u32 s15, s4;
	s4 =	rddreg [dreg:$0x4];
	_ =	strace $0x80000047  }
0xb: {  	s10 =	sshrl.u32 s8, $0x3;
	s11 =	sshrl.u32 s9, $0x3;
	[dreg:$0x6] =	wrdreg s25  }
0xc: {  	s13 =	sshrl.u32 s12, $0x1;
	s16 =	sadd.s32 s8, s3;
	[dreg:$0xd] =	wrdreg s20  }
0xd: {  	[dreg:$0xe] =	wrdreg s21;
	s7 =	smul.u32 $0x4E2, s5;
	s10 =	sadd.s32 s10, s2  }
0xe: {  	s11 =	sadd.s32 s11, s2;
	[dreg:$0x9] =	wrdreg s16;
	s18 =	sadd.s32 s9, s4  }
0xf: {  	s12 =	ssub.s32 s12, s13;
	s22 =	sadd.s32 $0x27000, s4;
	[dreg:$0xb] =	wrdreg s18  }
0x10: {  	s13 =	smul.u32 $0x9C400, s1;
	s17 =	sadd.s32 $0x16400, s10;
	[dreg:$0xf] =	wrdreg s22  }
0x11: {  	s1 =	smul.u32 $0x27100, s1;
	s19 =	sadd.s32 $0x29E00, s11;
	[dreg:$0xa] =	wrdreg s17  }
0x12: {  	s22 =	simm.s32 $0xB;
	s7 =	sadd.s32 s7, s2;
	[dreg:$0xc] =	wrdreg s19  }
0x13: {  	s8 =	sadd.s32 s8, s13;
	s2 =	sadd.s32 $0x2EC00, s2;
	s24 =	sadd.s32 s9, s1  }
0x14: {  	s1 =	sshrl.u32 s1, $0x3;
	s26 =	sadd.s32 $0xC600, s7;
	s7 =	sadd.s32 $0x2800, s7  }
0x15: {  	s8 =	sshrl.u32 s8, $0x3;
	[dreg:$0x10] =	wrdreg s2;
	s2 =	sshrl.u32 s24, $0x3  }
0x16: {  	s1 =	sadd.s32 s6, s1;
	s24 =	simm.s32 $0x50;
	[dreg:$0x7] =	wrdreg s26  }
0x17: {  	[dreg:$0x8] =	wrdreg s7;
	s23 =	sadd.s32 s14, s8;
	s7 =	sshrl.u32 s13, $0x3  }
0x18: {  	s2 =	sadd.s32 s6, s2;
	s1 =	sadd.s32 $0x4E00, s1;
	[dreg:$0x11] =	wrdreg s23  }
0x19: {  	s26 =	smax.u32 s12, $0x1;
	s6 =	simm.s32 $0x4;
	[dreg:$0x12] =	wrdreg s2  }
0x1a: {  	s8 =	simm.s32 $0x0;
	s7 =	sadd.s32 s14, s7;
	[dreg:$0x14] =	wrdreg s1  }
0x1b: {  	[dreg:$0x15] =	wrdreg s26;
	s26 =	simm.s32 $0x6220;
	s1 =	simm.s32 $0x9E20  }
0x1c: {  	s2 =	simm.s32 $0x1;
	s23 =	simm.s32 $0x2;
	s25 =	sadd.s32 $0x13800, s7  }
0x1d: {  	s7 =	simm.s32 $0x5;
	[dreg:$0x13] =	wrdreg s25;
	s25 =	simm.s32 $0x4E20  }
.LBB2_1:
0x1e: {  	s5 =	simm.s32 $0x0;
	s9 =	rddreg [dreg:$0x7]  }
0x1f: {  	[tilespmem:s5], [sflag:$0xB] =	stream.linear.gather [hbm4b:s9+s5], $0x2710, $0x38;
	[tilespmem:$0x1DE70] =	vst v63  }
0x20: {  	_ =	swait.ge [sflag:s22], $0x2710  }
0x21: {  	[sflag:s22] =	ssyncset.done $0x0  }
0x22: {  	s10 =	simm.s32 $0x2710;
	s12 =	rddreg [dreg:$0x8];
	[sflag:s22] =	ssyncadd.s32 $0xFFFFD8F0  }
0x23: {  	[tilespmem:s10], [sflag:$0xB] =	stream.linear.gather [hbm4b:s12+s5], $0x2710, $0x38;
	[tilespmem:$0x1DE70] =	vst v63  }
0x24: {  	_ =	swait.ge [sflag:s22], $0x2710  }
0x25: {  	[sflag:s22] =	ssyncset.done $0x0  }
0x26: {  	[sflag:s22] =	ssyncadd.s32 $0xFFFFD8F0  }
0x27: {  	[tilespmem:s25], [sflag:$0x1] =	stream.indirect.gather [hbm4b:s0+s24], $0x40, s5, s24, $0xb8;
	[tilespmem:$0x1DE70] =	vst v63  }
0x28: {  	_ = 	snop  }
0x29: {  	[tilespmem:s26], [sflag:$0x2] =	stream.indirect.gather [hbm4b:s0+s24], $0x40, s24, s24, $0xb8;
	[tilespmem:$0x1DE70] =	vst v63  }
0x2a: {  	s13 =	simm.s32 $0xA0  }
0x2b: {  	[tilespmem:s29], [sflag:$0x3] =	stream.indirect.gather [hbm4b:s0+s24], $0x40, s13, s24, $0xb8;
	[tilespmem:$0x1DE70] =	vst v63  }
0x2c: {  	s14 =	simm.s32 $0xF0  }
0x2d: {  	[tilespmem:s31], [sflag:$0x4] =	stream.indirect.gather [hbm4b:s0+s24], $0x40, s14, s24, $0xb8;
	[tilespmem:$0x1DE70] =	vst v63  }
0x2e: {  	s15 =	simm.s32 $0x140  }
0x2f: {  	[tilespmem:s1], [sflag:$0x5] =	stream.indirect.gather [hbm4b:s0+s24], $0x40, s15, s24, $0xb8;
	[tilespmem:$0x1DE70] =	vst v63  }
0x30: {  	s16 =	simm.s32 $0x190;
	s17 =	simm.s32 $0xB220  }
0x31: {  	[tilespmem:s17], [sflag:$0x6] =	stream.indirect.gather [hbm4b:s0+s24], $0x40, s16, s24, $0xb8;
	[tilespmem:$0x1DE70] =	vst v63  }
0x32: {  	s18 =	simm.s32 $0x1E0;
	s19 =	simm.s32 $0xC620  }
0x33: {  	[tilespmem:s19], [sflag:$0x7] =	stream.indirect.gather [hbm4b:s0+s24], $0x40, s18, s24, $0xb8;
	[tilespmem:$0x1DE70] =	vst v63  }
0x34: {  	s20 =	simm.s32 $0x230;
	s21 =	simm.s32 $0xDA20  }
0x35: {  	[tilespmem:s21], [sflag:$0x8] =	stream.indirect.gather [hbm4b:s0+s24], $0x40, s20, s24, $0xb8;
	[tilespmem:$0x1DE70] =	vst v63  }
0x36: {  	s11 =	simm.s32 $0xEE20;
	s10 =	simm.s32 $0x280  }
0x37: {  	[tilespmem:s11], [sflag:$0x9] =	stream.indirect.gather [hbm4b:s0+s24], $0x40, s10, s24, $0xb8;
	[tilespmem:$0x1DE70] =	vst v63  }
0x38: {  	s12 =	simm.s32 $0x2D0;
	s13 =	simm.s32 $0x10220  }
0x39: {  	[tilespmem:s13], [sflag:$0xA] =	stream.indirect.gather [hbm4b:s0+s24], $0x40, s12, s24, $0xb8;
	[tilespmem:$0x1DE70] =	vst v63  }
0x3a: {  	s14 =	rddreg [dreg:$0x6]  }
0x3b: {  	[tilespmem:s30], [sflag:$0xB] =	stream.linear.gather [hbm4b:s14+s5], $0x500, $0x38;
	[tilespmem:$0x1DE70] =	vst v63  }
0x3c: {  	s15 =	stileid.u32;
	_ =	swait.ge [sflag:s22], $0x500  }
0x3d: {  	s16 =	sshll.u32 s15, $0x6;
	s17 =	rddreg [dreg:$0x9]  }
0x3e: {  	[sflag:s22] =	ssyncset.done $0x0;
	s19 =	rddreg [dreg:$0xa];
	s18 =	sshrl.u32 s17, $0x3  }
0x3f: {  	s9 =	sor.u32 $0x1C0B, s16;
	[sflag:s22] =	ssyncadd.s32 $0xFFFFFB00;
	[dreg:$0x16] =	wrdreg s18  }
0x40: {  	[spmem:s18], [sflag:s9] =	dma.local [hbm:s19], $0x1380  }
0x41: {  	_ =	swait.ge [sflag:s22], $0x1380  }
0x42: {  	[sflag:s22] =	ssyncset.done $0x0;
	s20 =	rddreg [dreg:$0xb]  }
0x43: {  	s21 =	rddreg [dreg:$0xc];
	[sflag:s22] =	ssyncadd.s32 $0xFFFFEC80;
	s11 =	sshrl.u32 s20, $0x3  }
0x44: {  	[spmem:s11], [sflag:s9] =	dma.local [hbm:s21], $0x4E0  }
0x45: {  	_ =	swait.ge [sflag:s22], $0x4E0  }
0x46: {  	s14 =	simm.s32 @!p0 $0xB;
	[sflag:s22] =	ssyncset.done $0x0;
	s5 =	rddreg [dreg:$0xd]  }
0x47: {  	[sflag:s22] =	ssyncadd.s32 $0xFFFFFB20;
	s12 =	sshrl.u32 @!p0 s5, $0x3;
	s5 =	rddreg [dreg:$0xe]  }
0x48: {  	[spmem:s12], [sflag:s9] =	dma.local @!p0 [hbm:s5], $0x80  }
0x49: {  	_ =	swait.ge @!p0 [sflag:s14], $0x80  }
0x4a: {  	[sflag:s14] =	ssyncset.done @!p0 $0x0;
	s5 =	rddreg [dreg:$0xf]  }
0x4b: {  	[sflag:s14] =	ssyncadd.s32 @!p0 $0xFFFFFF80;
	s13 =	sshrl.u32 @!p0 s5, $0x3;
	s5 =	rddreg [dreg:$0x10]  }
0x4c: {  	[spmem:s13], [sflag:s9] =	dma.local @!p0 [hbm:s5], $0x20  }
0x4d: {  	_ =	swait.ge @!p0 [sflag:s14], $0x20  }
0x4e: {  	[sflag:s14] =	ssyncset.done @!p0 $0x0  }
0x4f: {  	[sflag:s14] =	ssyncadd.s32 @!p0 $0xFFFFFFE0  }
0x50: {  	s15 =	simm.s32 $0x0;
	s14 =	simm.s32 $0x0;
	[bflag:$0x0] =	sbarrier.arrive $0xFFFF  }
.LBB2_2:
0x51: {  	_ =	swait.ge [sflag:s2], $0x1400  }
0x52: {  	s18 =	sshra.s32 s14, $0x2;
	[sflag:s2] =	ssyncset.done $0x0  }
0x53: {  	s16 =	sadd.s32 $0x2710, s18;
	[sflag:s2] =	ssyncadd.s32 $0xFFFFEC00  }
0x54: {  	[spmem:s3] =	stream.indirect.scatter.add.f32 [tilespmem:s25], [sflag:$0xB], $0x40, s16, s24, $0xb8;
	[tilespmem:$0x1DE70] =	vst v63  }
0x55: {  	_ =	swait.ge [sflag:s22], $0x1400  }
0x56: {  	[sflag:s22] =	ssyncset.done $0x0  }
0x57: {  	[sflag:s22] =	ssyncadd.s32 $0xFFFFEC00  }
0x58: {  	[spmem:s4] =	stream.indirect.scatter.add.f32 [tilespmem:s30], [sflag:$0xB], $0x10, s16, s24, $0xb8;
	[tilespmem:$0x1DE70] =	vst v63  }
0x59: {  	p1 =	seq.s32 s14, $0x9600;
	_ =	swait.ge [sflag:s22], $0x500  }
0x5a: {  	s17 =	sshra.s32 @!p1 s14, $0x2;
	s20 =	simm.s32 @!p1 $0x4E20;
	[sflag:s22] =	ssyncset.done $0x0  }
0x5b: {  	s19 =	sadd.s32 @!p1 $0x320, s17;
	s16 =	simm.s32 @!p1 $0x50;
	[sflag:s22] =	ssyncadd.s32 $0xFFFFFB00  }
0x5c: {  	[tilespmem:s20], [sflag:$0x1] =	stream.indirect.gather @!p1 [hbm4b:s0+s16], $0x40, s19, s16, $0xb8;
	[tilespmem:$0x1DE70] =	vst v63  }
0x5d: {  	s19 =	sadd.s32 @!p1 $0x140, s14  }
0x5e: {  	s19 =	simm.s32 @p1 $0x9740;
	_ =	swait.ge [sflag:s23], $0x1400  }
0x5f: {  	[sflag:s23] =	ssyncset.done $0x0;
	s19 =	sshra.s32 s19, $0x2  }
0x60: {  	[sflag:s23] =	ssyncadd.s32 $0xFFFFEC00;
	s19 =	sadd.s32 $0x2710, s19  }
0x61: {  	[spmem:s3] =	stream.indirect.scatter.add.f32 [tilespmem:s26], [sflag:$0xB], $0x40, s19, s24, $0xb8;
	[tilespmem:$0x1DE70] =	vst v63  }
0x62: {  	_ =	swait.ge [sflag:s22], $0x1400  }
0x63: {  	[sflag:s22] =	ssyncset.done $0x0  }
0x64: {  	[sflag:s22] =	ssyncadd.s32 $0xFFFFEC00  }
0x65: {  	[spmem:s4] =	stream.indirect.scatter.add.f32 [tilespmem:s30], [sflag:$0xB], $0x10, s19, s24, $0xb8;
	[tilespmem:$0x1DE70] =	vst v63  }
0x66: {  	_ =	swait.ge [sflag:s22], $0x500  }
0x67: {  	[sflag:s22] =	ssyncset.done $0x0  }
0x68: {  	s20 =	simm.s32 @!p1 $0x6220;
	s19 =	sadd.s32 @!p1 $0x370, s17;
	[sflag:s22] =	ssyncadd.s32 $0xFFFFFB00  }
0x69: {  	[tilespmem:s20], [sflag:$0x2] =	stream.indirect.gather @!p1 [hbm4b:s0+s16], $0x40, s19, s16, $0xb8;
	[tilespmem:$0x1DE70] =	vst v63  }
0x6a: {  	_ =	swait.ge [sflag:s28], $0x1400  }
0x6b: {  	[sflag:s28] =	ssyncset.done $0x0  }
0x6c: {  	s20 =	sadd.s32 $0x27B0, s18;
	[sflag:s28] =	ssyncadd.s32 $0xFFFFEC00  }
0x6d: {  	[spmem:s3] =	stream.indirect.scatter.add.f32 [tilespmem:s29], [sflag:$0xB], $0x40, s20, s24, $0xb8;
	[tilespmem:$0x1DE70] =	vst v63  }
0x6e: {  	_ =	swait.ge [sflag:s22], $0x1400  }
0x6f: {  	[sflag:s22] =	ssyncset.done $0x0  }
0x70: {  	[sflag:s22] =	ssyncadd.s32 $0xFFFFEC00  }
0x71: {  	[spmem:s4] =	stream.indirect.scatter.add.f32 [tilespmem:s30], [sflag:$0xB], $0x10, s20, s24, $0xb8;
	[tilespmem:$0x1DE70] =	vst v63  }
0x72: {  	_ =	swait.ge [sflag:s22], $0x500  }
0x73: {  	[sflag:s22] =	ssyncset.done $0x0  }
0x74: {  	s19 =	sadd.s32 @!p1 $0x3C0, s17;
	s20 =	simm.s32 @!p1 $0x7620;
	[sflag:s22] =	ssyncadd.s32 $0xFFFFFB00  }
0x75: {  	[tilespmem:s20], [sflag:$0x3] =	stream.indirect.gather @!p1 [hbm4b:s0+s16], $0x40, s19, s16, $0xb8;
	[tilespmem:$0x1DE70] =	vst v63  }
0x76: {  	_ =	swait.ge [sflag:s6], $0x1400  }
0x77: {  	[sflag:s6] =	ssyncset.done $0x0  }
0x78: {  	s21 =	sadd.s32 $0x2800, s18;
	[sflag:s6] =	ssyncadd.s32 $0xFFFFEC00  }
0x79: {  	[spmem:s3] =	stream.indirect.scatter.add.f32 [tilespmem:s31], [sflag:$0xB], $0x40, s21, s24, $0xb8;
	[tilespmem:$0x1DE70] =	vst v63  }
0x7a: {  	_ =	swait.ge [sflag:s22], $0x1400  }
0x7b: {  	[sflag:s22] =	ssyncset.done $0x0  }
0x7c: {  	[sflag:s22] =	ssyncadd.s32 $0xFFFFEC00  }
0x7d: {  	[spmem:s4] =	stream.indirect.scatter.add.f32 [tilespmem:s30], [sflag:$0xB], $0x10, s21, s24, $0xb8;
	[tilespmem:$0x1DE70] =	vst v63  }
0x7e: {  	_ =	swait.ge [sflag:s22], $0x500  }
0x7f: {  	[sflag:s22] =	ssyncset.done $0x0  }
0x80: {  	s19 =	sadd.s32 @!p1 $0x410, s17;
	s20 =	simm.s32 @!p1 $0x8A20;
	[sflag:s22] =	ssyncadd.s32 $0xFFFFFB00  }
0x81: {  	[tilespmem:s20], [sflag:$0x4] =	stream.indirect.gather @!p1 [hbm4b:s0+s16], $0x40, s19, s16, $0xb8;
	[tilespmem:$0x1DE70] =	vst v63  }
0x82: {  	_ =	swait.ge [sflag:s7], $0x1400  }
0x83: {  	[sflag:s7] =	ssyncset.done $0x0  }
0x84: {  	s18 =	sadd.s32 $0x2850, s18;
	[sflag:s7] =	ssyncadd.s32 $0xFFFFEC00  }
0x85: {  	[spmem:s3] =	stream.indirect.scatter.add.f32 [tilespmem:s1], [sflag:$0xB], $0x40, s18, s24, $0xb8;
	[tilespmem:$0x1DE70] =	vst v63  }
0x86: {  	_ =	swait.ge [sflag:s22], $0x1400  }
0x87: {  	[sflag:s22] =	ssyncset.done $0x0  }
0x88: {  	[sflag:s22] =	ssyncadd.s32 $0xFFFFEC00  }
0x89: {  	[spmem:s4] =	stream.indirect.scatter.add.f32 [tilespmem:s30], [sflag:$0xB], $0x10, s18, s24, $0xb8;
	[tilespmem:$0x1DE70] =	vst v63  }
0x8a: {  	_ =	swait.ge [sflag:s22], $0x500  }
0x8b: {  	[sflag:s22] =	ssyncset.done $0x0  }
0x8c: {  	s19 =	simm.s32 @!p1 $0x9E20;
	s18 =	sadd.s32 @!p1 $0x460, s17;
	[sflag:s22] =	ssyncadd.s32 $0xFFFFFB00  }
0x8d: {  	[tilespmem:s19], [sflag:$0x5] =	stream.indirect.gather @!p1 [hbm4b:s0+s16], $0x40, s18, s16, $0xb8;
	[tilespmem:$0x1DE70] =	vst v63  }
0x8e: {  	s18 =	simm.s32 @!p1 $0x6  }
0x8f: {  	_ =	swait.ge @!p1 [sflag:s18], $0x1400  }
0x90: {  	[sflag:s18] =	ssyncset.done @!p1 $0x0  }
0x91: {  	s20 =	sadd.s32 @!p1 $0x28A0, s17;
	[sflag:s18] =	ssyncadd.s32 @!p1 $0xFFFFEC00;
	s18 =	simm.s32 @!p1 $0xB220  }
0x92: {  	[spmem:s3] =	stream.indirect.scatter.add.f32 @!p1 [tilespmem:s18], [sflag:$0xB], $0x40, s20, s16, $0xb8;
	[tilespmem:$0x1DE70] =	vst v63  }
0x93: {  	s18 =	simm.s32 @!p1 $0xB  }
0x94: {  	_ =	swait.ge @!p1 [sflag:s18], $0x1400  }
0x95: {  	[sflag:s18] =	ssyncset.done @!p1 $0x0  }
0x96: {  	p2 =	sgt.u32 @!p1 s15, $0xA;
	s19 =	simm.s32 @!p1 $0x11620;
	[sflag:s18] =	ssyncadd.s32 @!p1 $0xFFFFEC00  }
0x97: {  	[spmem:s4] =	stream.indirect.scatter.add.f32 @!p1 [tilespmem:s19], [sflag:$0xB], $0x10, s20, s16, $0xb8;
	[tilespmem:$0x1DE70] =	vst v63  }
0x98: {  	p2 =	por p2, p1;
	_ =	swait.ge @!p1 [sflag:s18], $0x500  }
0x99: {  	s10 =	simm.s32 @!p2 $0xB220;
	s20 =	sshra.s32 @!p2 s14, $0x2;
	[sflag:s18] =	ssyncset.done @!p1 $0x0  }
0x9a: {  	s21 =	simm.s32 @!p2 $0x50;
	s5 =	sadd.s32 @!p2 $0x4B0, s20;
	[sflag:s18] =	ssyncadd.s32 @!p1 $0xFFFFFB00  }
0x9b: {  	[tilespmem:s10], [sflag:$0x6] =	stream.indirect.gather @!p2 [hbm4b:s0+s21], $0x40, s5, s21, $0xb8;
	[tilespmem:$0x1DE70] =	vst v63  }
0x9c: {  	s5 =	simm.s32 @!p1 $0x7  }
0x9d: {  	_ =	swait.ge @!p1 [sflag:s5], $0x1400  }
0x9e: {  	[sflag:s5] =	ssyncset.done @!p1 $0x0  }
0x9f: {  	s10 =	simm.s32 @!p1 $0xC620;
	[sflag:s5] =	ssyncadd.s32 @!p1 $0xFFFFEC00;
	s5 =	sadd.s32 @!p1 $0x28F0, s17  }
0xa0: {  	[spmem:s3] =	stream.indirect.scatter.add.f32 @!p1 [tilespmem:s10], [sflag:$0xB], $0x40, s5, s16, $0xb8;
	[tilespmem:$0x1DE70] =	vst v63  }
0xa1: {  	_ =	swait.ge @!p1 [sflag:s18], $0x1400  }
0xa2: {  	[sflag:s18] =	ssyncset.done @!p1 $0x0  }
0xa3: {  	[sflag:s18] =	ssyncadd.s32 @!p1 $0xFFFFEC00  }
0xa4: {  	[spmem:s4] =	stream.indirect.scatter.add.f32 @!p1 [tilespmem:s19], [sflag:$0xB], $0x10, s5, s16, $0xb8;
	[tilespmem:$0x1DE70] =	vst v63  }
0xa5: {  	_ =	swait.ge @!p1 [sflag:s18], $0x500  }
0xa6: {  	[sflag:s18] =	ssyncset.done @!p1 $0x0  }
0xa7: {  	s10 =	simm.s32 @!p2 $0xC620;
	s5 =	sadd.s32 @!p2 $0x500, s20;
	[sflag:s18] =	ssyncadd.s32 @!p1 $0xFFFFFB00  }
0xa8: {  	[tilespmem:s10], [sflag:$0x7] =	stream.indirect.gather @!p2 [hbm4b:s0+s21], $0x40, s5, s21, $0xb8;
	[tilespmem:$0x1DE70] =	vst v63  }
0xa9: {  	s5 =	simm.s32 @!p1 $0x8  }
0xaa: {  	_ =	swait.ge @!p1 [sflag:s5], $0x1400  }
0xab: {  	[sflag:s5] =	ssyncset.done @!p1 $0x0  }
0xac: {  	s10 =	simm.s32 @!p1 $0xDA20;
	[sflag:s5] =	ssyncadd.s32 @!p1 $0xFFFFEC00;
	s5 =	sadd.s32 @!p1 $0x2940, s17  }
0xad: {  	[spmem:s3] =	stream.indirect.scatter.add.f32 @!p1 [tilespmem:s10], [sflag:$0xB], $0x40, s5, s16, $0xb8;
	[tilespmem:$0x1DE70] =	vst v63  }
0xae: {  	_ =	swait.ge @!p1 [sflag:s18], $0x1400  }
0xaf: {  	[sflag:s18] =	ssyncset.done @!p1 $0x0  }
0xb0: {  	[sflag:s18] =	ssyncadd.s32 @!p1 $0xFFFFEC00  }
0xb1: {  	[spmem:s4] =	stream.indirect.scatter.add.f32 @!p1 [tilespmem:s19], [sflag:$0xB], $0x10, s5, s16, $0xb8;
	[tilespmem:$0x1DE70] =	vst v63  }
0xb2: {  	_ =	swait.ge @!p1 [sflag:s18], $0x500  }
0xb3: {  	[sflag:s18] =	ssyncset.done @!p1 $0x0  }
0xb4: {  	s10 =	simm.s32 @!p2 $0xDA20;
	s5 =	sadd.s32 @!p2 $0x550, s20;
	[sflag:s18] =	ssyncadd.s32 @!p1 $0xFFFFFB00  }
0xb5: {  	[tilespmem:s10], [sflag:$0x8] =	stream.indirect.gather @!p2 [hbm4b:s0+s21], $0x40, s5, s21, $0xb8;
	[tilespmem:$0x1DE70] =	vst v63  }
0xb6: {  	s5 =	simm.s32 @!p1 $0x9  }
0xb7: {  	_ =	swait.ge @!p1 [sflag:s5], $0x1400  }
0xb8: {  	[sflag:s5] =	ssyncset.done @!p1 $0x0  }
0xb9: {  	s10 =	simm.s32 @!p1 $0xEE20;
	[sflag:s5] =	ssyncadd.s32 @!p1 $0xFFFFEC00;
	s5 =	sadd.s32 @!p1 $0x2990, s17  }
0xba: {  	[spmem:s3] =	stream.indirect.scatter.add.f32 @!p1 [tilespmem:s10], [sflag:$0xB], $0x40, s5, s16, $0xb8;
	[tilespmem:$0x1DE70] =	vst v63  }
0xbb: {  	_ =	swait.ge @!p1 [sflag:s18], $0x1400  }
0xbc: {  	[sflag:s18] =	ssyncset.done @!p1 $0x0  }
0xbd: {  	[sflag:s18] =	ssyncadd.s32 @!p1 $0xFFFFEC00  }
0xbe: {  	[spmem:s4] =	stream.indirect.scatter.add.f32 @!p1 [tilespmem:s19], [sflag:$0xB], $0x10, s5, s16, $0xb8;
	[tilespmem:$0x1DE70] =	vst v63  }
0xbf: {  	_ =	swait.ge @!p1 [sflag:s18], $0x500  }
0xc0: {  	[sflag:s18] =	ssyncset.done @!p1 $0x0  }
0xc1: {  	s10 =	simm.s32 @!p2 $0xEE20;
	s5 =	sadd.s32 @!p2 $0x5A0, s20;
	[sflag:s18] =	ssyncadd.s32 @!p1 $0xFFFFFB00  }
0xc2: {  	[tilespmem:s10], [sflag:$0x9] =	stream.indirect.gather @!p2 [hbm4b:s0+s21], $0x40, s5, s21, $0xb8;
	[tilespmem:$0x1DE70] =	vst v63  }
0xc3: {  	s5 =	simm.s32 @!p1 $0xA  }
0xc4: {  	_ =	swait.ge @!p1 [sflag:s5], $0x1400  }
0xc5: {  	[sflag:s5] =	ssyncset.done @!p1 $0x0  }
0xc6: {  	s10 =	simm.s32 @!p1 $0x10220;
	[sflag:s5] =	ssyncadd.s32 @!p1 $0xFFFFEC00;
	s5 =	sadd.s32 @!p1 $0x29E0, s17  }
0xc7: {  	[spmem:s3] =	stream.indirect.scatter.add.f32 @!p1 [tilespmem:s10], [sflag:$0xB], $0x40, s5, s16, $0xb8;
	[tilespmem:$0x1DE70] =	vst v63  }
0xc8: {  	_ =	swait.ge @!p1 [sflag:s18], $0x1400  }
0xc9: {  	[sflag:s18] =	ssyncset.done @!p1 $0x0  }
0xca: {  	[sflag:s18] =	ssyncadd.s32 @!p1 $0xFFFFEC00  }
0xcb: {  	[spmem:s4] =	stream.indirect.scatter.add.f32 @!p1 [tilespmem:s19], [sflag:$0xB], $0x10, s5, s16, $0xb8;
	[tilespmem:$0x1DE70] =	vst v63  }
0xcc: {  	_ =	swait.ge @!p1 [sflag:s18], $0x500  }
0xcd: {  	s14 =	sadd.s32 @!p1 $0xC80, s14;
	[sflag:s18] =	ssyncset.done @!p1 $0x0  }
0xce: {  	s10 =	simm.s32 @!p2 $0x10220;
	s5 =	sadd.s32 @!p2 $0x5F0, s20;
	[sflag:s18] =	ssyncadd.s32 @!p1 $0xFFFFFB00  }
0xcf: {  	[tilespmem:s10], [sflag:$0xA] =	stream.indirect.gather @!p2 [hbm4b:s0+s21], $0x40, s5, s21, $0xb8;
	[tilespmem:$0x1DE70] =	vst v63  }
0xd0: {  	p2 =	sne.s32 @!p1 s14, $0xA280  }
0xd1: {  	p2 =	por p1, !p2  }
.Ltmp0:
0xd2: {  	_ = 	snop;
	(pc) =	sbr.rel @!p2 .LBB2_2-.Ltmp0, $2  }
0xd3: {  	_ =	sdelay $0x2  }
0xd4: {  	s15 =	sadd.s32 @!p1 $0x1, s15  }
0xd5: {  	[bflag:$0x0] =	sbarrier.arrive $0xFFFF  }
0xd6: {  	s5 =	rddreg [dreg:$0x11]  }
0xd7: {  	s10 =	rddreg [dreg:$0x16]  }
0xd8: {  	[hbm:s5], [sflag:s9] =	dma.local [spmem:s10], $0x1380  }
0xd9: {  	_ =	swait.ge [sflag:s22], $0x1380  }
0xda: {  	[sflag:s22] =	ssyncset.done $0x0  }
0xdb: {  	s20 =	rddreg [dreg:$0x12];
	[sflag:s22] =	ssyncadd.s32 $0xFFFFEC80  }
0xdc: {  	[hbm:s20], [sflag:s9] =	dma.local [spmem:s11], $0x4E0  }
0xdd: {  	_ =	swait.ge [sflag:s22], $0x4E0  }
0xde: {  	[sflag:s22] =	ssyncset.done $0x0  }
0xdf: {  	s5 =	rddreg [dreg:$0x13];
	[sflag:s22] =	ssyncadd.s32 $0xFFFFFB20  }
0xe0: {  	[hbm:s5], [sflag:s9] =	dma.local @!p0 [spmem:s12], $0x80  }
0xe1: {  	s5 =	simm.s32 @!p0 $0xB  }
0xe2: {  	_ =	swait.ge @!p0 [sflag:s5], $0x80  }
0xe3: {  	[sflag:s5] =	ssyncset.done @!p0 $0x0  }
0xe4: {  	s10 =	rddreg [dreg:$0x14];
	[sflag:s5] =	ssyncadd.s32 @!p0 $0xFFFFFF80  }
0xe5: {  	[hbm:s10], [sflag:s9] =	dma.local @!p0 [spmem:s13], $0x20  }
0xe6: {  	_ =	swait.ge @!p0 [sflag:s5], $0x20  }
0xe7: {  	s8 =	sadd.s32 $0x1, s8;
	s21 =	rddreg [dreg:$0x15]  }
0xe8: {  	p1 =	sne.s32 s8, s21  }
.Ltmp1:
0xe9: {  	_ = 	snop;
	(pc) =	sbr.rel @p1 .LBB2_1-.Ltmp1, $3  }
0xea: {  	_ =	sdelay $0x1  }
0xeb: {  	[sflag:s5] =	ssyncset.done @!p0 $0x0  }
0xec: {  	[sflag:s5] =	ssyncadd.s32 @!p0 $0xFFFFFFE0  }
0xed: {  	_ =	sfence.sel $0x180000  }
0xee: {  	[bflag:$0x0] =	sbarrier.arrive $0xFFFF  }
0xef: {  	_ =	strace $0x90000047  }
0xf0: {  	s0 =	stileid.u32;
	[bflag:$0x2] =	sbarrier.arrive $0xFFFF  }
0xf1: {  	p0 =	sne.s32 s0, $0x0;
	s0 =	rddreg [dreg:$0x5]  }
0xf2: {  	s0 =	sadd.s32 @!p0 $0x100000, s0  }
0xf3: {  	[sflag:s0] =	ssyncadd.tile.s32 @!p0 $0x1;
	_ =	shalt  }
.Lfunc_end2:
_tile_overlayer_lowered:
.L_overlay_start_2:
0xf4: {  	(tag) =	ssettag $0x2  }
0xf5: {  	s0 =	rddreg [dreg:$0x0];
	s2 =	stileid.u32  }
0xf6: {  	s1 =	rddreg [dreg:$0x1];
	p0 =	sne.s32 s2, $0x0  }
0xf7: {  	s3 =	rddreg [dreg:$0x2];
	[bflag:$0x3] =	sbarrier.arrive $0xFFFF;
	s2 =	simm.s32 @!p0 $0x1C0B  }
0xf8: {  	[timem:s3], [sflag:s2] =	dma.local @!p0 [hbm:s0], s1  }
0xf9: {  	s0 =	simm.s32 @!p0 $0xB  }
0xfa: {  	_ =	swait.ge @!p0 [sflag:s0], s1  }
0xfb: {  	s1 =	ssub.s32 @!p0 $0x0, s1;
	[sflag:s0] =	ssyncset.done @!p0 $0x0  }
0xfc: {  	[sflag:s0] =	ssyncadd.s32 @!p0 s1  }
0xfd: {  	[bflag:$0x3] =	sbarrier.arrive $0xFFFF  }
0xfe: {  	_ =	shalt  }

</sc_bundles>
